<compile_context>
chip_gen: v7x
topology: tpu7x:2x2x1
jax: 0.10.2.dev20260603
libtpu: 0.0.44.dev20260713+nightly
codegen_flags: <defaults>
</compile_context>

<pallas_src>
import jax
import jax.numpy as jnp
from jax import lax
from jax.experimental import pallas as pl
from jax.experimental.pallas import tpu as pltpu
from jax.experimental.pallas import tpu_sc as plsc

NUM_CORES = 2
NUM_SUBCORES = 16
LANES = 16
NUM_WORKERS = NUM_CORES * NUM_SUBCORES

CHUNK = 8
NBUF = 3


def _body(x_hbm, spans_hbm, pe_hbm, out_hbm, idx_v, *scratch):
    x_bufs = scratch[:NBUF]
    pe_bufs = scratch[NBUF:2 * NBUF]
    gsems = scratch[2 * NBUF:3 * NBUF]
    xsems = scratch[3 * NBUF:4 * NBUF]
    osems = scratch[4 * NBUF:5 * NBUF]

    batch, seq, hidden = x_hbm.shape
    rows_per_w = (batch * seq) // NUM_WORKERS
    n_chunks = rows_per_w // CHUNK
    w_per_batch = seq // rows_per_w

    wid = lax.axis_index("s") * NUM_CORES + lax.axis_index("c")
    b_ix = wid // w_per_batch
    base = (wid % w_per_batch) * rows_per_w
    pe2 = pe_hbm.at[0]

    def idx_slice(ci):
        return idx_v.at[pl.ds(pl.multiple_of(ci * CHUNK, CHUNK), CHUNK)]

    def row_slice(hbm, ci):
        return hbm.at[b_ix, pl.ds(base + ci * CHUNK, CHUNK)]

    def drain(dst, sem):
        pltpu.make_async_copy(x_hbm.at[0, pl.ds(0, CHUNK)], dst, sem).wait()

    pltpu.sync_copy(spans_hbm.at[b_ix, pl.ds(base, rows_per_w)], idx_v)

    for s in range(NBUF):
        pltpu.async_copy(pe2.at[idx_slice(s)], pe_bufs[s], gsems[s])
    for s in range(NBUF - 1):
        pltpu.async_copy(row_slice(x_hbm, s), x_bufs[s], xsems[s])

    n_groups = (n_chunks + NBUF) // NBUF

    def group_body(g, carry):
        for b in range(NBUF):
            ci = g * NBUF + b

            @pl.when(ci < n_chunks)
            def _():
                drain(pe_bufs[b], gsems[b])
                drain(x_bufs[b], xsems[b])
                x_b, pe_b = x_bufs[b], pe_bufs[b]
                for r in range(CHUNK):
                    @plsc.parallel_loop(0, hidden, step=LANES, unroll=16)
                    def _(i):
                        seg = pl.ds(pl.multiple_of(i, LANES), LANES)
                        plsc.addupdate(x_b.at[r, seg], pe_b[r, seg])
                pltpu.async_copy(x_b, row_slice(out_hbm, ci), osems[b])
                @pl.when(ci + NBUF < n_chunks)
                def _():
                    pltpu.async_copy(
                        pe2.at[idx_slice(ci + NBUF)], pe_b, gsems[b])

            d = (b + 2) % NBUF

            @pl.when(jnp.logical_and(ci >= 1, ci - 1 < n_chunks))
            def _():
                drain(x_bufs[d], osems[d])

            @pl.when(ci + 2 < n_chunks)
            def _():
                pltpu.async_copy(
                    row_slice(x_hbm, ci + 2), x_bufs[d], xsems[d])
        return carry

    lax.fori_loop(0, n_groups, group_body, 0)


def kernel(x, spans, pe):
    batch, seq, hidden = x.shape
    rows_per_w = (batch * seq) // NUM_WORKERS
    mesh = plsc.VectorSubcoreMesh(
        core_axis_name="c", subcore_axis_name="s",
        num_cores=NUM_CORES, num_subcores=NUM_SUBCORES)
    return pl.kernel(
        _body,
        out_type=jax.ShapeDtypeStruct((batch, seq, hidden), jnp.float32),
        mesh=mesh,
        scratch_types=(
            [pltpu.VMEM((rows_per_w,), jnp.int32)]
            + [pltpu.VMEM((CHUNK, hidden), jnp.float32)] * (2 * NBUF)
            + [pltpu.SemaphoreType.DMA] * (3 * NBUF)
        ),
    )(x, spans.astype(jnp.int32), pe)

# --- scband reference (transcript-rebuilt; emitter-appended) ---
"""Pipeline reference for scband-positional-encoding-48387101557015 (READ-ONLY COPY).

The authoritative reference and input builder live on the scoring server;
editing this copy changes nothing except your own understanding.
"""

import jax, jax.numpy as jnp
import numpy as np
import math

HIDDEN_DIM = 2048
MAX_LEN = 5000


def make_pe(hidden_dim, max_len):
    position = jnp.arange(0, max_len, dtype=jnp.float32)[:, None]
    div_term = jnp.exp(jnp.arange(0, hidden_dim, 2, dtype=jnp.float32) * (-(math.log(10000.0) / hidden_dim)))
    angles = position * div_term
    pe = jnp.zeros((max_len, hidden_dim), dtype=jnp.float32)
    pe = pe.at[:, 0::2].set(jnp.sin(angles))
    if hidden_dim % 2 != 0:
        pe = pe.at[:, 1::2].set(jnp.cos(angles)[:, :-1])
    else:
        pe = pe.at[:, 1::2].set(jnp.cos(angles))
    pe = jnp.concatenate([pe, jnp.zeros((1, hidden_dim), dtype=jnp.float32)], axis=0)
    pe = pe[None, :, :]  # (1, max_len+1, hidden_dim)
    return pe


def setup_inputs(seed: int = 0) -> dict:
    key = jax.random.key(seed)
    k1, k2 = jax.random.split(key)
    x = jax.random.normal(k1, (4, 4096, HIDDEN_DIM), dtype=jnp.float32)
    spans = jax.random.randint(k2, (4, 4096), 0, MAX_LEN, dtype=jnp.int64) if jax.config.jax_enable_x64 else jax.random.randint(k2, (4, 4096), 0, MAX_LEN, dtype=jnp.int32)
    pe = make_pe(HIDDEN_DIM, MAX_LEN)
    return {"x": x, "spans": spans, "pe": pe}


def reference(x, spans, pe):
    # x: (B, L, H); spans: (B, L) int; pe: (1, max_len+1, H) non-trainable buffer
    gathered = pe[:, spans]          # (1, B, L, H) via gather on position axis
    out = x + gathered               # broadcast add -> (1, B, L, H)
    out = jnp.squeeze(out, axis=0)   # (B, L, H)
    return out

if __name__ == "__main__":
    import jax
    _d = setup_inputs()
    print(jax.jit(kernel)(*tuple(_d.values())))

</pallas_src>

<mosaic_0001>
#map = affine_map<(d0, d1) -> (0, 0, 0)>
#map1 = affine_map<(d0, d1) -> (0, 0)>
module attributes {stable_mosaic.version = 14 : i64} {
  func.func @_body(%arg0: i32, %arg1: i32, %arg2: memref<4x4096x2048xf32, #tpu.memory_space<hbm>>, %arg3: memref<4x4096xi32, #tpu.memory_space<hbm>>, %arg4: memref<1x5001x2048xf32, #tpu.memory_space<hbm>>, %arg5: memref<4x4096x2048xf32, #tpu.memory_space<hbm>>, %arg6: memref<512xi32, #tpu.memory_space<vmem>>, %arg7: memref<8x2048xf32, #tpu.memory_space<vmem>>, %arg8: memref<8x2048xf32, #tpu.memory_space<vmem>>, %arg9: memref<8x2048xf32, #tpu.memory_space<vmem>>, %arg10: memref<8x2048xf32, #tpu.memory_space<vmem>>, %arg11: memref<8x2048xf32, #tpu.memory_space<vmem>>, %arg12: memref<8x2048xf32, #tpu.memory_space<vmem>>, %arg13: memref<!tpu.dma_semaphore, #tpu.memory_space<semaphore_mem>>, %arg14: memref<!tpu.dma_semaphore, #tpu.memory_space<semaphore_mem>>, %arg15: memref<!tpu.dma_semaphore, #tpu.memory_space<semaphore_mem>>, %arg16: memref<!tpu.dma_semaphore, #tpu.memory_space<semaphore_mem>>, %arg17: memref<!tpu.dma_semaphore, #tpu.memory_space<semaphore_mem>>, %arg18: memref<!tpu.dma_semaphore, #tpu.memory_space<semaphore_mem>>, %arg19: memref<!tpu.dma_semaphore, #tpu.memory_space<semaphore_mem>>, %arg20: memref<!tpu.dma_semaphore, #tpu.memory_space<semaphore_mem>>, %arg21: memref<!tpu.dma_semaphore, #tpu.memory_space<semaphore_mem>>) attributes {dimension_semantics = [#tpu.dimension_semantics<core_parallel>, #tpu.dimension_semantics<subcore_parallel>], iteration_bounds = array<i64: 2, 16>, scalar_prefetch = 0 : i64, scratch_operands = 16 : i64, tpu.core_type = #tpu.core_type<sc_vector_subcore>, window_params = [{transform_indices = #map}, {transform_indices = #map1}, {transform_indices = #map}, {transform_indices = #map}]} {
    %mul3A = arith.constant 2 : i32
    %mul3A_0 = arith.muli %arg1, %mul3A : i32
    %add3A = arith.addi %mul3A_0, %arg0 : i32
    %jit3A = arith.constant 8 : i32
    %div3A = arith.divsi %add3A, %jit3A : i32
    %sign3A = arith.constant 0 : i32
    %sign3A_1 = arith.cmpi sgt, %add3A, %sign3A : i32
    %sign3A_2 = arith.extui %sign3A_1 : i1 to i32
    %sign3A_3 = arith.constant 0 : i32
    %sign3A_4 = arith.cmpi slt, %add3A, %sign3A_3 : i32
    %sign3A_5 = arith.extui %sign3A_4 : i1 to i32
    %sign3A_6 = arith.subi %sign3A_2, %sign3A_5 : i32
    %sign3A_7 = arith.constant 0 : i32
    %sign3A_8 = arith.cmpi sgt, %jit3A, %sign3A_7 : i32
    %sign3A_9 = arith.extui %sign3A_8 : i1 to i32
    %sign3A_10 = arith.constant 0 : i32
    %sign3A_11 = arith.cmpi slt, %jit3A, %sign3A_10 : i32
    %sign3A_12 = arith.extui %sign3A_11 : i1 to i32
    %sign3A_13 = arith.subi %sign3A_9, %sign3A_12 : i32
    %ne3A = arith.cmpi ne, %sign3A_6, %sign3A_13 : i32
    %rem3A = arith.remsi %add3A, %jit3A : i32
    %ne3A_14 = arith.constant 0 : i32
    %ne3A_15 = arith.cmpi ne, %rem3A, %ne3A_14 : i32
    %and3A = arith.andi %ne3A, %ne3A_15 : i1
    %sub3A = arith.constant 1 : i32
    %sub3A_16 = arith.subi %div3A, %sub3A : i32
    %select_n3A = arith.select %and3A, %sub3A_16, %div3A : i32
    %jit3A_17 = arith.constant 8 : i32
    %eq3A = arith.constant 0 : i32
    %eq3A_18 = arith.cmpi eq, %jit3A_17, %eq3A : i32
    %jit3A_19 = arith.constant 1 : i32
    %select_n3A_20 = arith.select %eq3A_18, %jit3A_19, %jit3A_17 : i32
    %rem3A_21 = arith.remsi %add3A, %select_n3A_20 : i32
    %ne3A_22 = arith.constant 0 : i32
    %ne3A_23 = arith.cmpi ne, %rem3A_21, %ne3A_22 : i32
    %lt3A = arith.constant 0 : i32
    %lt3A_24 = arith.cmpi slt, %rem3A_21, %lt3A : i32
    %lt3A_25 = arith.constant 0 : i32
    %lt3A_26 = arith.cmpi slt, %select_n3A_20, %lt3A_25 : i32
    %ne3A_27 = arith.xori %lt3A_24, %lt3A_26 : i1
    %and3A_28 = arith.andi %ne3A_27, %ne3A_23 : i1
    %add3A_29 = arith.addi %rem3A_21, %select_n3A_20 : i32
    %select_n3A_30 = arith.select %and3A_28, %add3A_29, %rem3A_21 : i32
    %mul3A_31 = arith.constant 512 : i32
    %mul3A_32 = arith.muli %select_n3A_30, %mul3A_31 : i32
    "tpu.region"() ({
      %run_scoped3A = tpu.sem_alloc : memref<!tpu.dma_semaphore, #tpu.memory_space<semaphore_mem>>
      %dma_start3A_86 = tpu.memref_slice %arg3[%select_n3A, %mul3A_32] : memref<4x4096xi32, #tpu.memory_space<hbm>> -> memref<1x512xi32, #tpu.memory_space<hbm>>
      %dma_start3A_87 = tpu.memref_squeeze %dma_start3A_86 : memref<1x512xi32, #tpu.memory_space<hbm>> -> memref<512xi32, #tpu.memory_space<hbm>>
      %dma_start3A_88 = tpu.memref_slice %arg3[%select_n3A, %mul3A_32] : memref<4x4096xi32, #tpu.memory_space<hbm>> -> memref<1x512xi32, #tpu.memory_space<hbm>>
      %dma_start3A_89 = tpu.memref_squeeze %dma_start3A_88 : memref<1x512xi32, #tpu.memory_space<hbm>> -> memref<512xi32, #tpu.memory_space<hbm>>
      tpu.enqueue_dma source(%dma_start3A_89 : memref<512xi32, #tpu.memory_space<hbm>>) target(%arg6 : memref<512xi32, #tpu.memory_space<vmem>>) target_semaphore(%run_scoped3A : memref<!tpu.dma_semaphore, #tpu.memory_space<semaphore_mem>>)
      %dma_wait3A = tpu.memref_slice %arg3[%select_n3A, %mul3A_32] : memref<4x4096xi32, #tpu.memory_space<hbm>> -> memref<1x512xi32, #tpu.memory_space<hbm>>
      %dma_wait3A_90 = tpu.memref_squeeze %dma_wait3A : memref<1x512xi32, #tpu.memory_space<hbm>> -> memref<512xi32, #tpu.memory_space<hbm>>
      %dma_wait3A_91 = tpu.memref_slice %arg3[%select_n3A, %mul3A_32] : memref<4x4096xi32, #tpu.memory_space<hbm>> -> memref<1x512xi32, #tpu.memory_space<hbm>>
      %dma_wait3A_92 = tpu.memref_squeeze %dma_wait3A_91 : memref<1x512xi32, #tpu.memory_space<hbm>> -> memref<512xi32, #tpu.memory_space<hbm>>
      tpu.wait_dma2 semaphore(%run_scoped3A : memref<!tpu.dma_semaphore, #tpu.memory_space<semaphore_mem>>) src(%dma_wait3A_92 : memref<512xi32, #tpu.memory_space<hbm>>) dst(%arg6 : memref<512xi32, #tpu.memory_space<vmem>>)
      tpu.yield
    }) : () -> ()
    %multiple_of3A = arith.constant 0 : i32
    %multiple_of3A_33 = tpu.assume_multiple %multiple_of3A, 8 : i32
    %dma_start3A = arith.constant 0 : i32
    %dma_start3A_34 = tpu.memref_slice %arg6[%multiple_of3A_33] : memref<512xi32, #tpu.memory_space<vmem>> -> memref<8xi32, #tpu.memory_space<vmem>>
    %dma_start3A_35 = arith.constant 0 : i32
    %dma_start3A_36 = arith.constant 0 : i32
    %dma_start3A_37 = tpu.memref_slice %arg4[%dma_start3A, %dma_start3A_35, %dma_start3A_36] : memref<1x5001x2048xf32, #tpu.memory_space<hbm>> -> memref<1x5001x2048xf32, #tpu.memory_space<hbm>>
    %dma_start3A_38 = tpu.memref_squeeze %dma_start3A_37 : memref<1x5001x2048xf32, #tpu.memory_space<hbm>> -> memref<5001x2048xf32, #tpu.memory_space<hbm>>
    %dma_start3A_39 = arith.constant 0 : i32
    %dma_start3A_40 = arith.constant 0 : i32
    %dma_start3A_41 = tpu.memref_slice %dma_start3A_38[%dma_start3A_39, %dma_start3A_40] : memref<5001x2048xf32, #tpu.memory_space<hbm>> -> memref<5001x2048xf32, #tpu.memory_space<hbm>>
    tpu.enqueue_indirect_dma source(%dma_start3A_41 : memref<5001x2048xf32, #tpu.memory_space<hbm>>) target(%arg10 : memref<8x2048xf32, #tpu.memory_space<vmem>>) offsets(%dma_start3A_34 : memref<8xi32, #tpu.memory_space<vmem>>) semaphore(%arg13 : memref<!tpu.dma_semaphore, #tpu.memory_space<semaphore_mem>>)
    %multiple_of3A_42 = arith.constant 8 : i32
    %multiple_of3A_43 = tpu.assume_multiple %multiple_of3A_42, 8 : i32
    %dma_start3A_44 = arith.constant 0 : i32
    %dma_start3A_45 = tpu.memref_slice %arg6[%multiple_of3A_43] : memref<512xi32, #tpu.memory_space<vmem>> -> memref<8xi32, #tpu.memory_space<vmem>>
    %dma_start3A_46 = arith.constant 0 : i32
    %dma_start3A_47 = arith.constant 0 : i32
    %dma_start3A_48 = tpu.memref_slice %arg4[%dma_start3A_44, %dma_start3A_46, %dma_start3A_47] : memref<1x5001x2048xf32, #tpu.memory_space<hbm>> -> memref<1x5001x2048xf32, #tpu.memory_space<hbm>>
    %dma_start3A_49 = tpu.memref_squeeze %dma_start3A_48 : memref<1x5001x2048xf32, #tpu.memory_space<hbm>> -> memref<5001x2048xf32, #tpu.memory_space<hbm>>
    %dma_start3A_50 = arith.constant 0 : i32
    %dma_start3A_51 = arith.constant 0 : i32
    %dma_start3A_52 = tpu.memref_slice %dma_start3A_49[%dma_start3A_50, %dma_start3A_51] : memref<5001x2048xf32, #tpu.memory_space<hbm>> -> memref<5001x2048xf32, #tpu.memory_space<hbm>>
    tpu.enqueue_indirect_dma source(%dma_start3A_52 : memref<5001x2048xf32, #tpu.memory_space<hbm>>) target(%arg11 : memref<8x2048xf32, #tpu.memory_space<vmem>>) offsets(%dma_start3A_45 : memref<8xi32, #tpu.memory_space<vmem>>) semaphore(%arg14 : memref<!tpu.dma_semaphore, #tpu.memory_space<semaphore_mem>>)
    %multiple_of3A_53 = arith.constant 16 : i32
    %multiple_of3A_54 = tpu.assume_multiple %multiple_of3A_53, 8 : i32
    %dma_start3A_55 = arith.constant 0 : i32
    %dma_start3A_56 = tpu.memref_slice %arg6[%multiple_of3A_54] : memref<512xi32, #tpu.memory_space<vmem>> -> memref<8xi32, #tpu.memory_space<vmem>>
    %dma_start3A_57 = arith.constant 0 : i32
    %dma_start3A_58 = arith.constant 0 : i32
    %dma_start3A_59 = tpu.memref_slice %arg4[%dma_start3A_55, %dma_start3A_57, %dma_start3A_58] : memref<1x5001x2048xf32, #tpu.memory_space<hbm>> -> memref<1x5001x2048xf32, #tpu.memory_space<hbm>>
    %dma_start3A_60 = tpu.memref_squeeze %dma_start3A_59 : memref<1x5001x2048xf32, #tpu.memory_space<hbm>> -> memref<5001x2048xf32, #tpu.memory_space<hbm>>
    %dma_start3A_61 = arith.constant 0 : i32
    %dma_start3A_62 = arith.constant 0 : i32
    %dma_start3A_63 = tpu.memref_slice %dma_start3A_60[%dma_start3A_61, %dma_start3A_62] : memref<5001x2048xf32, #tpu.memory_space<hbm>> -> memref<5001x2048xf32, #tpu.memory_space<hbm>>
    tpu.enqueue_indirect_dma source(%dma_start3A_63 : memref<5001x2048xf32, #tpu.memory_space<hbm>>) target(%arg12 : memref<8x2048xf32, #tpu.memory_space<vmem>>) offsets(%dma_start3A_56 : memref<8xi32, #tpu.memory_space<vmem>>) semaphore(%arg15 : memref<!tpu.dma_semaphore, #tpu.memory_space<semaphore_mem>>)
    %add3A_64 = arith.constant 0 : i32
    %add3A_65 = arith.addi %mul3A_32, %add3A_64 : i32
    %dma_start3A_66 = arith.constant 0 : i32
    %dma_start3A_67 = tpu.memref_slice %arg2[%select_n3A, %add3A_65, %dma_start3A_66] : memref<4x4096x2048xf32, #tpu.memory_space<hbm>> -> memref<1x8x2048xf32, #tpu.memory_space<hbm>>
    %dma_start3A_68 = tpu.memref_squeeze %dma_start3A_67 : memref<1x8x2048xf32, #tpu.memory_space<hbm>> -> memref<8x2048xf32, #tpu.memory_space<hbm>>
    %dma_start3A_69 = arith.constant 0 : i32
    %dma_start3A_70 = tpu.memref_slice %arg2[%select_n3A, %add3A_65, %dma_start3A_69] : memref<4x4096x2048xf32, #tpu.memory_space<hbm>> -> memref<1x8x2048xf32, #tpu.memory_space<hbm>>
    %dma_start3A_71 = tpu.memref_squeeze %dma_start3A_70 : memref<1x8x2048xf32, #tpu.memory_space<hbm>> -> memref<8x2048xf32, #tpu.memory_space<hbm>>
    tpu.enqueue_dma source(%dma_start3A_71 : memref<8x2048xf32, #tpu.memory_space<hbm>>) target(%arg7 : memref<8x2048xf32, #tpu.memory_space<vmem>>) target_semaphore(%arg16 : memref<!tpu.dma_semaphore, #tpu.memory_space<semaphore_mem>>)
    %add3A_72 = arith.constant 8 : i32
    %add3A_73 = arith.addi %mul3A_32, %add3A_72 : i32
    %dma_start3A_74 = arith.constant 0 : i32
    %dma_start3A_75 = tpu.memref_slice %arg2[%select_n3A, %add3A_73, %dma_start3A_74] : memref<4x4096x2048xf32, #tpu.memory_space<hbm>> -> memref<1x8x2048xf32, #tpu.memory_space<hbm>>
    %dma_start3A_76 = tpu.memref_squeeze %dma_start3A_75 : memref<1x8x2048xf32, #tpu.memory_space<hbm>> -> memref<8x2048xf32, #tpu.memory_space<hbm>>
    %dma_start3A_77 = arith.constant 0 : i32
    %dma_start3A_78 = tpu.memref_slice %arg2[%select_n3A, %add3A_73, %dma_start3A_77] : memref<4x4096x2048xf32, #tpu.memory_space<hbm>> -> memref<1x8x2048xf32, #tpu.memory_space<hbm>>
    %dma_start3A_79 = tpu.memref_squeeze %dma_start3A_78 : memref<1x8x2048xf32, #tpu.memory_space<hbm>> -> memref<8x2048xf32, #tpu.memory_space<hbm>>
    tpu.enqueue_dma source(%dma_start3A_79 : memref<8x2048xf32, #tpu.memory_space<hbm>>) target(%arg8 : memref<8x2048xf32, #tpu.memory_space<vmem>>) target_semaphore(%arg17 : memref<!tpu.dma_semaphore, #tpu.memory_space<semaphore_mem>>)
    %scan3A = arith.constant 0 : i32
    %scan3A_80 = arith.constant 0 : i32
    %scan3A_81 = arith.constant 0 : i32
    %scan3A_82 = arith.constant 22 : i32
    %scan3A_83 = arith.addi %scan3A_81, %scan3A_82 : i32
    %scan3A_84 = arith.constant 1 : i32
    scf.for %scan3A_86 = %scan3A_81 to %scan3A_83 step %scan3A_84  : i32 {
      %mul3A_87 = arith.constant 3 : i32
      %mul3A_88 = arith.muli %scan3A_86, %mul3A_87 : i32
      %add3A_89 = arith.constant 0 : i32
      %add3A_90 = arith.addi %mul3A_88, %add3A_89 : i32
      %lt3A_91 = arith.constant 64 : i32
      %lt3A_92 = arith.cmpi slt, %add3A_90, %lt3A_91 : i32
      %convert_element_type3A = arith.extui %lt3A_92 : i1 to i32
      %cond3A = arith.constant 0 : i32
      %cond3A_93 = arith.cmpi ne, %convert_element_type3A, %cond3A : i32
      scf.if %cond3A_93 {
        %dma_wait3A = arith.constant 0 : i32
        %dma_wait3A_162 = arith.constant 0 : i32
        %dma_wait3A_163 = arith.constant 0 : i32
        %dma_wait3A_164 = tpu.memref_slice %arg2[%dma_wait3A, %dma_wait3A_162, %dma_wait3A_163] : memref<4x4096x2048xf32, #tpu.memory_space<hbm>> -> memref<1x8x2048xf32, #tpu.memory_space<hbm>>
        %dma_wait3A_165 = tpu.memref_squeeze %dma_wait3A_164 : memref<1x8x2048xf32, #tpu.memory_space<hbm>> -> memref<8x2048xf32, #tpu.memory_space<hbm>>
        %dma_wait3A_166 = arith.constant 0 : i32
        %dma_wait3A_167 = arith.constant 0 : i32
        %dma_wait3A_168 = tpu.memref_slice %arg2[%dma_wait3A, %dma_wait3A_166, %dma_wait3A_167] : memref<4x4096x2048xf32, #tpu.memory_space<hbm>> -> memref<1x8x2048xf32, #tpu.memory_space<hbm>>
        %dma_wait3A_169 = tpu.memref_squeeze %dma_wait3A_168 : memref<1x8x2048xf32, #tpu.memory_space<hbm>> -> memref<8x2048xf32, #tpu.memory_space<hbm>>
        tpu.wait_dma2 semaphore(%arg13 : memref<!tpu.dma_semaphore, #tpu.memory_space<semaphore_mem>>) src(%dma_wait3A_169 : memref<8x2048xf32, #tpu.memory_space<hbm>>) dst(%arg10 : memref<8x2048xf32, #tpu.memory_space<vmem>>)
        %dma_wait3A_170 = arith.constant 0 : i32
        %dma_wait3A_171 = arith.constant 0 : i32
        %dma_wait3A_172 = arith.constant 0 : i32
        %dma_wait3A_173 = tpu.memref_slice %arg2[%dma_wait3A_170, %dma_wait3A_171, %dma_wait3A_172] : memref<4x4096x2048xf32, #tpu.memory_space<hbm>> -> memref<1x8x2048xf32, #tpu.memory_space<hbm>>
        %dma_wait3A_174 = tpu.memref_squeeze %dma_wait3A_173 : memref<1x8x2048xf32, #tpu.memory_space<hbm>> -> memref<8x2048xf32, #tpu.memory_space<hbm>>
        %dma_wait3A_175 = arith.constant 0 : i32
        %dma_wait3A_176 = arith.constant 0 : i32
        %dma_wait3A_177 = tpu.memref_slice %arg2[%dma_wait3A_170, %dma_wait3A_175, %dma_wait3A_176] : memref<4x4096x2048xf32, #tpu.memory_space<hbm>> -> memref<1x8x2048xf32, #tpu.memory_space<hbm>>
        %dma_wait3A_178 = tpu.memref_squeeze %dma_wait3A_177 : memref<1x8x2048xf32, #tpu.memory_space<hbm>> -> memref<8x2048xf32, #tpu.memory_space<hbm>>
        tpu.wait_dma2 semaphore(%arg16 : memref<!tpu.dma_semaphore, #tpu.memory_space<semaphore_mem>>) src(%dma_wait3A_178 : memref<8x2048xf32, #tpu.memory_space<hbm>>) dst(%arg7 : memref<8x2048xf32, #tpu.memory_space<vmem>>)
        %parallel_loop3A = arith.constant 0 : i32
        %parallel_loop3A_179 = arith.constant 2048 : i32
        %parallel_loop3A_180 = arith.constant 16 : i32
        scf.for %parallel_loop3A_218 = %parallel_loop3A to %parallel_loop3A_179 step %parallel_loop3A_180  : i32 {
          %parallel_loop3A_219 = tpu.assume_multiple %parallel_loop3A_218, 16 : i32
          %parallel_loop3A_220 = arith.constant 0 : i32
          %parallel_loop3A_221 = arith.index_cast %parallel_loop3A_220 : i32 to index
          %parallel_loop3A_222 = arith.index_cast %parallel_loop3A_219 : i32 to index
          %parallel_loop3A_223 = tpu.vector_load %arg10[%parallel_loop3A_221, %parallel_loop3A_222] {strides = array<i32>} : memref<8x2048xf32, #tpu.memory_space<vmem>>, vector<1x16xf32>,
          %parallel_loop3A_224 = vector.shape_cast %parallel_loop3A_223 : vector<1x16xf32> to vector<16xf32>
          %parallel_loop3A_225 = arith.constant 0 : i32
          %parallel_loop3A_226 = arith.index_cast %parallel_loop3A_225 : i32 to index
          %parallel_loop3A_227 = arith.index_cast %parallel_loop3A_219 : i32 to index
          %parallel_loop3A_228 = tpu.vector_load %arg7[%parallel_loop3A_226, %parallel_loop3A_227] {strides = array<i32>} : memref<8x2048xf32, #tpu.memory_space<vmem>>, vector<1x16xf32>,
          %parallel_loop3A_229 = vector.shape_cast %parallel_loop3A_228 : vector<1x16xf32> to vector<16xf32>
          %parallel_loop3A_230 = vector.shape_cast %parallel_loop3A_224 : vector<16xf32> to vector<1x16xf32>
          tpu.vector_store %arg7[%parallel_loop3A_226, %parallel_loop3A_227], %parallel_loop3A_230 {add = true, strides = array<i32>} : memref<8x2048xf32, #tpu.memory_space<vmem>>, vector<1x16xf32>,
        } {sc.loop_unroll_factor = 16 : i64, sc.parallel_access}
        %parallel_loop3A_181 = arith.constant 0 : i32
        %parallel_loop3A_182 = arith.constant 2048 : i32
        %parallel_loop3A_183 = arith.constant 16 : i32
        scf.for %parallel_loop3A_218 = %parallel_loop3A_181 to %parallel_loop3A_182 step %parallel_loop3A_183  : i32 {
          %parallel_loop3A_219 = tpu.assume_multiple %parallel_loop3A_218, 16 : i32
          %parallel_loop3A_220 = arith.constant 1 : i32
          %parallel_loop3A_221 = arith.index_cast %parallel_loop3A_220 : i32 to index
          %parallel_loop3A_222 = arith.index_cast %parallel_loop3A_219 : i32 to index
          %parallel_loop3A_223 = tpu.vector_load %arg10[%parallel_loop3A_221, %parallel_loop3A_222] {strides = array<i32>} : memref<8x2048xf32, #tpu.memory_space<vmem>>, vector<1x16xf32>,
          %parallel_loop3A_224 = vector.shape_cast %parallel_loop3A_223 : vector<1x16xf32> to vector<16xf32>
          %parallel_loop3A_225 = arith.constant 1 : i32
          %parallel_loop3A_226 = arith.index_cast %parallel_loop3A_225 : i32 to index
          %parallel_loop3A_227 = arith.index_cast %parallel_loop3A_219 : i32 to index
          %parallel_loop3A_228 = tpu.vector_load %arg7[%parallel_loop3A_226, %parallel_loop3A_227] {strides = array<i32>} : memref<8x2048xf32, #tpu.memory_space<vmem>>, vector<1x16xf32>,
          %parallel_loop3A_229 = vector.shape_cast %parallel_loop3A_228 : vector<1x16xf32> to vector<16xf32>
          %parallel_loop3A_230 = vector.shape_cast %parallel_loop3A_224 : vector<16xf32> to vector<1x16xf32>
          tpu.vector_store %arg7[%parallel_loop3A_226, %parallel_loop3A_227], %parallel_loop3A_230 {add = true, strides = array<i32>} : memref<8x2048xf32, #tpu.memory_space<vmem>>, vector<1x16xf32>,
        } {sc.loop_unroll_factor = 16 : i64, sc.parallel_access}
        %parallel_loop3A_184 = arith.constant 0 : i32
        %parallel_loop3A_185 = arith.constant 2048 : i32
        %parallel_loop3A_186 = arith.constant 16 : i32
        scf.for %parallel_loop3A_218 = %parallel_loop3A_184 to %parallel_loop3A_185 step %parallel_loop3A_186  : i32 {
          %parallel_loop3A_219 = tpu.assume_multiple %parallel_loop3A_218, 16 : i32
          %parallel_loop3A_220 = arith.constant 2 : i32
          %parallel_loop3A_221 = arith.index_cast %parallel_loop3A_220 : i32 to index
          %parallel_loop3A_222 = arith.index_cast %parallel_loop3A_219 : i32 to index
          %parallel_loop3A_223 = tpu.vector_load %arg10[%parallel_loop3A_221, %parallel_loop3A_222] {strides = array<i32>} : memref<8x2048xf32, #tpu.memory_space<vmem>>, vector<1x16xf32>,
          %parallel_loop3A_224 = vector.shape_cast %parallel_loop3A_223 : vector<1x16xf32> to vector<16xf32>
          %parallel_loop3A_225 = arith.constant 2 : i32
          %parallel_loop3A_226 = arith.index_cast %parallel_loop3A_225 : i32 to index
          %parallel_loop3A_227 = arith.index_cast %parallel_loop3A_219 : i32 to index
          %parallel_loop3A_228 = tpu.vector_load %arg7[%parallel_loop3A_226, %parallel_loop3A_227] {strides = array<i32>} : memref<8x2048xf32, #tpu.memory_space<vmem>>, vector<1x16xf32>,
          %parallel_loop3A_229 = vector.shape_cast %parallel_loop3A_228 : vector<1x16xf32> to vector<16xf32>
          %parallel_loop3A_230 = vector.shape_cast %parallel_loop3A_224 : vector<16xf32> to vector<1x16xf32>
          tpu.vector_store %arg7[%parallel_loop3A_226, %parallel_loop3A_227], %parallel_loop3A_230 {add = true, strides = array<i32>} : memref<8x2048xf32, #tpu.memory_space<vmem>>, vector<1x16xf32>,
        } {sc.loop_unroll_factor = 16 : i64, sc.parallel_access}
        %parallel_loop3A_187 = arith.constant 0 : i32
        %parallel_loop3A_188 = arith.constant 2048 : i32
        %parallel_loop3A_189 = arith.constant 16 : i32
        scf.for %parallel_loop3A_218 = %parallel_loop3A_187 to %parallel_loop3A_188 step %parallel_loop3A_189  : i32 {
          %parallel_loop3A_219 = tpu.assume_multiple %parallel_loop3A_218, 16 : i32
          %parallel_loop3A_220 = arith.constant 3 : i32
          %parallel_loop3A_221 = arith.index_cast %parallel_loop3A_220 : i32 to index
          %parallel_loop3A_222 = arith.index_cast %parallel_loop3A_219 : i32 to index
          %parallel_loop3A_223 = tpu.vector_load %arg10[%parallel_loop3A_221, %parallel_loop3A_222] {strides = array<i32>} : memref<8x2048xf32, #tpu.memory_space<vmem>>, vector<1x16xf32>,
          %parallel_loop3A_224 = vector.shape_cast %parallel_loop3A_223 : vector<1x16xf32> to vector<16xf32>
          %parallel_loop3A_225 = arith.constant 3 : i32
          %parallel_loop3A_226 = arith.index_cast %parallel_loop3A_225 : i32 to index
          %parallel_loop3A_227 = arith.index_cast %parallel_loop3A_219 : i32 to index
          %parallel_loop3A_228 = tpu.vector_load %arg7[%parallel_loop3A_226, %parallel_loop3A_227] {strides = array<i32>} : memref<8x2048xf32, #tpu.memory_space<vmem>>, vector<1x16xf32>,
          %parallel_loop3A_229 = vector.shape_cast %parallel_loop3A_228 : vector<1x16xf32> to vector<16xf32>
          %parallel_loop3A_230 = vector.shape_cast %parallel_loop3A_224 : vector<16xf32> to vector<1x16xf32>
          tpu.vector_store %arg7[%parallel_loop3A_226, %parallel_loop3A_227], %parallel_loop3A_230 {add = true, strides = array<i32>} : memref<8x2048xf32, #tpu.memory_space<vmem>>, vector<1x16xf32>,
        } {sc.loop_unroll_factor = 16 : i64, sc.parallel_access}
        %parallel_loop3A_190 = arith.constant 0 : i32
        %parallel_loop3A_191 = arith.constant 2048 : i32
        %parallel_loop3A_192 = arith.constant 16 : i32
        scf.for %parallel_loop3A_218 = %parallel_loop3A_190 to %parallel_loop3A_191 step %parallel_loop3A_192  : i32 {
          %parallel_loop3A_219 = tpu.assume_multiple %parallel_loop3A_218, 16 : i32
          %parallel_loop3A_220 = arith.constant 4 : i32
          %parallel_loop3A_221 = arith.index_cast %parallel_loop3A_220 : i32 to index
          %parallel_loop3A_222 = arith.index_cast %parallel_loop3A_219 : i32 to index
          %parallel_loop3A_223 = tpu.vector_load %arg10[%parallel_loop3A_221, %parallel_loop3A_222] {strides = array<i32>} : memref<8x2048xf32, #tpu.memory_space<vmem>>, vector<1x16xf32>,
          %parallel_loop3A_224 = vector.shape_cast %parallel_loop3A_223 : vector<1x16xf32> to vector<16xf32>
          %parallel_loop3A_225 = arith.constant 4 : i32
          %parallel_loop3A_226 = arith.index_cast %parallel_loop3A_225 : i32 to index
          %parallel_loop3A_227 = arith.index_cast %parallel_loop3A_219 : i32 to index
          %parallel_loop3A_228 = tpu.vector_load %arg7[%parallel_loop3A_226, %parallel_loop3A_227] {strides = array<i32>} : memref<8x2048xf32, #tpu.memory_space<vmem>>, vector<1x16xf32>,
          %parallel_loop3A_229 = vector.shape_cast %parallel_loop3A_228 : vector<1x16xf32> to vector<16xf32>
          %parallel_loop3A_230 = vector.shape_cast %parallel_loop3A_224 : vector<16xf32> to vector<1x16xf32>
          tpu.vector_store %arg7[%parallel_loop3A_226, %parallel_loop3A_227], %parallel_loop3A_230 {add = true, strides = array<i32>} : memref<8x2048xf32, #tpu.memory_space<vmem>>, vector<1x16xf32>,
        } {sc.loop_unroll_factor = 16 : i64, sc.parallel_access}
        %parallel_loop3A_193 = arith.constant 0 : i32
        %parallel_loop3A_194 = arith.constant 2048 : i32
        %parallel_loop3A_195 = arith.constant 16 : i32
        scf.for %parallel_loop3A_218 = %parallel_loop3A_193 to %parallel_loop3A_194 step %parallel_loop3A_195  : i32 {
          %parallel_loop3A_219 = tpu.assume_multiple %parallel_loop3A_218, 16 : i32
          %parallel_loop3A_220 = arith.constant 5 : i32
          %parallel_loop3A_221 = arith.index_cast %parallel_loop3A_220 : i32 to index
          %parallel_loop3A_222 = arith.index_cast %parallel_loop3A_219 : i32 to index
          %parallel_loop3A_223 = tpu.vector_load %arg10[%parallel_loop3A_221, %parallel_loop3A_222] {strides = array<i32>} : memref<8x2048xf32, #tpu.memory_space<vmem>>, vector<1x16xf32>,
          %parallel_loop3A_224 = vector.shape_cast %parallel_loop3A_223 : vector<1x16xf32> to vector<16xf32>
          %parallel_loop3A_225 = arith.constant 5 : i32
          %parallel_loop3A_226 = arith.index_cast %parallel_loop3A_225 : i32 to index
          %parallel_loop3A_227 = arith.index_cast %parallel_loop3A_219 : i32 to index
          %parallel_loop3A_228 = tpu.vector_load %arg7[%parallel_loop3A_226, %parallel_loop3A_227] {strides = array<i32>} : memref<8x2048xf32, #tpu.memory_space<vmem>>, vector<1x16xf32>,
          %parallel_loop3A_229 = vector.shape_cast %parallel_loop3A_228 : vector<1x16xf32> to vector<16xf32>
          %parallel_loop3A_230 = vector.shape_cast %parallel_loop3A_224 : vector<16xf32> to vector<1x16xf32>
          tpu.vector_store %arg7[%parallel_loop3A_226, %parallel_loop3A_227], %parallel_loop3A_230 {add = true, strides = array<i32>} : memref<8x2048xf32, #tpu.memory_space<vmem>>, vector<1x16xf32>,
        } {sc.loop_unroll_factor = 16 : i64, sc.parallel_access}
        %parallel_loop3A_196 = arith.constant 0 : i32
        %parallel_loop3A_197 = arith.constant 2048 : i32
        %parallel_loop3A_198 = arith.constant 16 : i32
        scf.for %parallel_loop3A_218 = %parallel_loop3A_196 to %parallel_loop3A_197 step %parallel_loop3A_198  : i32 {
          %parallel_loop3A_219 = tpu.assume_multiple %parallel_loop3A_218, 16 : i32
          %parallel_loop3A_220 = arith.constant 6 : i32
          %parallel_loop3A_221 = arith.index_cast %parallel_loop3A_220 : i32 to index
          %parallel_loop3A_222 = arith.index_cast %parallel_loop3A_219 : i32 to index
          %parallel_loop3A_223 = tpu.vector_load %arg10[%parallel_loop3A_221, %parallel_loop3A_222] {strides = array<i32>} : memref<8x2048xf32, #tpu.memory_space<vmem>>, vector<1x16xf32>,
          %parallel_loop3A_224 = vector.shape_cast %parallel_loop3A_223 : vector<1x16xf32> to vector<16xf32>
          %parallel_loop3A_225 = arith.constant 6 : i32
          %parallel_loop3A_226 = arith.index_cast %parallel_loop3A_225 : i32 to index
          %parallel_loop3A_227 = arith.index_cast %parallel_loop3A_219 : i32 to index
          %parallel_loop3A_228 = tpu.vector_load %arg7[%parallel_loop3A_226, %parallel_loop3A_227] {strides = array<i32>} : memref<8x2048xf32, #tpu.memory_space<vmem>>, vector<1x16xf32>,
          %parallel_loop3A_229 = vector.shape_cast %parallel_loop3A_228 : vector<1x16xf32> to vector<16xf32>
          %parallel_loop3A_230 = vector.shape_cast %parallel_loop3A_224 : vector<16xf32> to vector<1x16xf32>
          tpu.vector_store %arg7[%parallel_loop3A_226, %parallel_loop3A_227], %parallel_loop3A_230 {add = true, strides = array<i32>} : memref<8x2048xf32, #tpu.memory_space<vmem>>, vector<1x16xf32>,
        } {sc.loop_unroll_factor = 16 : i64, sc.parallel_access}
        %parallel_loop3A_199 = arith.constant 0 : i32
        %parallel_loop3A_200 = arith.constant 2048 : i32
        %parallel_loop3A_201 = arith.constant 16 : i32
        scf.for %parallel_loop3A_218 = %parallel_loop3A_199 to %parallel_loop3A_200 step %parallel_loop3A_201  : i32 {
          %parallel_loop3A_219 = tpu.assume_multiple %parallel_loop3A_218, 16 : i32
          %parallel_loop3A_220 = arith.constant 7 : i32
          %parallel_loop3A_221 = arith.index_cast %parallel_loop3A_220 : i32 to index
          %parallel_loop3A_222 = arith.index_cast %parallel_loop3A_219 : i32 to index
          %parallel_loop3A_223 = tpu.vector_load %arg10[%parallel_loop3A_221, %parallel_loop3A_222] {strides = array<i32>} : memref<8x2048xf32, #tpu.memory_space<vmem>>, vector<1x16xf32>,
          %parallel_loop3A_224 = vector.shape_cast %parallel_loop3A_223 : vector<1x16xf32> to vector<16xf32>
          %parallel_loop3A_225 = arith.constant 7 : i32
          %parallel_loop3A_226 = arith.index_cast %parallel_loop3A_225 : i32 to index
          %parallel_loop3A_227 = arith.index_cast %parallel_loop3A_219 : i32 to index
          %parallel_loop3A_228 = tpu.vector_load %arg7[%parallel_loop3A_226, %parallel_loop3A_227] {strides = array<i32>} : memref<8x2048xf32, #tpu.memory_space<vmem>>, vector<1x16xf32>,
          %parallel_loop3A_229 = vector.shape_cast %parallel_loop3A_228 : vector<1x16xf32> to vector<16xf32>
          %parallel_loop3A_230 = vector.shape_cast %parallel_loop3A_224 : vector<16xf32> to vector<1x16xf32>
          tpu.vector_store %arg7[%parallel_loop3A_226, %parallel_loop3A_227], %parallel_loop3A_230 {add = true, strides = array<i32>} : memref<8x2048xf32, #tpu.memory_space<vmem>>, vector<1x16xf32>,
        } {sc.loop_unroll_factor = 16 : i64, sc.parallel_access}
        %mul3A_202 = arith.constant 8 : i32
        %mul3A_203 = arith.muli %add3A_90, %mul3A_202 : i32
        %add3A_204 = arith.addi %mul3A_32, %mul3A_203 : i32
        %dma_start3A_205 = arith.constant 0 : i32
        %dma_start3A_206 = tpu.memref_slice %arg5[%select_n3A, %add3A_204, %dma_start3A_205] : memref<4x4096x2048xf32, #tpu.memory_space<hbm>> -> memref<1x8x2048xf32, #tpu.memory_space<hbm>>
        %dma_start3A_207 = tpu.memref_squeeze %dma_start3A_206 : memref<1x8x2048xf32, #tpu.memory_space<hbm>> -> memref<8x2048xf32, #tpu.memory_space<hbm>>
        %dma_start3A_208 = arith.constant 0 : i32
        %dma_start3A_209 = tpu.memref_slice %arg5[%select_n3A, %add3A_204, %dma_start3A_208] : memref<4x4096x2048xf32, #tpu.memory_space<hbm>> -> memref<1x8x2048xf32, #tpu.memory_space<hbm>>
        %dma_start3A_210 = tpu.memref_squeeze %dma_start3A_209 : memref<1x8x2048xf32, #tpu.memory_space<hbm>> -> memref<8x2048xf32, #tpu.memory_space<hbm>>
        tpu.enqueue_dma source(%arg7 : memref<8x2048xf32, #tpu.memory_space<vmem>>) target(%dma_start3A_210 : memref<8x2048xf32, #tpu.memory_space<hbm>>) target_semaphore(%arg19 : memref<!tpu.dma_semaphore, #tpu.memory_space<semaphore_mem>>)
        %add3A_211 = arith.constant 3 : i32
        %add3A_212 = arith.addi %add3A_90, %add3A_211 : i32
        %lt3A_213 = arith.constant 64 : i32
        %lt3A_214 = arith.cmpi slt, %add3A_212, %lt3A_213 : i32
        %convert_element_type3A_215 = arith.extui %lt3A_214 : i1 to i32
        %cond3A_216 = arith.constant 0 : i32
        %cond3A_217 = arith.cmpi ne, %convert_element_type3A_215, %cond3A_216 : i32
        scf.if %cond3A_217 {
          %add3A_218 = arith.constant 3 : i32
          %add3A_219 = arith.addi %add3A_90, %add3A_218 : i32
          %mul3A_220 = arith.constant 8 : i32
          %mul3A_221 = arith.muli %add3A_219, %mul3A_220 : i32
          %multiple_of3A_222 = tpu.assume_multiple %mul3A_221, 8 : i32
          %dma_start3A_223 = tpu.memref_slice %arg6[%multiple_of3A_222] : memref<512xi32, #tpu.memory_space<vmem>> -> memref<8xi32, #tpu.memory_space<vmem>>
          %dma_start3A_224 = arith.constant 0 : i32
          %dma_start3A_225 = arith.constant 0 : i32
          %dma_start3A_226 = tpu.memref_slice %arg4[%scan3A_80, %dma_start3A_224, %dma_start3A_225] : memref<1x5001x2048xf32, #tpu.memory_space<hbm>> -> memref<1x5001x2048xf32, #tpu.memory_space<hbm>>
          %dma_start3A_227 = tpu.memref_squeeze %dma_start3A_226 : memref<1x5001x2048xf32, #tpu.memory_space<hbm>> -> memref<5001x2048xf32, #tpu.memory_space<hbm>>
          %dma_start3A_228 = arith.constant 0 : i32
          %dma_start3A_229 = arith.constant 0 : i32
          %dma_start3A_230 = tpu.memref_slice %dma_start3A_227[%dma_start3A_228, %dma_start3A_229] : memref<5001x2048xf32, #tpu.memory_space<hbm>> -> memref<5001x2048xf32, #tpu.memory_space<hbm>>
          tpu.enqueue_indirect_dma source(%dma_start3A_230 : memref<5001x2048xf32, #tpu.memory_space<hbm>>) target(%arg10 : memref<8x2048xf32, #tpu.memory_space<vmem>>) offsets(%dma_start3A_223 : memref<8xi32, #tpu.memory_space<vmem>>) semaphore(%arg13 : memref<!tpu.dma_semaphore, #tpu.memory_space<semaphore_mem>>)
        } else {
        }
      } else {
      }
      %ge3A = arith.constant 1 : i32
      %ge3A_94 = arith.cmpi sge, %add3A_90, %ge3A : i32
      %sub3A_95 = arith.constant 1 : i32
      %sub3A_96 = arith.subi %add3A_90, %sub3A_95 : i32
      %lt3A_97 = arith.constant 64 : i32
      %lt3A_98 = arith.cmpi slt, %sub3A_96, %lt3A_97 : i32
      %and3A_99 = arith.andi %ge3A_94, %lt3A_98 : i1
      %convert_element_type3A_100 = arith.extui %and3A_99 : i1 to i32
      %cond3A_101 = arith.constant 0 : i32
      %cond3A_102 = arith.cmpi ne, %convert_element_type3A_100, %cond3A_101 : i32
      scf.if %cond3A_102 {
        %dma_wait3A = arith.constant 0 : i32
        %dma_wait3A_162 = arith.constant 0 : i32
        %dma_wait3A_163 = arith.constant 0 : i32
        %dma_wait3A_164 = tpu.memref_slice %arg2[%dma_wait3A, %dma_wait3A_162, %dma_wait3A_163] : memref<4x4096x2048xf32, #tpu.memory_space<hbm>> -> memref<1x8x2048xf32, #tpu.memory_space<hbm>>
        %dma_wait3A_165 = tpu.memref_squeeze %dma_wait3A_164 : memref<1x8x2048xf32, #tpu.memory_space<hbm>> -> memref<8x2048xf32, #tpu.memory_space<hbm>>
        %dma_wait3A_166 = arith.constant 0 : i32
        %dma_wait3A_167 = arith.constant 0 : i32
        %dma_wait3A_168 = tpu.memref_slice %arg2[%dma_wait3A, %dma_wait3A_166, %dma_wait3A_167] : memref<4x4096x2048xf32, #tpu.memory_space<hbm>> -> memref<1x8x2048xf32, #tpu.memory_space<hbm>>
        %dma_wait3A_169 = tpu.memref_squeeze %dma_wait3A_168 : memref<1x8x2048xf32, #tpu.memory_space<hbm>> -> memref<8x2048xf32, #tpu.memory_space<hbm>>
        tpu.wait_dma2 semaphore(%arg21 : memref<!tpu.dma_semaphore, #tpu.memory_space<semaphore_mem>>) src(%dma_wait3A_169 : memref<8x2048xf32, #tpu.memory_space<hbm>>) dst(%arg9 : memref<8x2048xf32, #tpu.memory_space<vmem>>)
      } else {
      }
      %add3A_103 = arith.constant 2 : i32
      %add3A_104 = arith.addi %add3A_90, %add3A_103 : i32
      %lt3A_105 = arith.constant 64 : i32
      %lt3A_106 = arith.cmpi slt, %add3A_104, %lt3A_105 : i32
      %convert_element_type3A_107 = arith.extui %lt3A_106 : i1 to i32
      %cond3A_108 = arith.constant 0 : i32
      %cond3A_109 = arith.cmpi ne, %convert_element_type3A_107, %cond3A_108 : i32
      scf.if %cond3A_109 {
        %add3A_162 = arith.constant 2 : i32
        %add3A_163 = arith.addi %add3A_90, %add3A_162 : i32
        %mul3A_164 = arith.constant 8 : i32
        %mul3A_165 = arith.muli %add3A_163, %mul3A_164 : i32
        %add3A_166 = arith.addi %mul3A_32, %mul3A_165 : i32
        %dma_start3A_167 = arith.constant 0 : i32
        %dma_start3A_168 = tpu.memref_slice %arg2[%select_n3A, %add3A_166, %dma_start3A_167] : memref<4x4096x2048xf32, #tpu.memory_space<hbm>> -> memref<1x8x2048xf32, #tpu.memory_space<hbm>>
        %dma_start3A_169 = tpu.memref_squeeze %dma_start3A_168 : memref<1x8x2048xf32, #tpu.memory_space<hbm>> -> memref<8x2048xf32, #tpu.memory_space<hbm>>
        %dma_start3A_170 = arith.constant 0 : i32
        %dma_start3A_171 = tpu.memref_slice %arg2[%select_n3A, %add3A_166, %dma_start3A_170] : memref<4x4096x2048xf32, #tpu.memory_space<hbm>> -> memref<1x8x2048xf32, #tpu.memory_space<hbm>>
        %dma_start3A_172 = tpu.memref_squeeze %dma_start3A_171 : memref<1x8x2048xf32, #tpu.memory_space<hbm>> -> memref<8x2048xf32, #tpu.memory_space<hbm>>
        tpu.enqueue_dma source(%dma_start3A_172 : memref<8x2048xf32, #tpu.memory_space<hbm>>) target(%arg9 : memref<8x2048xf32, #tpu.memory_space<vmem>>) target_semaphore(%arg18 : memref<!tpu.dma_semaphore, #tpu.memory_space<semaphore_mem>>)
      } else {
      }
      %mul3A_110 = arith.constant 3 : i32
      %mul3A_111 = arith.muli %scan3A_86, %mul3A_110 : i32
      %add3A_112 = arith.constant 1 : i32
      %add3A_113 = arith.addi %mul3A_111, %add3A_112 : i32
      %lt3A_114 = arith.constant 64 : i32
      %lt3A_115 = arith.cmpi slt, %add3A_113, %lt3A_114 : i32
      %convert_element_type3A_116 = arith.extui %lt3A_115 : i1 to i32
      %cond3A_117 = arith.constant 0 : i32
      %cond3A_118 = arith.cmpi ne, %convert_element_type3A_116, %cond3A_117 : i32
      scf.if %cond3A_118 {
        %dma_wait3A = arith.constant 0 : i32
        %dma_wait3A_162 = arith.constant 0 : i32
        %dma_wait3A_163 = arith.constant 0 : i32
        %dma_wait3A_164 = tpu.memref_slice %arg2[%dma_wait3A, %dma_wait3A_162, %dma_wait3A_163] : memref<4x4096x2048xf32, #tpu.memory_space<hbm>> -> memref<1x8x2048xf32, #tpu.memory_space<hbm>>
        %dma_wait3A_165 = tpu.memref_squeeze %dma_wait3A_164 : memref<1x8x2048xf32, #tpu.memory_space<hbm>> -> memref<8x2048xf32, #tpu.memory_space<hbm>>
        %dma_wait3A_166 = arith.constant 0 : i32
        %dma_wait3A_167 = arith.constant 0 : i32
        %dma_wait3A_168 = tpu.memref_slice %arg2[%dma_wait3A, %dma_wait3A_166, %dma_wait3A_167] : memref<4x4096x2048xf32, #tpu.memory_space<hbm>> -> memref<1x8x2048xf32, #tpu.memory_space<hbm>>
        %dma_wait3A_169 = tpu.memref_squeeze %dma_wait3A_168 : memref<1x8x2048xf32, #tpu.memory_space<hbm>> -> memref<8x2048xf32, #tpu.memory_space<hbm>>
        tpu.wait_dma2 semaphore(%arg14 : memref<!tpu.dma_semaphore, #tpu.memory_space<semaphore_mem>>) src(%dma_wait3A_169 : memref<8x2048xf32, #tpu.memory_space<hbm>>) dst(%arg11 : memref<8x2048xf32, #tpu.memory_space<vmem>>)
        %dma_wait3A_170 = arith.constant 0 : i32
        %dma_wait3A_171 = arith.constant 0 : i32
        %dma_wait3A_172 = arith.constant 0 : i32
        %dma_wait3A_173 = tpu.memref_slice %arg2[%dma_wait3A_170, %dma_wait3A_171, %dma_wait3A_172] : memref<4x4096x2048xf32, #tpu.memory_space<hbm>> -> memref<1x8x2048xf32, #tpu.memory_space<hbm>>
        %dma_wait3A_174 = tpu.memref_squeeze %dma_wait3A_173 : memref<1x8x2048xf32, #tpu.memory_space<hbm>> -> memref<8x2048xf32, #tpu.memory_space<hbm>>
        %dma_wait3A_175 = arith.constant 0 : i32
        %dma_wait3A_176 = arith.constant 0 : i32
        %dma_wait3A_177 = tpu.memref_slice %arg2[%dma_wait3A_170, %dma_wait3A_175, %dma_wait3A_176] : memref<4x4096x2048xf32, #tpu.memory_space<hbm>> -> memref<1x8x2048xf32, #tpu.memory_space<hbm>>
        %dma_wait3A_178 = tpu.memref_squeeze %dma_wait3A_177 : memref<1x8x2048xf32, #tpu.memory_space<hbm>> -> memref<8x2048xf32, #tpu.memory_space<hbm>>
        tpu.wait_dma2 semaphore(%arg17 : memref<!tpu.dma_semaphore, #tpu.memory_space<semaphore_mem>>) src(%dma_wait3A_178 : memref<8x2048xf32, #tpu.memory_space<hbm>>) dst(%arg8 : memref<8x2048xf32, #tpu.memory_space<vmem>>)
        %parallel_loop3A = arith.constant 0 : i32
        %parallel_loop3A_179 = arith.constant 2048 : i32
        %parallel_loop3A_180 = arith.constant 16 : i32
        scf.for %parallel_loop3A_218 = %parallel_loop3A to %parallel_loop3A_179 step %parallel_loop3A_180  : i32 {
          %parallel_loop3A_219 = tpu.assume_multiple %parallel_loop3A_218, 16 : i32
          %parallel_loop3A_220 = arith.constant 0 : i32
          %parallel_loop3A_221 = arith.index_cast %parallel_loop3A_220 : i32 to index
          %parallel_loop3A_222 = arith.index_cast %parallel_loop3A_219 : i32 to index
          %parallel_loop3A_223 = tpu.vector_load %arg11[%parallel_loop3A_221, %parallel_loop3A_222] {strides = array<i32>} : memref<8x2048xf32, #tpu.memory_space<vmem>>, vector<1x16xf32>,
          %parallel_loop3A_224 = vector.shape_cast %parallel_loop3A_223 : vector<1x16xf32> to vector<16xf32>
          %parallel_loop3A_225 = arith.constant 0 : i32
          %parallel_loop3A_226 = arith.index_cast %parallel_loop3A_225 : i32 to index
          %parallel_loop3A_227 = arith.index_cast %parallel_loop3A_219 : i32 to index
          %parallel_loop3A_228 = tpu.vector_load %arg8[%parallel_loop3A_226, %parallel_loop3A_227] {strides = array<i32>} : memref<8x2048xf32, #tpu.memory_space<vmem>>, vector<1x16xf32>,
          %parallel_loop3A_229 = vector.shape_cast %parallel_loop3A_228 : vector<1x16xf32> to vector<16xf32>
          %parallel_loop3A_230 = vector.shape_cast %parallel_loop3A_224 : vector<16xf32> to vector<1x16xf32>
          tpu.vector_store %arg8[%parallel_loop3A_226, %parallel_loop3A_227], %parallel_loop3A_230 {add = true, strides = array<i32>} : memref<8x2048xf32, #tpu.memory_space<vmem>>, vector<1x16xf32>,
        } {sc.loop_unroll_factor = 16 : i64, sc.parallel_access}
        %parallel_loop3A_181 = arith.constant 0 : i32
        %parallel_loop3A_182 = arith.constant 2048 : i32
        %parallel_loop3A_183 = arith.constant 16 : i32
        scf.for %parallel_loop3A_218 = %parallel_loop3A_181 to %parallel_loop3A_182 step %parallel_loop3A_183  : i32 {
          %parallel_loop3A_219 = tpu.assume_multiple %parallel_loop3A_218, 16 : i32
          %parallel_loop3A_220 = arith.constant 1 : i32
          %parallel_loop3A_221 = arith.index_cast %parallel_loop3A_220 : i32 to index
          %parallel_loop3A_222 = arith.index_cast %parallel_loop3A_219 : i32 to index
          %parallel_loop3A_223 = tpu.vector_load %arg11[%parallel_loop3A_221, %parallel_loop3A_222] {strides = array<i32>} : memref<8x2048xf32, #tpu.memory_space<vmem>>, vector<1x16xf32>,
          %parallel_loop3A_224 = vector.shape_cast %parallel_loop3A_223 : vector<1x16xf32> to vector<16xf32>
          %parallel_loop3A_225 = arith.constant 1 : i32
          %parallel_loop3A_226 = arith.index_cast %parallel_loop3A_225 : i32 to index
          %parallel_loop3A_227 = arith.index_cast %parallel_loop3A_219 : i32 to index
          %parallel_loop3A_228 = tpu.vector_load %arg8[%parallel_loop3A_226, %parallel_loop3A_227] {strides = array<i32>} : memref<8x2048xf32, #tpu.memory_space<vmem>>, vector<1x16xf32>,
          %parallel_loop3A_229 = vector.shape_cast %parallel_loop3A_228 : vector<1x16xf32> to vector<16xf32>
          %parallel_loop3A_230 = vector.shape_cast %parallel_loop3A_224 : vector<16xf32> to vector<1x16xf32>
          tpu.vector_store %arg8[%parallel_loop3A_226, %parallel_loop3A_227], %parallel_loop3A_230 {add = true, strides = array<i32>} : memref<8x2048xf32, #tpu.memory_space<vmem>>, vector<1x16xf32>,
        } {sc.loop_unroll_factor = 16 : i64, sc.parallel_access}
        %parallel_loop3A_184 = arith.constant 0 : i32
        %parallel_loop3A_185 = arith.constant 2048 : i32
        %parallel_loop3A_186 = arith.constant 16 : i32
        scf.for %parallel_loop3A_218 = %parallel_loop3A_184 to %parallel_loop3A_185 step %parallel_loop3A_186  : i32 {
          %parallel_loop3A_219 = tpu.assume_multiple %parallel_loop3A_218, 16 : i32
          %parallel_loop3A_220 = arith.constant 2 : i32
          %parallel_loop3A_221 = arith.index_cast %parallel_loop3A_220 : i32 to index
          %parallel_loop3A_222 = arith.index_cast %parallel_loop3A_219 : i32 to index
          %parallel_loop3A_223 = tpu.vector_load %arg11[%parallel_loop3A_221, %parallel_loop3A_222] {strides = array<i32>} : memref<8x2048xf32, #tpu.memory_space<vmem>>, vector<1x16xf32>,
          %parallel_loop3A_224 = vector.shape_cast %parallel_loop3A_223 : vector<1x16xf32> to vector<16xf32>
          %parallel_loop3A_225 = arith.constant 2 : i32
          %parallel_loop3A_226 = arith.index_cast %parallel_loop3A_225 : i32 to index
          %parallel_loop3A_227 = arith.index_cast %parallel_loop3A_219 : i32 to index
          %parallel_loop3A_228 = tpu.vector_load %arg8[%parallel_loop3A_226, %parallel_loop3A_227] {strides = array<i32>} : memref<8x2048xf32, #tpu.memory_space<vmem>>, vector<1x16xf32>,
          %parallel_loop3A_229 = vector.shape_cast %parallel_loop3A_228 : vector<1x16xf32> to vector<16xf32>
          %parallel_loop3A_230 = vector.shape_cast %parallel_loop3A_224 : vector<16xf32> to vector<1x16xf32>
          tpu.vector_store %arg8[%parallel_loop3A_226, %parallel_loop3A_227], %parallel_loop3A_230 {add = true, strides = array<i32>} : memref<8x2048xf32, #tpu.memory_space<vmem>>, vector<1x16xf32>,
        } {sc.loop_unroll_factor = 16 : i64, sc.parallel_access}
        %parallel_loop3A_187 = arith.constant 0 : i32
        %parallel_loop3A_188 = arith.constant 2048 : i32
        %parallel_loop3A_189 = arith.constant 16 : i32
        scf.for %parallel_loop3A_218 = %parallel_loop3A_187 to %parallel_loop3A_188 step %parallel_loop3A_189  : i32 {
          %parallel_loop3A_219 = tpu.assume_multiple %parallel_loop3A_218, 16 : i32
          %parallel_loop3A_220 = arith.constant 3 : i32
          %parallel_loop3A_221 = arith.index_cast %parallel_loop3A_220 : i32 to index
          %parallel_loop3A_222 = arith.index_cast %parallel_loop3A_219 : i32 to index
          %parallel_loop3A_223 = tpu.vector_load %arg11[%parallel_loop3A_221, %parallel_loop3A_222] {strides = array<i32>} : memref<8x2048xf32, #tpu.memory_space<vmem>>, vector<1x16xf32>,
          %parallel_loop3A_224 = vector.shape_cast %parallel_loop3A_223 : vector<1x16xf32> to vector<16xf32>
          %parallel_loop3A_225 = arith.constant 3 : i32
          %parallel_loop3A_226 = arith.index_cast %parallel_loop3A_225 : i32 to index
          %parallel_loop3A_227 = arith.index_cast %parallel_loop3A_219 : i32 to index
          %parallel_loop3A_228 = tpu.vector_load %arg8[%parallel_loop3A_226, %parallel_loop3A_227] {strides = array<i32>} : memref<8x2048xf32, #tpu.memory_space<vmem>>, vector<1x16xf32>,
          %parallel_loop3A_229 = vector.shape_cast %parallel_loop3A_228 : vector<1x16xf32> to vector<16xf32>
          %parallel_loop3A_230 = vector.shape_cast %parallel_loop3A_224 : vector<16xf32> to vector<1x16xf32>
          tpu.vector_store %arg8[%parallel_loop3A_226, %parallel_loop3A_227], %parallel_loop3A_230 {add = true, strides = array<i32>} : memref<8x2048xf32, #tpu.memory_space<vmem>>, vector<1x16xf32>,
        } {sc.loop_unroll_factor = 16 : i64, sc.parallel_access}
        %parallel_loop3A_190 = arith.constant 0 : i32
        %parallel_loop3A_191 = arith.constant 2048 : i32
        %parallel_loop3A_192 = arith.constant 16 : i32
        scf.for %parallel_loop3A_218 = %parallel_loop3A_190 to %parallel_loop3A_191 step %parallel_loop3A_192  : i32 {
          %parallel_loop3A_219 = tpu.assume_multiple %parallel_loop3A_218, 16 : i32
          %parallel_loop3A_220 = arith.constant 4 : i32
          %parallel_loop3A_221 = arith.index_cast %parallel_loop3A_220 : i32 to index
          %parallel_loop3A_222 = arith.index_cast %parallel_loop3A_219 : i32 to index
          %parallel_loop3A_223 = tpu.vector_load %arg11[%parallel_loop3A_221, %parallel_loop3A_222] {strides = array<i32>} : memref<8x2048xf32, #tpu.memory_space<vmem>>, vector<1x16xf32>,
          %parallel_loop3A_224 = vector.shape_cast %parallel_loop3A_223 : vector<1x16xf32> to vector<16xf32>
          %parallel_loop3A_225 = arith.constant 4 : i32
          %parallel_loop3A_226 = arith.index_cast %parallel_loop3A_225 : i32 to index
          %parallel_loop3A_227 = arith.index_cast %parallel_loop3A_219 : i32 to index
          %parallel_loop3A_228 = tpu.vector_load %arg8[%parallel_loop3A_226, %parallel_loop3A_227] {strides = array<i32>} : memref<8x2048xf32, #tpu.memory_space<vmem>>, vector<1x16xf32>,
          %parallel_loop3A_229 = vector.shape_cast %parallel_loop3A_228 : vector<1x16xf32> to vector<16xf32>
          %parallel_loop3A_230 = vector.shape_cast %parallel_loop3A_224 : vector<16xf32> to vector<1x16xf32>
          tpu.vector_store %arg8[%parallel_loop3A_226, %parallel_loop3A_227], %parallel_loop3A_230 {add = true, strides = array<i32>} : memref<8x2048xf32, #tpu.memory_space<vmem>>, vector<1x16xf32>,
        } {sc.loop_unroll_factor = 16 : i64, sc.parallel_access}
        %parallel_loop3A_193 = arith.constant 0 : i32
        %parallel_loop3A_194 = arith.constant 2048 : i32
        %parallel_loop3A_195 = arith.constant 16 : i32
        scf.for %parallel_loop3A_218 = %parallel_loop3A_193 to %parallel_loop3A_194 step %parallel_loop3A_195  : i32 {
          %parallel_loop3A_219 = tpu.assume_multiple %parallel_loop3A_218, 16 : i32
          %parallel_loop3A_220 = arith.constant 5 : i32
          %parallel_loop3A_221 = arith.index_cast %parallel_loop3A_220 : i32 to index
          %parallel_loop3A_222 = arith.index_cast %parallel_loop3A_219 : i32 to index
          %parallel_loop3A_223 = tpu.vector_load %arg11[%parallel_loop3A_221, %parallel_loop3A_222] {strides = array<i32>} : memref<8x2048xf32, #tpu.memory_space<vmem>>, vector<1x16xf32>,
          %parallel_loop3A_224 = vector.shape_cast %parallel_loop3A_223 : vector<1x16xf32> to vector<16xf32>
          %parallel_loop3A_225 = arith.constant 5 : i32
          %parallel_loop3A_226 = arith.index_cast %parallel_loop3A_225 : i32 to index
          %parallel_loop3A_227 = arith.index_cast %parallel_loop3A_219 : i32 to index
          %parallel_loop3A_228 = tpu.vector_load %arg8[%parallel_loop3A_226, %parallel_loop3A_227] {strides = array<i32>} : memref<8x2048xf32, #tpu.memory_space<vmem>>, vector<1x16xf32>,
          %parallel_loop3A_229 = vector.shape_cast %parallel_loop3A_228 : vector<1x16xf32> to vector<16xf32>
          %parallel_loop3A_230 = vector.shape_cast %parallel_loop3A_224 : vector<16xf32> to vector<1x16xf32>
          tpu.vector_store %arg8[%parallel_loop3A_226, %parallel_loop3A_227], %parallel_loop3A_230 {add = true, strides = array<i32>} : memref<8x2048xf32, #tpu.memory_space<vmem>>, vector<1x16xf32>,
        } {sc.loop_unroll_factor = 16 : i64, sc.parallel_access}
        %parallel_loop3A_196 = arith.constant 0 : i32
        %parallel_loop3A_197 = arith.constant 2048 : i32
        %parallel_loop3A_198 = arith.constant 16 : i32
        scf.for %parallel_loop3A_218 = %parallel_loop3A_196 to %parallel_loop3A_197 step %parallel_loop3A_198  : i32 {
          %parallel_loop3A_219 = tpu.assume_multiple %parallel_loop3A_218, 16 : i32
          %parallel_loop3A_220 = arith.constant 6 : i32
          %parallel_loop3A_221 = arith.index_cast %parallel_loop3A_220 : i32 to index
          %parallel_loop3A_222 = arith.index_cast %parallel_loop3A_219 : i32 to index
          %parallel_loop3A_223 = tpu.vector_load %arg11[%parallel_loop3A_221, %parallel_loop3A_222] {strides = array<i32>} : memref<8x2048xf32, #tpu.memory_space<vmem>>, vector<1x16xf32>,
          %parallel_loop3A_224 = vector.shape_cast %parallel_loop3A_223 : vector<1x16xf32> to vector<16xf32>
          %parallel_loop3A_225 = arith.constant 6 : i32
          %parallel_loop3A_226 = arith.index_cast %parallel_loop3A_225 : i32 to index
          %parallel_loop3A_227 = arith.index_cast %parallel_loop3A_219 : i32 to index
          %parallel_loop3A_228 = tpu.vector_load %arg8[%parallel_loop3A_226, %parallel_loop3A_227] {strides = array<i32>} : memref<8x2048xf32, #tpu.memory_space<vmem>>, vector<1x16xf32>,
          %parallel_loop3A_229 = vector.shape_cast %parallel_loop3A_228 : vector<1x16xf32> to vector<16xf32>
          %parallel_loop3A_230 = vector.shape_cast %parallel_loop3A_224 : vector<16xf32> to vector<1x16xf32>
          tpu.vector_store %arg8[%parallel_loop3A_226, %parallel_loop3A_227], %parallel_loop3A_230 {add = true, strides = array<i32>} : memref<8x2048xf32, #tpu.memory_space<vmem>>, vector<1x16xf32>,
        } {sc.loop_unroll_factor = 16 : i64, sc.parallel_access}
        %parallel_loop3A_199 = arith.constant 0 : i32
        %parallel_loop3A_200 = arith.constant 2048 : i32
        %parallel_loop3A_201 = arith.constant 16 : i32
        scf.for %parallel_loop3A_218 = %parallel_loop3A_199 to %parallel_loop3A_200 step %parallel_loop3A_201  : i32 {
          %parallel_loop3A_219 = tpu.assume_multiple %parallel_loop3A_218, 16 : i32
          %parallel_loop3A_220 = arith.constant 7 : i32
          %parallel_loop3A_221 = arith.index_cast %parallel_loop3A_220 : i32 to index
          %parallel_loop3A_222 = arith.index_cast %parallel_loop3A_219 : i32 to index
          %parallel_loop3A_223 = tpu.vector_load %arg11[%parallel_loop3A_221, %parallel_loop3A_222] {strides = array<i32>} : memref<8x2048xf32, #tpu.memory_space<vmem>>, vector<1x16xf32>,
          %parallel_loop3A_224 = vector.shape_cast %parallel_loop3A_223 : vector<1x16xf32> to vector<16xf32>
          %parallel_loop3A_225 = arith.constant 7 : i32
          %parallel_loop3A_226 = arith.index_cast %parallel_loop3A_225 : i32 to index
          %parallel_loop3A_227 = arith.index_cast %parallel_loop3A_219 : i32 to index
          %parallel_loop3A_228 = tpu.vector_load %arg8[%parallel_loop3A_226, %parallel_loop3A_227] {strides = array<i32>} : memref<8x2048xf32, #tpu.memory_space<vmem>>, vector<1x16xf32>,
          %parallel_loop3A_229 = vector.shape_cast %parallel_loop3A_228 : vector<1x16xf32> to vector<16xf32>
          %parallel_loop3A_230 = vector.shape_cast %parallel_loop3A_224 : vector<16xf32> to vector<1x16xf32>
          tpu.vector_store %arg8[%parallel_loop3A_226, %parallel_loop3A_227], %parallel_loop3A_230 {add = true, strides = array<i32>} : memref<8x2048xf32, #tpu.memory_space<vmem>>, vector<1x16xf32>,
        } {sc.loop_unroll_factor = 16 : i64, sc.parallel_access}
        %mul3A_202 = arith.constant 8 : i32
        %mul3A_203 = arith.muli %add3A_113, %mul3A_202 : i32
        %add3A_204 = arith.addi %mul3A_32, %mul3A_203 : i32
        %dma_start3A_205 = arith.constant 0 : i32
        %dma_start3A_206 = tpu.memref_slice %arg5[%select_n3A, %add3A_204, %dma_start3A_205] : memref<4x4096x2048xf32, #tpu.memory_space<hbm>> -> memref<1x8x2048xf32, #tpu.memory_space<hbm>>
        %dma_start3A_207 = tpu.memref_squeeze %dma_start3A_206 : memref<1x8x2048xf32, #tpu.memory_space<hbm>> -> memref<8x2048xf32, #tpu.memory_space<hbm>>
        %dma_start3A_208 = arith.constant 0 : i32
        %dma_start3A_209 = tpu.memref_slice %arg5[%select_n3A, %add3A_204, %dma_start3A_208] : memref<4x4096x2048xf32, #tpu.memory_space<hbm>> -> memref<1x8x2048xf32, #tpu.memory_space<hbm>>
        %dma_start3A_210 = tpu.memref_squeeze %dma_start3A_209 : memref<1x8x2048xf32, #tpu.memory_space<hbm>> -> memref<8x2048xf32, #tpu.memory_space<hbm>>
        tpu.enqueue_dma source(%arg8 : memref<8x2048xf32, #tpu.memory_space<vmem>>) target(%dma_start3A_210 : memref<8x2048xf32, #tpu.memory_space<hbm>>) target_semaphore(%arg20 : memref<!tpu.dma_semaphore, #tpu.memory_space<semaphore_mem>>)
        %add3A_211 = arith.constant 3 : i32
        %add3A_212 = arith.addi %add3A_113, %add3A_211 : i32
        %lt3A_213 = arith.constant 64 : i32
        %lt3A_214 = arith.cmpi slt, %add3A_212, %lt3A_213 : i32
        %convert_element_type3A_215 = arith.extui %lt3A_214 : i1 to i32
        %cond3A_216 = arith.constant 0 : i32
        %cond3A_217 = arith.cmpi ne, %convert_element_type3A_215, %cond3A_216 : i32
        scf.if %cond3A_217 {
          %add3A_218 = arith.constant 3 : i32
          %add3A_219 = arith.addi %add3A_113, %add3A_218 : i32
          %mul3A_220 = arith.constant 8 : i32
          %mul3A_221 = arith.muli %add3A_219, %mul3A_220 : i32
          %multiple_of3A_222 = tpu.assume_multiple %mul3A_221, 8 : i32
          %dma_start3A_223 = tpu.memref_slice %arg6[%multiple_of3A_222] : memref<512xi32, #tpu.memory_space<vmem>> -> memref<8xi32, #tpu.memory_space<vmem>>
          %dma_start3A_224 = arith.constant 0 : i32
          %dma_start3A_225 = arith.constant 0 : i32
          %dma_start3A_226 = tpu.memref_slice %arg4[%scan3A_80, %dma_start3A_224, %dma_start3A_225] : memref<1x5001x2048xf32, #tpu.memory_space<hbm>> -> memref<1x5001x2048xf32, #tpu.memory_space<hbm>>
          %dma_start3A_227 = tpu.memref_squeeze %dma_start3A_226 : memref<1x5001x2048xf32, #tpu.memory_space<hbm>> -> memref<5001x2048xf32, #tpu.memory_space<hbm>>
          %dma_start3A_228 = arith.constant 0 : i32
          %dma_start3A_229 = arith.constant 0 : i32
          %dma_start3A_230 = tpu.memref_slice %dma_start3A_227[%dma_start3A_228, %dma_start3A_229] : memref<5001x2048xf32, #tpu.memory_space<hbm>> -> memref<5001x2048xf32, #tpu.memory_space<hbm>>
          tpu.enqueue_indirect_dma source(%dma_start3A_230 : memref<5001x2048xf32, #tpu.memory_space<hbm>>) target(%arg11 : memref<8x2048xf32, #tpu.memory_space<vmem>>) offsets(%dma_start3A_223 : memref<8xi32, #tpu.memory_space<vmem>>) semaphore(%arg14 : memref<!tpu.dma_semaphore, #tpu.memory_space<semaphore_mem>>)
        } else {
        }
      } else {
      }
      %ge3A_119 = arith.constant 1 : i32
      %ge3A_120 = arith.cmpi sge, %add3A_113, %ge3A_119 : i32
      %sub3A_121 = arith.constant 1 : i32
      %sub3A_122 = arith.subi %add3A_113, %sub3A_121 : i32
      %lt3A_123 = arith.constant 64 : i32
      %lt3A_124 = arith.cmpi slt, %sub3A_122, %lt3A_123 : i32
      %and3A_125 = arith.andi %ge3A_120, %lt3A_124 : i1
      %convert_element_type3A_126 = arith.extui %and3A_125 : i1 to i32
      %cond3A_127 = arith.constant 0 : i32
      %cond3A_128 = arith.cmpi ne, %convert_element_type3A_126, %cond3A_127 : i32
      scf.if %cond3A_128 {
        %dma_wait3A = arith.constant 0 : i32
        %dma_wait3A_162 = arith.constant 0 : i32
        %dma_wait3A_163 = arith.constant 0 : i32
        %dma_wait3A_164 = tpu.memref_slice %arg2[%dma_wait3A, %dma_wait3A_162, %dma_wait3A_163] : memref<4x4096x2048xf32, #tpu.memory_space<hbm>> -> memref<1x8x2048xf32, #tpu.memory_space<hbm>>
        %dma_wait3A_165 = tpu.memref_squeeze %dma_wait3A_164 : memref<1x8x2048xf32, #tpu.memory_space<hbm>> -> memref<8x2048xf32, #tpu.memory_space<hbm>>
        %dma_wait3A_166 = arith.constant 0 : i32
        %dma_wait3A_167 = arith.constant 0 : i32
        %dma_wait3A_168 = tpu.memref_slice %arg2[%dma_wait3A, %dma_wait3A_166, %dma_wait3A_167] : memref<4x4096x2048xf32, #tpu.memory_space<hbm>> -> memref<1x8x2048xf32, #tpu.memory_space<hbm>>
        %dma_wait3A_169 = tpu.memref_squeeze %dma_wait3A_168 : memref<1x8x2048xf32, #tpu.memory_space<hbm>> -> memref<8x2048xf32, #tpu.memory_space<hbm>>
        tpu.wait_dma2 semaphore(%arg19 : memref<!tpu.dma_semaphore, #tpu.memory_space<semaphore_mem>>) src(%dma_wait3A_169 : memref<8x2048xf32, #tpu.memory_space<hbm>>) dst(%arg7 : memref<8x2048xf32, #tpu.memory_space<vmem>>)
      } else {
      }
      %add3A_129 = arith.constant 2 : i32
      %add3A_130 = arith.addi %add3A_113, %add3A_129 : i32
      %lt3A_131 = arith.constant 64 : i32
      %lt3A_132 = arith.cmpi slt, %add3A_130, %lt3A_131 : i32
      %convert_element_type3A_133 = arith.extui %lt3A_132 : i1 to i32
      %cond3A_134 = arith.constant 0 : i32
      %cond3A_135 = arith.cmpi ne, %convert_element_type3A_133, %cond3A_134 : i32
      scf.if %cond3A_135 {
        %add3A_162 = arith.constant 2 : i32
        %add3A_163 = arith.addi %add3A_113, %add3A_162 : i32
        %mul3A_164 = arith.constant 8 : i32
        %mul3A_165 = arith.muli %add3A_163, %mul3A_164 : i32
        %add3A_166 = arith.addi %mul3A_32, %mul3A_165 : i32
        %dma_start3A_167 = arith.constant 0 : i32
        %dma_start3A_168 = tpu.memref_slice %arg2[%select_n3A, %add3A_166, %dma_start3A_167] : memref<4x4096x2048xf32, #tpu.memory_space<hbm>> -> memref<1x8x2048xf32, #tpu.memory_space<hbm>>
        %dma_start3A_169 = tpu.memref_squeeze %dma_start3A_168 : memref<1x8x2048xf32, #tpu.memory_space<hbm>> -> memref<8x2048xf32, #tpu.memory_space<hbm>>
        %dma_start3A_170 = arith.constant 0 : i32
        %dma_start3A_171 = tpu.memref_slice %arg2[%select_n3A, %add3A_166, %dma_start3A_170] : memref<4x4096x2048xf32, #tpu.memory_space<hbm>> -> memref<1x8x2048xf32, #tpu.memory_space<hbm>>
        %dma_start3A_172 = tpu.memref_squeeze %dma_start3A_171 : memref<1x8x2048xf32, #tpu.memory_space<hbm>> -> memref<8x2048xf32, #tpu.memory_space<hbm>>
        tpu.enqueue_dma source(%dma_start3A_172 : memref<8x2048xf32, #tpu.memory_space<hbm>>) target(%arg7 : memref<8x2048xf32, #tpu.memory_space<vmem>>) target_semaphore(%arg16 : memref<!tpu.dma_semaphore, #tpu.memory_space<semaphore_mem>>)
      } else {
      }
      %mul3A_136 = arith.constant 3 : i32
      %mul3A_137 = arith.muli %scan3A_86, %mul3A_136 : i32
      %add3A_138 = arith.constant 2 : i32
      %add3A_139 = arith.addi %mul3A_137, %add3A_138 : i32
      %lt3A_140 = arith.constant 64 : i32
      %lt3A_141 = arith.cmpi slt, %add3A_139, %lt3A_140 : i32
      %convert_element_type3A_142 = arith.extui %lt3A_141 : i1 to i32
      %cond3A_143 = arith.constant 0 : i32
      %cond3A_144 = arith.cmpi ne, %convert_element_type3A_142, %cond3A_143 : i32
      scf.if %cond3A_144 {
        %dma_wait3A = arith.constant 0 : i32
        %dma_wait3A_162 = arith.constant 0 : i32
        %dma_wait3A_163 = arith.constant 0 : i32
        %dma_wait3A_164 = tpu.memref_slice %arg2[%dma_wait3A, %dma_wait3A_162, %dma_wait3A_163] : memref<4x4096x2048xf32, #tpu.memory_space<hbm>> -> memref<1x8x2048xf32, #tpu.memory_space<hbm>>
        %dma_wait3A_165 = tpu.memref_squeeze %dma_wait3A_164 : memref<1x8x2048xf32, #tpu.memory_space<hbm>> -> memref<8x2048xf32, #tpu.memory_space<hbm>>
        %dma_wait3A_166 = arith.constant 0 : i32
        %dma_wait3A_167 = arith.constant 0 : i32
        %dma_wait3A_168 = tpu.memref_slice %arg2[%dma_wait3A, %dma_wait3A_166, %dma_wait3A_167] : memref<4x4096x2048xf32, #tpu.memory_space<hbm>> -> memref<1x8x2048xf32, #tpu.memory_space<hbm>>
        %dma_wait3A_169 = tpu.memref_squeeze %dma_wait3A_168 : memref<1x8x2048xf32, #tpu.memory_space<hbm>> -> memref<8x2048xf32, #tpu.memory_space<hbm>>
        tpu.wait_dma2 semaphore(%arg15 : memref<!tpu.dma_semaphore, #tpu.memory_space<semaphore_mem>>) src(%dma_wait3A_169 : memref<8x2048xf32, #tpu.memory_space<hbm>>) dst(%arg12 : memref<8x2048xf32, #tpu.memory_space<vmem>>)
        %dma_wait3A_170 = arith.constant 0 : i32
        %dma_wait3A_171 = arith.constant 0 : i32
        %dma_wait3A_172 = arith.constant 0 : i32
        %dma_wait3A_173 = tpu.memref_slice %arg2[%dma_wait3A_170, %dma_wait3A_171, %dma_wait3A_172] : memref<4x4096x2048xf32, #tpu.memory_space<hbm>> -> memref<1x8x2048xf32, #tpu.memory_space<hbm>>
        %dma_wait3A_174 = tpu.memref_squeeze %dma_wait3A_173 : memref<1x8x2048xf32, #tpu.memory_space<hbm>> -> memref<8x2048xf32, #tpu.memory_space<hbm>>
        %dma_wait3A_175 = arith.constant 0 : i32
        %dma_wait3A_176 = arith.constant 0 : i32
        %dma_wait3A_177 = tpu.memref_slice %arg2[%dma_wait3A_170, %dma_wait3A_175, %dma_wait3A_176] : memref<4x4096x2048xf32, #tpu.memory_space<hbm>> -> memref<1x8x2048xf32, #tpu.memory_space<hbm>>
        %dma_wait3A_178 = tpu.memref_squeeze %dma_wait3A_177 : memref<1x8x2048xf32, #tpu.memory_space<hbm>> -> memref<8x2048xf32, #tpu.memory_space<hbm>>
        tpu.wait_dma2 semaphore(%arg18 : memref<!tpu.dma_semaphore, #tpu.memory_space<semaphore_mem>>) src(%dma_wait3A_178 : memref<8x2048xf32, #tpu.memory_space<hbm>>) dst(%arg9 : memref<8x2048xf32, #tpu.memory_space<vmem>>)
        %parallel_loop3A = arith.constant 0 : i32
        %parallel_loop3A_179 = arith.constant 2048 : i32
        %parallel_loop3A_180 = arith.constant 16 : i32
        scf.for %parallel_loop3A_218 = %parallel_loop3A to %parallel_loop3A_179 step %parallel_loop3A_180  : i32 {
          %parallel_loop3A_219 = tpu.assume_multiple %parallel_loop3A_218, 16 : i32
          %parallel_loop3A_220 = arith.constant 0 : i32
          %parallel_loop3A_221 = arith.index_cast %parallel_loop3A_220 : i32 to index
          %parallel_loop3A_222 = arith.index_cast %parallel_loop3A_219 : i32 to index
          %parallel_loop3A_223 = tpu.vector_load %arg12[%parallel_loop3A_221, %parallel_loop3A_222] {strides = array<i32>} : memref<8x2048xf32, #tpu.memory_space<vmem>>, vector<1x16xf32>,
          %parallel_loop3A_224 = vector.shape_cast %parallel_loop3A_223 : vector<1x16xf32> to vector<16xf32>
          %parallel_loop3A_225 = arith.constant 0 : i32
          %parallel_loop3A_226 = arith.index_cast %parallel_loop3A_225 : i32 to index
          %parallel_loop3A_227 = arith.index_cast %parallel_loop3A_219 : i32 to index
          %parallel_loop3A_228 = tpu.vector_load %arg9[%parallel_loop3A_226, %parallel_loop3A_227] {strides = array<i32>} : memref<8x2048xf32, #tpu.memory_space<vmem>>, vector<1x16xf32>,
          %parallel_loop3A_229 = vector.shape_cast %parallel_loop3A_228 : vector<1x16xf32> to vector<16xf32>
          %parallel_loop3A_230 = vector.shape_cast %parallel_loop3A_224 : vector<16xf32> to vector<1x16xf32>
          tpu.vector_store %arg9[%parallel_loop3A_226, %parallel_loop3A_227], %parallel_loop3A_230 {add = true, strides = array<i32>} : memref<8x2048xf32, #tpu.memory_space<vmem>>, vector<1x16xf32>,
        } {sc.loop_unroll_factor = 16 : i64, sc.parallel_access}
        %parallel_loop3A_181 = arith.constant 0 : i32
        %parallel_loop3A_182 = arith.constant 2048 : i32
        %parallel_loop3A_183 = arith.constant 16 : i32
        scf.for %parallel_loop3A_218 = %parallel_loop3A_181 to %parallel_loop3A_182 step %parallel_loop3A_183  : i32 {
          %parallel_loop3A_219 = tpu.assume_multiple %parallel_loop3A_218, 16 : i32
          %parallel_loop3A_220 = arith.constant 1 : i32
          %parallel_loop3A_221 = arith.index_cast %parallel_loop3A_220 : i32 to index
          %parallel_loop3A_222 = arith.index_cast %parallel_loop3A_219 : i32 to index
          %parallel_loop3A_223 = tpu.vector_load %arg12[%parallel_loop3A_221, %parallel_loop3A_222] {strides = array<i32>} : memref<8x2048xf32, #tpu.memory_space<vmem>>, vector<1x16xf32>,
          %parallel_loop3A_224 = vector.shape_cast %parallel_loop3A_223 : vector<1x16xf32> to vector<16xf32>
          %parallel_loop3A_225 = arith.constant 1 : i32
          %parallel_loop3A_226 = arith.index_cast %parallel_loop3A_225 : i32 to index
          %parallel_loop3A_227 = arith.index_cast %parallel_loop3A_219 : i32 to index
          %parallel_loop3A_228 = tpu.vector_load %arg9[%parallel_loop3A_226, %parallel_loop3A_227] {strides = array<i32>} : memref<8x2048xf32, #tpu.memory_space<vmem>>, vector<1x16xf32>,
          %parallel_loop3A_229 = vector.shape_cast %parallel_loop3A_228 : vector<1x16xf32> to vector<16xf32>
          %parallel_loop3A_230 = vector.shape_cast %parallel_loop3A_224 : vector<16xf32> to vector<1x16xf32>
          tpu.vector_store %arg9[%parallel_loop3A_226, %parallel_loop3A_227], %parallel_loop3A_230 {add = true, strides = array<i32>} : memref<8x2048xf32, #tpu.memory_space<vmem>>, vector<1x16xf32>,
        } {sc.loop_unroll_factor = 16 : i64, sc.parallel_access}
        %parallel_loop3A_184 = arith.constant 0 : i32
        %parallel_loop3A_185 = arith.constant 2048 : i32
        %parallel_loop3A_186 = arith.constant 16 : i32
        scf.for %parallel_loop3A_218 = %parallel_loop3A_184 to %parallel_loop3A_185 step %parallel_loop3A_186  : i32 {
          %parallel_loop3A_219 = tpu.assume_multiple %parallel_loop3A_218, 16 : i32
          %parallel_loop3A_220 = arith.constant 2 : i32
          %parallel_loop3A_221 = arith.index_cast %parallel_loop3A_220 : i32 to index
          %parallel_loop3A_222 = arith.index_cast %parallel_loop3A_219 : i32 to index
          %parallel_loop3A_223 = tpu.vector_load %arg12[%parallel_loop3A_221, %parallel_loop3A_222] {strides = array<i32>} : memref<8x2048xf32, #tpu.memory_space<vmem>>, vector<1x16xf32>,
          %parallel_loop3A_224 = vector.shape_cast %parallel_loop3A_223 : vector<1x16xf32> to vector<16xf32>
          %parallel_loop3A_225 = arith.constant 2 : i32
          %parallel_loop3A_226 = arith.index_cast %parallel_loop3A_225 : i32 to index
          %parallel_loop3A_227 = arith.index_cast %parallel_loop3A_219 : i32 to index
          %parallel_loop3A_228 = tpu.vector_load %arg9[%parallel_loop3A_226, %parallel_loop3A_227] {strides = array<i32>} : memref<8x2048xf32, #tpu.memory_space<vmem>>, vector<1x16xf32>,
          %parallel_loop3A_229 = vector.shape_cast %parallel_loop3A_228 : vector<1x16xf32> to vector<16xf32>
          %parallel_loop3A_230 = vector.shape_cast %parallel_loop3A_224 : vector<16xf32> to vector<1x16xf32>
          tpu.vector_store %arg9[%parallel_loop3A_226, %parallel_loop3A_227], %parallel_loop3A_230 {add = true, strides = array<i32>} : memref<8x2048xf32, #tpu.memory_space<vmem>>, vector<1x16xf32>,
        } {sc.loop_unroll_factor = 16 : i64, sc.parallel_access}
        %parallel_loop3A_187 = arith.constant 0 : i32
        %parallel_loop3A_188 = arith.constant 2048 : i32
        %parallel_loop3A_189 = arith.constant 16 : i32
        scf.for %parallel_loop3A_218 = %parallel_loop3A_187 to %parallel_loop3A_188 step %parallel_loop3A_189  : i32 {
          %parallel_loop3A_219 = tpu.assume_multiple %parallel_loop3A_218, 16 : i32
          %parallel_loop3A_220 = arith.constant 3 : i32
          %parallel_loop3A_221 = arith.index_cast %parallel_loop3A_220 : i32 to index
          %parallel_loop3A_222 = arith.index_cast %parallel_loop3A_219 : i32 to index
          %parallel_loop3A_223 = tpu.vector_load %arg12[%parallel_loop3A_221, %parallel_loop3A_222] {strides = array<i32>} : memref<8x2048xf32, #tpu.memory_space<vmem>>, vector<1x16xf32>,
          %parallel_loop3A_224 = vector.shape_cast %parallel_loop3A_223 : vector<1x16xf32> to vector<16xf32>
          %parallel_loop3A_225 = arith.constant 3 : i32
          %parallel_loop3A_226 = arith.index_cast %parallel_loop3A_225 : i32 to index
          %parallel_loop3A_227 = arith.index_cast %parallel_loop3A_219 : i32 to index
          %parallel_loop3A_228 = tpu.vector_load %arg9[%parallel_loop3A_226, %parallel_loop3A_227] {strides = array<i32>} : memref<8x2048xf32, #tpu.memory_space<vmem>>, vector<1x16xf32>,
          %parallel_loop3A_229 = vector.shape_cast %parallel_loop3A_228 : vector<1x16xf32> to vector<16xf32>
          %parallel_loop3A_230 = vector.shape_cast %parallel_loop3A_224 : vector<16xf32> to vector<1x16xf32>
          tpu.vector_store %arg9[%parallel_loop3A_226, %parallel_loop3A_227], %parallel_loop3A_230 {add = true, strides = array<i32>} : memref<8x2048xf32, #tpu.memory_space<vmem>>, vector<1x16xf32>,
        } {sc.loop_unroll_factor = 16 : i64, sc.parallel_access}
        %parallel_loop3A_190 = arith.constant 0 : i32
        %parallel_loop3A_191 = arith.constant 2048 : i32
        %parallel_loop3A_192 = arith.constant 16 : i32
        scf.for %parallel_loop3A_218 = %parallel_loop3A_190 to %parallel_loop3A_191 step %parallel_loop3A_192  : i32 {
          %parallel_loop3A_219 = tpu.assume_multiple %parallel_loop3A_218, 16 : i32
          %parallel_loop3A_220 = arith.constant 4 : i32
          %parallel_loop3A_221 = arith.index_cast %parallel_loop3A_220 : i32 to index
          %parallel_loop3A_222 = arith.index_cast %parallel_loop3A_219 : i32 to index
          %parallel_loop3A_223 = tpu.vector_load %arg12[%parallel_loop3A_221, %parallel_loop3A_222] {strides = array<i32>} : memref<8x2048xf32, #tpu.memory_space<vmem>>, vector<1x16xf32>,
          %parallel_loop3A_224 = vector.shape_cast %parallel_loop3A_223 : vector<1x16xf32> to vector<16xf32>
          %parallel_loop3A_225 = arith.constant 4 : i32
          %parallel_loop3A_226 = arith.index_cast %parallel_loop3A_225 : i32 to index
          %parallel_loop3A_227 = arith.index_cast %parallel_loop3A_219 : i32 to index
          %parallel_loop3A_228 = tpu.vector_load %arg9[%parallel_loop3A_226, %parallel_loop3A_227] {strides = array<i32>} : memref<8x2048xf32, #tpu.memory_space<vmem>>, vector<1x16xf32>,
          %parallel_loop3A_229 = vector.shape_cast %parallel_loop3A_228 : vector<1x16xf32> to vector<16xf32>
          %parallel_loop3A_230 = vector.shape_cast %parallel_loop3A_224 : vector<16xf32> to vector<1x16xf32>
          tpu.vector_store %arg9[%parallel_loop3A_226, %parallel_loop3A_227], %parallel_loop3A_230 {add = true, strides = array<i32>} : memref<8x2048xf32, #tpu.memory_space<vmem>>, vector<1x16xf32>,
        } {sc.loop_unroll_factor = 16 : i64, sc.parallel_access}
        %parallel_loop3A_193 = arith.constant 0 : i32
        %parallel_loop3A_194 = arith.constant 2048 : i32
        %parallel_loop3A_195 = arith.constant 16 : i32
        scf.for %parallel_loop3A_218 = %parallel_loop3A_193 to %parallel_loop3A_194 step %parallel_loop3A_195  : i32 {
          %parallel_loop3A_219 = tpu.assume_multiple %parallel_loop3A_218, 16 : i32
          %parallel_loop3A_220 = arith.constant 5 : i32
          %parallel_loop3A_221 = arith.index_cast %parallel_loop3A_220 : i32 to index
          %parallel_loop3A_222 = arith.index_cast %parallel_loop3A_219 : i32 to index
          %parallel_loop3A_223 = tpu.vector_load %arg12[%parallel_loop3A_221, %parallel_loop3A_222] {strides = array<i32>} : memref<8x2048xf32, #tpu.memory_space<vmem>>, vector<1x16xf32>,
          %parallel_loop3A_224 = vector.shape_cast %parallel_loop3A_223 : vector<1x16xf32> to vector<16xf32>
          %parallel_loop3A_225 = arith.constant 5 : i32
          %parallel_loop3A_226 = arith.index_cast %parallel_loop3A_225 : i32 to index
          %parallel_loop3A_227 = arith.index_cast %parallel_loop3A_219 : i32 to index
          %parallel_loop3A_228 = tpu.vector_load %arg9[%parallel_loop3A_226, %parallel_loop3A_227] {strides = array<i32>} : memref<8x2048xf32, #tpu.memory_space<vmem>>, vector<1x16xf32>,
          %parallel_loop3A_229 = vector.shape_cast %parallel_loop3A_228 : vector<1x16xf32> to vector<16xf32>
          %parallel_loop3A_230 = vector.shape_cast %parallel_loop3A_224 : vector<16xf32> to vector<1x16xf32>
          tpu.vector_store %arg9[%parallel_loop3A_226, %parallel_loop3A_227], %parallel_loop3A_230 {add = true, strides = array<i32>} : memref<8x2048xf32, #tpu.memory_space<vmem>>, vector<1x16xf32>,
        } {sc.loop_unroll_factor = 16 : i64, sc.parallel_access}
        %parallel_loop3A_196 = arith.constant 0 : i32
        %parallel_loop3A_197 = arith.constant 2048 : i32
        %parallel_loop3A_198 = arith.constant 16 : i32
        scf.for %parallel_loop3A_218 = %parallel_loop3A_196 to %parallel_loop3A_197 step %parallel_loop3A_198  : i32 {
          %parallel_loop3A_219 = tpu.assume_multiple %parallel_loop3A_218, 16 : i32
          %parallel_loop3A_220 = arith.constant 6 : i32
          %parallel_loop3A_221 = arith.index_cast %parallel_loop3A_220 : i32 to index
          %parallel_loop3A_222 = arith.index_cast %parallel_loop3A_219 : i32 to index
          %parallel_loop3A_223 = tpu.vector_load %arg12[%parallel_loop3A_221, %parallel_loop3A_222] {strides = array<i32>} : memref<8x2048xf32, #tpu.memory_space<vmem>>, vector<1x16xf32>,
          %parallel_loop3A_224 = vector.shape_cast %parallel_loop3A_223 : vector<1x16xf32> to vector<16xf32>
          %parallel_loop3A_225 = arith.constant 6 : i32
          %parallel_loop3A_226 = arith.index_cast %parallel_loop3A_225 : i32 to index
          %parallel_loop3A_227 = arith.index_cast %parallel_loop3A_219 : i32 to index
          %parallel_loop3A_228 = tpu.vector_load %arg9[%parallel_loop3A_226, %parallel_loop3A_227] {strides = array<i32>} : memref<8x2048xf32, #tpu.memory_space<vmem>>, vector<1x16xf32>,
          %parallel_loop3A_229 = vector.shape_cast %parallel_loop3A_228 : vector<1x16xf32> to vector<16xf32>
          %parallel_loop3A_230 = vector.shape_cast %parallel_loop3A_224 : vector<16xf32> to vector<1x16xf32>
          tpu.vector_store %arg9[%parallel_loop3A_226, %parallel_loop3A_227], %parallel_loop3A_230 {add = true, strides = array<i32>} : memref<8x2048xf32, #tpu.memory_space<vmem>>, vector<1x16xf32>,
        } {sc.loop_unroll_factor = 16 : i64, sc.parallel_access}
        %parallel_loop3A_199 = arith.constant 0 : i32
        %parallel_loop3A_200 = arith.constant 2048 : i32
        %parallel_loop3A_201 = arith.constant 16 : i32
        scf.for %parallel_loop3A_218 = %parallel_loop3A_199 to %parallel_loop3A_200 step %parallel_loop3A_201  : i32 {
          %parallel_loop3A_219 = tpu.assume_multiple %parallel_loop3A_218, 16 : i32
          %parallel_loop3A_220 = arith.constant 7 : i32
          %parallel_loop3A_221 = arith.index_cast %parallel_loop3A_220 : i32 to index
          %parallel_loop3A_222 = arith.index_cast %parallel_loop3A_219 : i32 to index
          %parallel_loop3A_223 = tpu.vector_load %arg12[%parallel_loop3A_221, %parallel_loop3A_222] {strides = array<i32>} : memref<8x2048xf32, #tpu.memory_space<vmem>>, vector<1x16xf32>,
          %parallel_loop3A_224 = vector.shape_cast %parallel_loop3A_223 : vector<1x16xf32> to vector<16xf32>
          %parallel_loop3A_225 = arith.constant 7 : i32
          %parallel_loop3A_226 = arith.index_cast %parallel_loop3A_225 : i32 to index
          %parallel_loop3A_227 = arith.index_cast %parallel_loop3A_219 : i32 to index
          %parallel_loop3A_228 = tpu.vector_load %arg9[%parallel_loop3A_226, %parallel_loop3A_227] {strides = array<i32>} : memref<8x2048xf32, #tpu.memory_space<vmem>>, vector<1x16xf32>,
          %parallel_loop3A_229 = vector.shape_cast %parallel_loop3A_228 : vector<1x16xf32> to vector<16xf32>
          %parallel_loop3A_230 = vector.shape_cast %parallel_loop3A_224 : vector<16xf32> to vector<1x16xf32>
          tpu.vector_store %arg9[%parallel_loop3A_226, %parallel_loop3A_227], %parallel_loop3A_230 {add = true, strides = array<i32>} : memref<8x2048xf32, #tpu.memory_space<vmem>>, vector<1x16xf32>,
        } {sc.loop_unroll_factor = 16 : i64, sc.parallel_access}
        %mul3A_202 = arith.constant 8 : i32
        %mul3A_203 = arith.muli %add3A_139, %mul3A_202 : i32
        %add3A_204 = arith.addi %mul3A_32, %mul3A_203 : i32
        %dma_start3A_205 = arith.constant 0 : i32
        %dma_start3A_206 = tpu.memref_slice %arg5[%select_n3A, %add3A_204, %dma_start3A_205] : memref<4x4096x2048xf32, #tpu.memory_space<hbm>> -> memref<1x8x2048xf32, #tpu.memory_space<hbm>>
        %dma_start3A_207 = tpu.memref_squeeze %dma_start3A_206 : memref<1x8x2048xf32, #tpu.memory_space<hbm>> -> memref<8x2048xf32, #tpu.memory_space<hbm>>
        %dma_start3A_208 = arith.constant 0 : i32
        %dma_start3A_209 = tpu.memref_slice %arg5[%select_n3A, %add3A_204, %dma_start3A_208] : memref<4x4096x2048xf32, #tpu.memory_space<hbm>> -> memref<1x8x2048xf32, #tpu.memory_space<hbm>>
        %dma_start3A_210 = tpu.memref_squeeze %dma_start3A_209 : memref<1x8x2048xf32, #tpu.memory_space<hbm>> -> memref<8x2048xf32, #tpu.memory_space<hbm>>
        tpu.enqueue_dma source(%arg9 : memref<8x2048xf32, #tpu.memory_space<vmem>>) target(%dma_start3A_210 : memref<8x2048xf32, #tpu.memory_space<hbm>>) target_semaphore(%arg21 : memref<!tpu.dma_semaphore, #tpu.memory_space<semaphore_mem>>)
        %add3A_211 = arith.constant 3 : i32
        %add3A_212 = arith.addi %add3A_139, %add3A_211 : i32
        %lt3A_213 = arith.constant 64 : i32
        %lt3A_214 = arith.cmpi slt, %add3A_212, %lt3A_213 : i32
        %convert_element_type3A_215 = arith.extui %lt3A_214 : i1 to i32
        %cond3A_216 = arith.constant 0 : i32
        %cond3A_217 = arith.cmpi ne, %convert_element_type3A_215, %cond3A_216 : i32
        scf.if %cond3A_217 {
          %add3A_218 = arith.constant 3 : i32
          %add3A_219 = arith.addi %add3A_139, %add3A_218 : i32
          %mul3A_220 = arith.constant 8 : i32
          %mul3A_221 = arith.muli %add3A_219, %mul3A_220 : i32
          %multiple_of3A_222 = tpu.assume_multiple %mul3A_221, 8 : i32
          %dma_start3A_223 = tpu.memref_slice %arg6[%multiple_of3A_222] : memref<512xi32, #tpu.memory_space<vmem>> -> memref<8xi32, #tpu.memory_space<vmem>>
          %dma_start3A_224 = arith.constant 0 : i32
          %dma_start3A_225 = arith.constant 0 : i32
          %dma_start3A_226 = tpu.memref_slice %arg4[%scan3A_80, %dma_start3A_224, %dma_start3A_225] : memref<1x5001x2048xf32, #tpu.memory_space<hbm>> -> memref<1x5001x2048xf32, #tpu.memory_space<hbm>>
          %dma_start3A_227 = tpu.memref_squeeze %dma_start3A_226 : memref<1x5001x2048xf32, #tpu.memory_space<hbm>> -> memref<5001x2048xf32, #tpu.memory_space<hbm>>
          %dma_start3A_228 = arith.constant 0 : i32
          %dma_start3A_229 = arith.constant 0 : i32
          %dma_start3A_230 = tpu.memref_slice %dma_start3A_227[%dma_start3A_228, %dma_start3A_229] : memref<5001x2048xf32, #tpu.memory_space<hbm>> -> memref<5001x2048xf32, #tpu.memory_space<hbm>>
          tpu.enqueue_indirect_dma source(%dma_start3A_230 : memref<5001x2048xf32, #tpu.memory_space<hbm>>) target(%arg12 : memref<8x2048xf32, #tpu.memory_space<vmem>>) offsets(%dma_start3A_223 : memref<8xi32, #tpu.memory_space<vmem>>) semaphore(%arg15 : memref<!tpu.dma_semaphore, #tpu.memory_space<semaphore_mem>>)
        } else {
        }
      } else {
      }
      %ge3A_145 = arith.constant 1 : i32
      %ge3A_146 = arith.cmpi sge, %add3A_139, %ge3A_145 : i32
      %sub3A_147 = arith.constant 1 : i32
      %sub3A_148 = arith.subi %add3A_139, %sub3A_147 : i32
      %lt3A_149 = arith.constant 64 : i32
      %lt3A_150 = arith.cmpi slt, %sub3A_148, %lt3A_149 : i32
      %and3A_151 = arith.andi %ge3A_146, %lt3A_150 : i1
      %convert_element_type3A_152 = arith.extui %and3A_151 : i1 to i32
      %cond3A_153 = arith.constant 0 : i32
      %cond3A_154 = arith.cmpi ne, %convert_element_type3A_152, %cond3A_153 : i32
      scf.if %cond3A_154 {
        %dma_wait3A = arith.constant 0 : i32
        %dma_wait3A_162 = arith.constant 0 : i32
        %dma_wait3A_163 = arith.constant 0 : i32
        %dma_wait3A_164 = tpu.memref_slice %arg2[%dma_wait3A, %dma_wait3A_162, %dma_wait3A_163] : memref<4x4096x2048xf32, #tpu.memory_space<hbm>> -> memref<1x8x2048xf32, #tpu.memory_space<hbm>>
        %dma_wait3A_165 = tpu.memref_squeeze %dma_wait3A_164 : memref<1x8x2048xf32, #tpu.memory_space<hbm>> -> memref<8x2048xf32, #tpu.memory_space<hbm>>
        %dma_wait3A_166 = arith.constant 0 : i32
        %dma_wait3A_167 = arith.constant 0 : i32
        %dma_wait3A_168 = tpu.memref_slice %arg2[%dma_wait3A, %dma_wait3A_166, %dma_wait3A_167] : memref<4x4096x2048xf32, #tpu.memory_space<hbm>> -> memref<1x8x2048xf32, #tpu.memory_space<hbm>>
        %dma_wait3A_169 = tpu.memref_squeeze %dma_wait3A_168 : memref<1x8x2048xf32, #tpu.memory_space<hbm>> -> memref<8x2048xf32, #tpu.memory_space<hbm>>
        tpu.wait_dma2 semaphore(%arg20 : memref<!tpu.dma_semaphore, #tpu.memory_space<semaphore_mem>>) src(%dma_wait3A_169 : memref<8x2048xf32, #tpu.memory_space<hbm>>) dst(%arg8 : memref<8x2048xf32, #tpu.memory_space<vmem>>)
      } else {
      }
      %add3A_155 = arith.constant 2 : i32
      %add3A_156 = arith.addi %add3A_139, %add3A_155 : i32
      %lt3A_157 = arith.constant 64 : i32
      %lt3A_158 = arith.cmpi slt, %add3A_156, %lt3A_157 : i32
      %convert_element_type3A_159 = arith.extui %lt3A_158 : i1 to i32
      %cond3A_160 = arith.constant 0 : i32
      %cond3A_161 = arith.cmpi ne, %convert_element_type3A_159, %cond3A_160 : i32
      scf.if %cond3A_161 {
        %add3A_162 = arith.constant 2 : i32
        %add3A_163 = arith.addi %add3A_139, %add3A_162 : i32
        %mul3A_164 = arith.constant 8 : i32
        %mul3A_165 = arith.muli %add3A_163, %mul3A_164 : i32
        %add3A_166 = arith.addi %mul3A_32, %mul3A_165 : i32
        %dma_start3A_167 = arith.constant 0 : i32
        %dma_start3A_168 = tpu.memref_slice %arg2[%select_n3A, %add3A_166, %dma_start3A_167] : memref<4x4096x2048xf32, #tpu.memory_space<hbm>> -> memref<1x8x2048xf32, #tpu.memory_space<hbm>>
        %dma_start3A_169 = tpu.memref_squeeze %dma_start3A_168 : memref<1x8x2048xf32, #tpu.memory_space<hbm>> -> memref<8x2048xf32, #tpu.memory_space<hbm>>
        %dma_start3A_170 = arith.constant 0 : i32
        %dma_start3A_171 = tpu.memref_slice %arg2[%select_n3A, %add3A_166, %dma_start3A_170] : memref<4x4096x2048xf32, #tpu.memory_space<hbm>> -> memref<1x8x2048xf32, #tpu.memory_space<hbm>>
        %dma_start3A_172 = tpu.memref_squeeze %dma_start3A_171 : memref<1x8x2048xf32, #tpu.memory_space<hbm>> -> memref<8x2048xf32, #tpu.memory_space<hbm>>
        tpu.enqueue_dma source(%dma_start3A_172 : memref<8x2048xf32, #tpu.memory_space<hbm>>) target(%arg8 : memref<8x2048xf32, #tpu.memory_space<vmem>>) target_semaphore(%arg17 : memref<!tpu.dma_semaphore, #tpu.memory_space<semaphore_mem>>)
      } else {
      }
    }
    %scan3A_85 = arith.constant 22 : i32
    return
  }
}

</mosaic_0001>

<sc_bundles>
// kernel: kernel.3.cloned.1.call-start
scs
__scs_entry_jumppad:
0x0: {  	(pc) =	sbr.rel $0x88, $3  }
0x1: {  	(tag) =	ssettag $0x0;
	lr =	simm.s32 $0x1  }
0x2: {  	[smem:$0x3F9E] =	sst lr;
	_ =	strace $0xD0000000  }
0x3: {  	_ = 	snop  }
0x4: {  	_ = 	snop  }
0x5: {  	_ = 	snop  }
0x6: {  	_ = 	snop  }
0x7: {  	_ = 	snop  }
__scs_overlays_trampoline_lowered:
0x8: {  	[smem:$0x3FAD] =	sst s0  }
0x9: {  	[smem:$0x3FAE] =	sst s1  }
0xa: {  	[smem:$0x3FAF] =	sst s2  }
0xb: {  	[smem:$0x3FB0] =	sst s3  }
0xc: {  	[smem:$0x3FB1] =	sst s4  }
0xd: {  	[smem:$0x3FB2] =	sst s5  }
0xe: {  	[smem:$0x3FB3] =	sst s6  }
0xf: {  	[smem:$0x3FB4] =	sst s7  }
0x10: {  	[smem:$0x3FB5] =	sst s8  }
0x11: {  	[smem:$0x3FB6] =	sst s9;
	s0 =	simm.s32 @!p0 $0x0  }
0x12: {  	s1 =	sld [smem:$0x3F9C];
	s0 =	simm.s32 @p0 $0x1  }
0x13: {  	[smem:$0x3FB7] =	sst s0;
	s0 =	simm.s32 @!p1 $0x0  }
0x14: {  	s2 =	sld [smem:$0x3F9B];
	s0 =	simm.s32 @p1 $0x1  }
0x15: {  	[smem:$0x3FB8] =	sst s0;
	s0 =	simm.s32 @!p2 $0x0  }
0x16: {  	s3 =	sld [smem:$0x3FDB];
	s0 =	simm.s32 @p2 $0x1  }
0x17: {  	s4 =	simm.s32 $0x1BF5;
	[smem:$0x3FBA] =	sst s0  }
0x18: {  	s0 =	sld [smem:$0x3F9D];
	_ =	swait.ge [sflag:s4], $0x0  }
0x19: {  	s7 =	sld [smem:$0x3F9E]  }
0x1a: {  	s8 =	sadd.s32 $0xFFFFE003, lr  }
0x1b: {  	s9 =	sadd.s32 $0xFFFFFEF7, lr;
	s5 =	simm.s32 $0xFFFFFFFF;
	p2 =	slt.u32 s8, $0xFFFFF086  }
0x1c: {  	p1 =	slt.u32 s9, $0xF7A;
	s5 =	simm.s32 @!p2 $0x0  }
0x1d: {  	s5 =	simm.s32 @p1 $0x1;
	p0 =	seq.s32 s7, s2  }
0x1e: {  	s7 =	smul.u32 @!p0 $0xF7A, s2;
	p2 =	seq.s32 @!p0 s5, $0x0  }
0x1f: {  	s9 =	smul.u32 $0xF7A, s1;
	s8 =	simm.s32 @!p0 $0x1BF5;
	p2 =	por !p2, p0  }
0x20: {  	[sflag:s8] =	ssyncset.s32 @!p0 $0xFFFFF086;
	s6 =	sadd.s32 @!p0 s3, s7;
	s7 =	simm.s32 @!p0 $0x108  }
0x21: {  	s3 =	sadd.s32 s3, s9;
	s6 =	sadd.s32 @!p0 $0x88, s6;
	s7 =	simm.s32 @p2 $0x1082  }
0x22: {  	[simem:s7], [sflag:s8] =	dma.local @!p0 [hbm:s6], $0xF7A  }
0x23: {  	s9 =	sor.u32 $0xD0000000, s2;
	s6 =	simm.s32 $0x108;
	_ =	swait.ge @!p0 [sflag:s8], $0x0  }
0x24: {  	s3 =	sadd.s32 $0x88, s3;
	s6 =	simm.s32 @!p1 $0x1082;
	[sflag:s4] =	ssyncset.s32 $0xFFFFF086  }
0x25: {  	[simem:s6], [sflag:s4] =	dma.local [hbm:s3], $0xF7A  }
0x26: {  	[smem:$0x3F9E] =	sst s1;
	(tag) =	ssettag s2;
	_ =	strace s9  }
0x27: {  	s1 =	sld [smem:$0x3FAE]  }
0x28: {  	s2 =	sld [smem:$0x3FAF]  }
0x29: {  	s4 =	sld [smem:$0x3FB1]  }
0x2a: {  	p0 =	seq.s32 s5, $0x0;
	s5 =	sld [smem:$0x3FB2]  }
0x2b: {  	s6 =	sld [smem:$0x3FB3]  }
0x2c: {  	s7 =	sld [smem:$0x3FB4]  }
0x2d: {  	s3 =	simm.s32 $0x108;
	s8 =	sld [smem:$0x3FB5]  }
0x2e: {  	s3 =	simm.s32 @!p0 $0x1082;
	s9 =	sld [smem:$0x3FB6]  }
0x2f: {  	lr =	sadd.s32 s0, s3;
	s0 =	sld [smem:$0x3FAD]  }
0x30: {  	s3 =	sld [smem:$0x3FB0]  }
0x31: {  	[smem:$0x3FB9] =	sst s10  }
0x32: {  	s10 =	sld [smem:$0x3FB7];
	_ =	sdelay $0x3  }
0x33: {  	p0 =	seq.s32 s10, $0x1;
	s10 =	sld [smem:$0x3FB9];
	_ =	sdelay $0x3  }
0x34: {  	[smem:$0x3FB9] =	sst s10  }
0x35: {  	s10 =	sld [smem:$0x3FB8];
	_ =	sdelay $0x3  }
0x36: {  	p1 =	seq.s32 s10, $0x1;
	s10 =	sld [smem:$0x3FB9];
	_ =	sdelay $0x3  }
0x37: {  	[smem:$0x3FB9] =	sst s10  }
0x38: {  	s10 =	sld [smem:$0x3FBA]  }
0x39: {  	_ = 	snop;
	(pc) =	sbr.ind lr, $3  }
0x3a: {  	_ = 	snop  }
0x3b: {  	_ = 	snop  }
0x3c: {  	p2 =	seq.s32 s10, $0x1;
	s10 =	sld [smem:$0x3FB9]  }
0x3d: {  	_ =	shalt  }
0x3e: {  	_ =	shalt  }
0x3f: {  	_ =	shalt  }
0x40: {  	_ =	shalt  }
0x41: {  	_ =	shalt  }
0x42: {  	_ =	shalt  }
0x43: {  	_ =	shalt  }
0x44: {  	_ =	shalt  }
0x45: {  	_ =	shalt  }
0x46: {  	_ =	shalt  }
0x47: {  	_ =	shalt  }
0x48: {  	_ =	shalt  }
0x49: {  	_ =	shalt  }
0x4a: {  	_ =	shalt  }
0x4b: {  	_ =	shalt  }
0x4c: {  	_ =	shalt  }
0x4d: {  	_ =	shalt  }
0x4e: {  	_ =	shalt  }
0x4f: {  	_ =	shalt  }
0x50: {  	_ =	shalt  }
0x51: {  	_ =	shalt  }
0x52: {  	_ =	shalt  }
0x53: {  	_ =	shalt  }
0x54: {  	_ =	shalt  }
0x55: {  	_ =	shalt  }
0x56: {  	_ =	shalt  }
0x57: {  	_ =	shalt  }
0x58: {  	_ =	shalt  }
0x59: {  	_ =	shalt  }
0x5a: {  	_ =	shalt  }
0x5b: {  	_ =	shalt  }
0x5c: {  	_ =	shalt  }
0x5d: {  	_ =	shalt  }
0x5e: {  	_ =	shalt  }
0x5f: {  	_ =	shalt  }
0x60: {  	_ =	shalt  }
0x61: {  	_ =	shalt  }
0x62: {  	_ =	shalt  }
0x63: {  	_ =	shalt  }
0x64: {  	_ =	shalt  }
0x65: {  	_ =	shalt  }
0x66: {  	_ =	shalt  }
0x67: {  	_ =	shalt  }
0x68: {  	_ =	shalt  }
0x69: {  	_ =	shalt  }
0x6a: {  	_ =	shalt  }
0x6b: {  	_ =	shalt  }
0x6c: {  	_ =	shalt  }
0x6d: {  	_ =	shalt  }
0x6e: {  	_ =	shalt  }
0x6f: {  	_ =	shalt  }
0x70: {  	_ =	shalt  }
0x71: {  	_ =	shalt  }
0x72: {  	_ =	shalt  }
0x73: {  	_ =	shalt  }
0x74: {  	_ =	shalt  }
0x75: {  	_ =	shalt  }
0x76: {  	_ =	shalt  }
0x77: {  	_ =	shalt  }
0x78: {  	_ =	shalt  }
0x79: {  	_ =	shalt  }
0x7a: {  	_ =	shalt  }
0x7b: {  	_ =	shalt  }
0x7c: {  	_ =	shalt  }
0x7d: {  	_ =	shalt  }
0x7e: {  	_ =	shalt  }
0x7f: {  	_ =	shalt  }
0x80: {  	_ =	shalt  }
0x81: {  	_ =	shalt  }
0x82: {  	_ =	shalt  }
0x83: {  	_ =	shalt  }
0x84: {  	_ =	shalt  }
0x85: {  	_ =	shalt  }
0x86: {  	_ =	shalt  }
0x87: {  	_ =	shalt  }
.Lfunc_end0:
.L_simem_size_0:
called_computation_lowered:
.L_overlay_start_0:
0x88: {  	s2 =	sld [smem:$0x3FD9]  }
0x89: {  	s3 =	sld [smem:$0x3FFE];
	_ =	sdelay $0x1  }
0x8a: {  	s1 =	srdreg.scid  }
0x8b: {  	s0 =	sand.u32 $0x1, s1  }
0x8c: {  	s17 =	sshll.u32 s0, $0xA;
	s2 =	sadd.s32 s3, s2  }
0x8d: {  	s2 =	sadd.s32 s2, s17  }
0x8e: {  	[smem:$0x3FC5] =	sst s2  }
0x8f: {  	_ = 	snop  }
0x90: {  	s2 =	sld [smem:$0x3FC9]  }
0x91: {  	s18 =	sld [smem:$0x3FC8]  }
0x92: {  	s4 =	sld [smem:$0x3FD0];
	(tm) =	ssettm $0x1  }
0x93: {  	s5 =	sld [smem:$0x3FFB];
	_ =	sdelay $0x3  }
0x94: {  	_ =	strace s5  }
0x95: {  	s5 =	sld [smem:$0x3FFC];
	_ =	sdelay $0x3  }
0x96: {  	_ =	strace s5  }
0x97: {  	s5 =	sld [smem:$0x3FFD];
	_ =	sdelay $0x3  }
0x98: {  	_ =	strace s5  }
0x99: {  	_ =	strace $0x8FFFFFFF  }
0x9a: {  	s19 =	sld [smem:$0x3FDB];
	_ =	sdelay $0x1  }
0x9b: {  	s6 =	simm.s32 $_scs_section_size  }
0x9c: {  	s7 =	simm.s32 $_size__tile_overlayer_lowered;
	s8 =	simm.s32 $_tile_overlayer_lowered  }
0x9d: {  	s22 =	simm.s32 $0x1BFF;
	s21 =	sshll.u32 s8, $0x1;
	s5 =	sadd.s32 s6, s19  }
0x9e: {  	s9 =	simm.s32 $0x0;
	s20 =	sshll.u32 s7, $0x1;
	s7 =	sadd.s32 s21, s5  }
0x9f: {  	[timem:s9], [sflag:s22] =	dma.local [hbm:s7], s20  }
0xa0: {  	_ =	swait.ge [sflag:s22], s20  }
0xa1: {  	s6 =	ssub.s32 $0x0, s20;
	[sflag:s22] =	ssyncset.done $0x0  }
0xa2: {  	[sflag:s22] =	ssyncadd.s32 s6;
	_ =	sdelay $0x1  }
0xa3: {  	s23 =	simm.s32 $0x1B8B  }
0xa4: {  	_ =	swait.ge [sflag:s23], $0x1  }
0xa5: {  	[sflag:s23] =	ssyncset.done $0x0  }
0xa6: {  	s25 =	simm.s32 $0x1B8E;
	s24 =	sld [smem:$0x3FFE];
	[sflag:s23] =	ssyncadd.s32 $0xFFFFFFFF  }
0xa7: {  	s26 =	simm.s32 $execute0_lowered;
	[smem:$0x3FD2] =	sst s25  }
0xa8: {  	s7 =	sshll.u32 s26, $0x1;
	_ =	strace $0x80000046;
	[dreg:$0x1] =	wrdreg $0xFFFFFFFF  }
0xa9: {  	s28 =	simm.s32 $_size_execute0_lowered;
	s5 =	sadd.s32 s5, s7;
	[dreg:$0x0] =	wrdreg $0x0  }
0xaa: {  	s7 =	sshll.u32 s28, $0x1;
	[dreg:$0x2] =	wrdreg s5  }
0xab: {  	[dreg:$0x3] =	wrdreg s7  }
0xac: {  	[dreg:$0x4] =	wrdreg $0xC0  }
0xad: {  	_ =	task [dreg:s9], $0x5FFFF  }
0xae: {  	[dreg:$0x1] =	wrdreg $0xFFFFFFFF  }
0xaf: {  	[dreg:$0x0] =	wrdreg $0x60  }
0xb0: {  	[dreg:$0x2] =	wrdreg s2  }
0xb1: {  	[dreg:$0x3] =	wrdreg s18  }
0xb2: {  	[dreg:$0x4] =	wrdreg s24  }
0xb3: {  	[dreg:$0x5] =	wrdreg s4  }
0xb4: {  	[dreg:$0x6] =	wrdreg $0x9  }
0xb5: {  	_ =	task.clear_ibuf [dreg:s9], $0x7FFFF;
	_ =	strace $0x90000046  }
0xb6: {  	s29 =	simm.s32 $0x9;
	_ =	strace $0x80000048  }
0xb7: {  	_ =	swait.ge [sflag:s29], $0x1  }
0xb8: {  	[sflag:s29] =	ssyncadd.s32 $0xFFFFFFFF  }
0xb9: {  	_ =	strace $0x90000048  }
0xba: {  	_ =	sfence  }
0xbb: {  	s30 =	sld [smem:$0x0];
	_ =	sdelay $0x2  }
0xbc: {  	s31 =	sshll.u32 s1, $0xD;
	s1 =	sshrl.u32 s1, $0x2  }
0xbd: {  	s3 =	sand.u32 $0x4000, s31;
	s1 =	sadd.s32 s1, s30  }
0xbe: {  	s0 =	sor.u32 s3, s0;
	s1 =	sshll.u32 s1, $0x11  }
0xbf: {  	s0 =	sor.u32 s1, s0  }
0xc0: {  	s0 =	sadd.s32 $0x8F2B, s0  }
0xc1: {  	[sflag:s0] =	ssyncadd.remote.s32 $0x1  }
0xc2: {  	_ =	sfence.sel $0xFFFF  }
0xc3: {  	[dreg:$0x0] =	wrdreg $0xFFFFFFFF;
	(pc) =	sbr.abs _section_cstart, $3  }
0xc4: {  	[dreg:$0x1] =	wrdreg $0xFFFFFFFF  }
0xc5: {  	_ =	task.clear_ibuf [dreg:s9], $0x2FFFF;
	_ =	strace $0x9FFFFFFF  }
0xc6: {  	(tm) =	ssettm $0x7FFFFFFF  }
0xc7: {  	_ =	shalt  }
tec
execute0_lowered:
.L_overlay_start_1:
0x0: {  	(tag) =	ssettag $0x1  }
0x1: {  	s1 =	rddreg [dreg:$0x0]  }
0x2: {  	s0 =	rddreg [dreg:$0x1]  }
0x3: {  	s3 =	rddreg [dreg:$0x2]  }
0x4: {  	s2 =	rddreg [dreg:$0x3];
	s4 =	simm.s32 $0x0  }
0x5: {  	s6 =	srdreg.scid;
	s9 =	stileid.u32;
	s23 =	simm.s32 $0x200  }
0x6: {  	s16 =	simm.s32 $0x4;
	s20 =	simm.s32 $0x7;
	s24 =	simm.s32 $0x2  }
0x7: {  	s28 =	simm.s32 $0x6;
	[smem:$0x7FF] =	sst s4;
	s5 =	sadd.s32 $0x400, s3  }
0x8: {  	s6 =	sand.u32 $0x1, s6;
	s7 =	sshll.u32 s9, $0x1;
	s9 =	sshrl.u32 s9, $0x2  }
0x9: {  	s11 =	sadd.s32 $0x800, s3;
	s12 =	sadd.s32 $0x900, s3;
	s13 =	sadd.s32 $0xA00, s3  }
0xa: {  	s15 =	sadd.s32 $0xB00, s3;
	_ =	strace $0x80000047;
	s8 =	ssub.s32 $0x2, s6  }
0xb: {  	s7 =	sand.u32 $0x6, s7;
	s25 =	sshll.u32 s9, $0x4;
	s29 =	sshll.u32 s9, $0x17  }
0xc: {  	s10 =	sshrl.u32 s8, $0x1;
	s6 =	sor.u32 s6, s7;
	s0 =	sadd.s32 s0, s25  }
0xd: {  	s7 =	sadd.s32 $0x500, s3;
	s25 =	simm.s32 $0x5;
	s14 =	ssub.s32 s8, s10  }
0xe: {  	s26 =	sshll.u32 s6, $0x8;
	s6 =	sshll.u32 s6, $0x14;
	s8 =	sadd.s32 $0x600, s3  }
0xf: {  	s10 =	sadd.s32 $0x700, s3;
	s3 =	simm.s32 $0x0;
	s0 =	sadd.s32 s26, s0  }
0x10: {  	s9 =	sor.u32 s29, s6;
	s31 =	smax.u32 s14, $0x1;
	s6 =	simm.s32 $0x1  }
.Ltmp0:
0x11: {  	s14 =	simm.s32 $0x8200;
	[dreg:$0x5] =	wrdreg s0;
	(pc) =	sbr.rel .LBB2_1-.Ltmp0, $4  }
0x12: {  	s0 =	sshrl.u32 s9, $0x3;
	s30 =	sor.u32 $0x4000, s9;
	[dreg:$0x9] =	wrdreg s31  }
0x13: {  	v0 =	vlaneseq.u32;
	s26 =	simm.s32 $0x3;
	s0 =	sadd.s32 s1, s0;
	[dreg:$0x8] =	wrdreg s30  }
0x14: {  	v1 =	vshrl.u32 v0, $0x3;
	s18 =	sor.u32 $0xC000, s9;
	[dreg:$0x6] =	wrdreg s0;
	s0 =	sadd.s32 $0x800, s0  }
0x15: {  	vm0 =	vmmov $0xffff;
	v0 =	vand.u32 $0x7, v0;
	v1 =	vmul.u32 $0x8, v1;
	s19 =	sor.u32 $0x10000, s9;
	s21 =	sor.u32 $0x8000, s9;
	[dreg:$0x7] =	wrdreg s0  }
.LBB2_54:
0x16: {  	s0 =	simm.s32 $0x9  }
0x17: {  	_ =	swait.ge [sflag:s0], $0x4000  }
0x18: {  	[sflag:s0] =	ssyncset.done $0x0  }
0x19: {  	[sflag:s0] =	ssyncadd.s32 $0xFFFFC000  }
0x1a: {  	_ =	swait.ge [sflag:s20], $0x4000  }
0x1b: {  	[sflag:s20] =	ssyncset.done $0x0  }
0x1c: {  	[sflag:s20] =	ssyncadd.s32 $0xFFFFC000  }
.LBB2_52:
0x1d: {  	s3 =	rddreg [dreg:$0xa]  }
0x1e: {  	s0 =	rddreg [dreg:$0x9];
	s3 =	sadd.s32 $0x1, s3  }
0x1f: {  	p0 =	sne.s32 s3, s0  }
.Ltmp1:
0x20: {  	_ = 	snop;
	(pc) =	sbr.rel @!p0 .LBB2_53-.Ltmp1, $1  }
0x21: {  	_ =	sdelay $0x3  }
.LBB2_1:
0x22: {  	[dreg:$0xa] =	wrdreg s3  }
0x23: {  	s0 =	rddreg [dreg:$0x5];
	s17 =	simm.s32 $0x80;
	s22 =	simm.s32 $0xA  }
0x24: {  	[tilespmem:s4], [sflag:$0xA] =	stream.strided.gather [hbm4b:s0+s17], $0x200, s23, s17, $0x38;
	[tilespmem:$0x18200] =	vst v63  }
0x25: {  	_ =	swait.ge [sflag:s22], $0x200  }
0x26: {  	[sflag:s22] =	ssyncset.done $0x0  }
0x27: {  	[sflag:s22] =	ssyncadd.s32 $0xFFFFFE00  }
0x28: {  	v2 =	vld.msk [tilespmem:$0x0], $0xff;
	_ =	sdelay $0x4  }
0x29: {  	v3 =	vshll.u32 v2, $0x4  }
0x2a: {  	v2 =	vand.u32 $0x7, v2;
	v3 =	vand.u32 $0xFFFFFF80, v3  }
0x2b: {  	v2 =	vor.u32 v2, v3  }
0x2c: {  	v2 =	vperm.xlane v2, v0;
	_ =	sdelay $0x1  }
0x2d: {  	v2 =	vadd.s32 v1, v2;
	_ =	sdelay $0x3  }
0x2e: {  	s30 =	simm.s32 $0xC200  }
0x2f: {  	[tilespmem:s30], [sflag:$0x1] =	stream.indirect_vreg.gather [hbm4b:s5+s4], $0x80, v2, vm0, $0xb8;
	[tilespmem:$0x18200] =	vst v63  }
0x30: {  	s31 =	simm.s32 $0xCA00  }
0x31: {  	[tilespmem:s31], [sflag:$0x1] =	stream.indirect_vreg.gather [hbm4b:s7+s4], $0x80, v2, vm0, $0xb8;
	[tilespmem:$0x18200] =	vst v63  }
0x32: {  	s3 =	simm.s32 $0xD200  }
0x33: {  	[tilespmem:s3], [sflag:$0x1] =	stream.indirect_vreg.gather [hbm4b:s8+s4], $0x80, v2, vm0, $0xb8;
	[tilespmem:$0x18200] =	vst v63  }
0x34: {  	s17 =	simm.s32 $0xDA00  }
0x35: {  	[tilespmem:s17], [sflag:$0x1] =	stream.indirect_vreg.gather [hbm4b:s10+s4], $0x80, v2, vm0, $0xb8;
	[tilespmem:$0x18200] =	vst v63  }
0x36: {  	s22 =	simm.s32 $0xE200  }
0x37: {  	[tilespmem:s22], [sflag:$0x1] =	stream.indirect_vreg.gather [hbm4b:s11+s4], $0x80, v2, vm0, $0xb8;
	[tilespmem:$0x18200] =	vst v63  }
0x38: {  	s30 =	simm.s32 $0xEA00  }
0x39: {  	[tilespmem:s30], [sflag:$0x1] =	stream.indirect_vreg.gather [hbm4b:s12+s4], $0x80, v2, vm0, $0xb8;
	[tilespmem:$0x18200] =	vst v63  }
0x3a: {  	s31 =	simm.s32 $0xF200  }
0x3b: {  	[tilespmem:s31], [sflag:$0x1] =	stream.indirect_vreg.gather [hbm4b:s13+s4], $0x80, v2, vm0, $0xb8;
	[tilespmem:$0x18200] =	vst v63  }
0x3c: {  	s3 =	simm.s32 $0xFA00  }
0x3d: {  	[tilespmem:s3], [sflag:$0x1] =	stream.indirect_vreg.gather [hbm4b:s15+s4], $0x80, v2, vm0, $0xb8;
	[tilespmem:$0x18200] =	vst v63  }
0x3e: {  	v2 =	vld.msk [tilespmem:$0x8], $0xff;
	_ =	sdelay $0x4  }
0x3f: {  	v3 =	vshll.u32 v2, $0x4  }
0x40: {  	v2 =	vand.u32 $0x7, v2;
	v3 =	vand.u32 $0xFFFFFF80, v3  }
0x41: {  	v2 =	vor.u32 v2, v3  }
0x42: {  	v2 =	vperm.xlane v2, v0;
	_ =	sdelay $0x1  }
0x43: {  	v2 =	vadd.s32 v1, v2;
	_ =	sdelay $0x3  }
0x44: {  	s17 =	simm.s32 $0x10200  }
0x45: {  	[tilespmem:s17], [sflag:$0x2] =	stream.indirect_vreg.gather [hbm4b:s5+s4], $0x80, v2, vm0, $0xb8;
	[tilespmem:$0x18200] =	vst v63  }
0x46: {  	s22 =	simm.s32 $0x10A00  }
0x47: {  	[tilespmem:s22], [sflag:$0x2] =	stream.indirect_vreg.gather [hbm4b:s7+s4], $0x80, v2, vm0, $0xb8;
	[tilespmem:$0x18200] =	vst v63  }
0x48: {  	s30 =	simm.s32 $0x11200  }
0x49: {  	[tilespmem:s30], [sflag:$0x2] =	stream.indirect_vreg.gather [hbm4b:s8+s4], $0x80, v2, vm0, $0xb8;
	[tilespmem:$0x18200] =	vst v63  }
0x4a: {  	s31 =	simm.s32 $0x11A00  }
0x4b: {  	[tilespmem:s31], [sflag:$0x2] =	stream.indirect_vreg.gather [hbm4b:s10+s4], $0x80, v2, vm0, $0xb8;
	[tilespmem:$0x18200] =	vst v63  }
0x4c: {  	s3 =	simm.s32 $0x12200  }
0x4d: {  	[tilespmem:s3], [sflag:$0x2] =	stream.indirect_vreg.gather [hbm4b:s11+s4], $0x80, v2, vm0, $0xb8;
	[tilespmem:$0x18200] =	vst v63  }
0x4e: {  	s17 =	simm.s32 $0x12A00  }
0x4f: {  	[tilespmem:s17], [sflag:$0x2] =	stream.indirect_vreg.gather [hbm4b:s12+s4], $0x80, v2, vm0, $0xb8;
	[tilespmem:$0x18200] =	vst v63  }
0x50: {  	s22 =	simm.s32 $0x13200  }
0x51: {  	[tilespmem:s22], [sflag:$0x2] =	stream.indirect_vreg.gather [hbm4b:s13+s4], $0x80, v2, vm0, $0xb8;
	[tilespmem:$0x18200] =	vst v63  }
0x52: {  	s30 =	simm.s32 $0x13A00  }
0x53: {  	[tilespmem:s30], [sflag:$0x2] =	stream.indirect_vreg.gather [hbm4b:s15+s4], $0x80, v2, vm0, $0xb8;
	[tilespmem:$0x18200] =	vst v63  }
0x54: {  	v2 =	vld.msk [tilespmem:$0x10], $0xff;
	_ =	sdelay $0x4  }
0x55: {  	v3 =	vshll.u32 v2, $0x4  }
0x56: {  	v2 =	vand.u32 $0x7, v2;
	v3 =	vand.u32 $0xFFFFFF80, v3  }
0x57: {  	v2 =	vor.u32 v2, v3  }
0x58: {  	v2 =	vperm.xlane v2, v0;
	_ =	sdelay $0x1  }
0x59: {  	v2 =	vadd.s32 v1, v2;
	_ =	sdelay $0x3  }
0x5a: {  	s31 =	simm.s32 $0x14200  }
0x5b: {  	[tilespmem:s31], [sflag:$0x3] =	stream.indirect_vreg.gather [hbm4b:s5+s4], $0x80, v2, vm0, $0xb8;
	[tilespmem:$0x18200] =	vst v63  }
0x5c: {  	s3 =	simm.s32 $0x14A00  }
0x5d: {  	[tilespmem:s3], [sflag:$0x3] =	stream.indirect_vreg.gather [hbm4b:s7+s4], $0x80, v2, vm0, $0xb8;
	[tilespmem:$0x18200] =	vst v63  }
0x5e: {  	s17 =	simm.s32 $0x15200  }
0x5f: {  	[tilespmem:s17], [sflag:$0x3] =	stream.indirect_vreg.gather [hbm4b:s8+s4], $0x80, v2, vm0, $0xb8;
	[tilespmem:$0x18200] =	vst v63  }
0x60: {  	s22 =	simm.s32 $0x15A00  }
0x61: {  	[tilespmem:s22], [sflag:$0x3] =	stream.indirect_vreg.gather [hbm4b:s10+s4], $0x80, v2, vm0, $0xb8;
	[tilespmem:$0x18200] =	vst v63  }
0x62: {  	s30 =	simm.s32 $0x16200  }
0x63: {  	[tilespmem:s30], [sflag:$0x3] =	stream.indirect_vreg.gather [hbm4b:s11+s4], $0x80, v2, vm0, $0xb8;
	[tilespmem:$0x18200] =	vst v63  }
0x64: {  	s31 =	simm.s32 $0x16A00  }
0x65: {  	[tilespmem:s31], [sflag:$0x3] =	stream.indirect_vreg.gather [hbm4b:s12+s4], $0x80, v2, vm0, $0xb8;
	[tilespmem:$0x18200] =	vst v63  }
0x66: {  	s3 =	simm.s32 $0x17200  }
0x67: {  	[tilespmem:s3], [sflag:$0x3] =	stream.indirect_vreg.gather [hbm4b:s13+s4], $0x80, v2, vm0, $0xb8;
	[tilespmem:$0x18200] =	vst v63  }
0x68: {  	s17 =	simm.s32 $0x17A00  }
0x69: {  	[tilespmem:s17], [sflag:$0x3] =	stream.indirect_vreg.gather [hbm4b:s15+s4], $0x80, v2, vm0, $0xb8;
	[tilespmem:$0x18200] =	vst v63  }
0x6a: {  	s22 =	rddreg [dreg:$0x6]  }
0x6b: {  	[tilespmem:s23], [sflag:$0x4] =	stream.linear.gather [hbm4b:s22+s4], $0x4000, $0x38;
	[tilespmem:$0x18200] =	vst v63  }
0x6c: {  	s29 =	simm.s32 $0x0;
	s30 =	rddreg [dreg:$0x7];
	s31 =	simm.s32 $0x4200  }
0x6d: {  	[tilespmem:s31], [sflag:$0x5] =	stream.linear.gather [hbm4b:s30+s4], $0x4000, $0x38;
	[tilespmem:$0x18200] =	vst v63  }
.LBB2_2:
0x6e: {  	_ =	swait.ge [sflag:s6], $0x4000  }
0x6f: {  	[sflag:s6] =	ssyncset.done $0x0  }
0x70: {  	[sflag:s6] =	ssyncadd.s32 $0xFFFFC000  }
0x71: {  	_ =	swait.ge [sflag:s16], $0x4000  }
0x72: {  	[sflag:s16] =	ssyncset.done $0x0  }
0x73: {  	s0 =	simm.s32 $0x0;
	[sflag:s16] =	ssyncadd.s32 $0xFFFFC000  }
0x74: {  	v2 =	vld [tilespmem:s0+$0xC670]  }
0x75: {  	v3 =	vld [tilespmem:s0+$0xC200]  }
0x76: {  	v4 =	vld [tilespmem:s0+$0xC210]  }
0x77: {  	v5 =	vld [tilespmem:s0+$0xC220]  }
0x78: {  	v6 =	vld [tilespmem:s0+$0xC230]  }
0x79: {  	v7 =	vld [tilespmem:s0+$0xC240]  }
0x7a: {  	v8 =	vld [tilespmem:s0+$0xC250]  }
0x7b: {  	v9 =	vld [tilespmem:s0+$0xC260]  }
0x7c: {  	v10 =	vld [tilespmem:s0+$0xC270]  }
0x7d: {  	v11 =	vld [tilespmem:s0+$0xC600]  }
0x7e: {  	v12 =	vld [tilespmem:s0+$0xC610]  }
0x7f: {  	v13 =	vld [tilespmem:s0+$0xC620]  }
0x80: {  	v14 =	vld [tilespmem:s0+$0xC630]  }
0x81: {  	v15 =	vld [tilespmem:s0+$0xC640]  }
0x82: {  	v16 =	vld [tilespmem:s0+$0xC650]  }
0x83: {  	[tilespmem:s0+$0x670] =	vst.add.f32.msk $0xffff, v2  }
0x84: {  	v2 =	vld [tilespmem:s0+$0xC660]  }
0x85: {  	[tilespmem:s0+$0x200] =	vst.add.f32.msk $0xffff, v3  }
0x86: {  	[tilespmem:s0+$0x210] =	vst.add.f32.msk $0xffff, v4  }
0x87: {  	[tilespmem:s0+$0x220] =	vst.add.f32.msk $0xffff, v5  }
0x88: {  	[tilespmem:s0+$0x230] =	vst.add.f32.msk $0xffff, v6  }
0x89: {  	[tilespmem:s0+$0x240] =	vst.add.f32.msk $0xffff, v7  }
0x8a: {  	[tilespmem:s0+$0x250] =	vst.add.f32.msk $0xffff, v8  }
0x8b: {  	[tilespmem:s0+$0x260] =	vst.add.f32.msk $0xffff, v9  }
0x8c: {  	[tilespmem:s0+$0x270] =	vst.add.f32.msk $0xffff, v10  }
0x8d: {  	[tilespmem:s0+$0x600] =	vst.add.f32.msk $0xffff, v11  }
0x8e: {  	[tilespmem:s0+$0x610] =	vst.add.f32.msk $0xffff, v12  }
0x8f: {  	[tilespmem:s0+$0x620] =	vst.add.f32.msk $0xffff, v13  }
0x90: {  	[tilespmem:s0+$0x630] =	vst.add.f32.msk $0xffff, v14  }
0x91: {  	[tilespmem:s0+$0x640] =	vst.add.f32.msk $0xffff, v15  }
0x92: {  	s3 =	simm.s32 $0x0;
	s22 =	simm.s32 $0x2000;
	[tilespmem:s0+$0x650] =	vst.add.f32.msk $0xffff, v16  }
.LBB2_3:
0x93: {  	s3 =	sadd.s32 $0x100, s3;
	[tilespmem:s0+$0x660] =	vst.add.f32.msk $0xffff, v2;
	s0 =	sshra.s32 s22, $0x2  }
0x94: {  	v2 =	vld [tilespmem:s0+$0xC670];
	p0 =	slt.u32 s3, $0x700  }
0x95: {  	v3 =	vld [tilespmem:s0+$0xC200]  }
0x96: {  	v4 =	vld [tilespmem:s0+$0xC210]  }
0x97: {  	v5 =	vld [tilespmem:s0+$0xC220]  }
0x98: {  	v6 =	vld [tilespmem:s0+$0xC230]  }
0x99: {  	[tilespmem:s0+$0x670] =	vst.add.f32.msk $0xffff, v2  }
0x9a: {  	v7 =	vld [tilespmem:s0+$0xC240]  }
0x9b: {  	v8 =	vld [tilespmem:s0+$0xC250]  }
0x9c: {  	v9 =	vld [tilespmem:s0+$0xC260]  }
0x9d: {  	v10 =	vld [tilespmem:s0+$0xC270]  }
0x9e: {  	v11 =	vld [tilespmem:s0+$0xC600]  }
0x9f: {  	v12 =	vld [tilespmem:s0+$0xC610]  }
0xa0: {  	v13 =	vld [tilespmem:s0+$0xC620]  }
0xa1: {  	v14 =	vld [tilespmem:s0+$0xC630]  }
0xa2: {  	v15 =	vld [tilespmem:s0+$0xC640]  }
0xa3: {  	v16 =	vld [tilespmem:s0+$0xC650]  }
0xa4: {  	v2 =	vld [tilespmem:s0+$0xC660]  }
0xa5: {  	[tilespmem:s0+$0x200] =	vst.add.f32.msk $0xffff, v3  }
0xa6: {  	[tilespmem:s0+$0x210] =	vst.add.f32.msk $0xffff, v4  }
0xa7: {  	[tilespmem:s0+$0x220] =	vst.add.f32.msk $0xffff, v5  }
0xa8: {  	[tilespmem:s0+$0x230] =	vst.add.f32.msk $0xffff, v6  }
0xa9: {  	[tilespmem:s0+$0x240] =	vst.add.f32.msk $0xffff, v7  }
0xaa: {  	[tilespmem:s0+$0x250] =	vst.add.f32.msk $0xffff, v8  }
0xab: {  	[tilespmem:s0+$0x260] =	vst.add.f32.msk $0xffff, v9  }
0xac: {  	[tilespmem:s0+$0x270] =	vst.add.f32.msk $0xffff, v10  }
0xad: {  	[tilespmem:s0+$0x600] =	vst.add.f32.msk $0xffff, v11  }
.Ltmp2:
0xae: {  	[tilespmem:s0+$0x610] =	vst.add.f32.msk $0xffff, v12;
	(pc) =	sbr.rel @p0 .LBB2_3-.Ltmp2, $4  }
0xaf: {  	[tilespmem:s0+$0x620] =	vst.add.f32.msk $0xffff, v13  }
0xb0: {  	[tilespmem:s0+$0x630] =	vst.add.f32.msk $0xffff, v14  }
0xb1: {  	[tilespmem:s0+$0x640] =	vst.add.f32.msk $0xffff, v15  }
0xb2: {  	s22 =	sadd.s32 $0x2000, s22;
	[tilespmem:s0+$0x650] =	vst.add.f32.msk $0xffff, v16  }
0xb3: {  	[tilespmem:s0+$0x660] =	vst.add.f32.msk $0xffff, v2;
	s0 =	simm.s32 $0x0  }
0xb4: {  	v2 =	vld [tilespmem:s0+$0xC6F0]  }
0xb5: {  	v3 =	vld [tilespmem:s0+$0xC280]  }
0xb6: {  	v4 =	vld [tilespmem:s0+$0xC290]  }
0xb7: {  	v5 =	vld [tilespmem:s0+$0xC2A0]  }
0xb8: {  	v6 =	vld [tilespmem:s0+$0xC2B0]  }
0xb9: {  	v7 =	vld [tilespmem:s0+$0xC2C0]  }
0xba: {  	v8 =	vld [tilespmem:s0+$0xC2D0]  }
0xbb: {  	v9 =	vld [tilespmem:s0+$0xC2E0]  }
0xbc: {  	v10 =	vld [tilespmem:s0+$0xC2F0]  }
0xbd: {  	v11 =	vld [tilespmem:s0+$0xC680]  }
0xbe: {  	v12 =	vld [tilespmem:s0+$0xC690]  }
0xbf: {  	v13 =	vld [tilespmem:s0+$0xC6A0]  }
0xc0: {  	v14 =	vld [tilespmem:s0+$0xC6B0]  }
0xc1: {  	v15 =	vld [tilespmem:s0+$0xC6C0]  }
0xc2: {  	v16 =	vld [tilespmem:s0+$0xC6D0]  }
0xc3: {  	[tilespmem:s0+$0x6F0] =	vst.add.f32.msk $0xffff, v2  }
0xc4: {  	v2 =	vld [tilespmem:s0+$0xC6E0]  }
0xc5: {  	[tilespmem:s0+$0x280] =	vst.add.f32.msk $0xffff, v3  }
0xc6: {  	[tilespmem:s0+$0x290] =	vst.add.f32.msk $0xffff, v4  }
0xc7: {  	[tilespmem:s0+$0x2A0] =	vst.add.f32.msk $0xffff, v5  }
0xc8: {  	[tilespmem:s0+$0x2B0] =	vst.add.f32.msk $0xffff, v6  }
0xc9: {  	[tilespmem:s0+$0x2C0] =	vst.add.f32.msk $0xffff, v7  }
0xca: {  	[tilespmem:s0+$0x2D0] =	vst.add.f32.msk $0xffff, v8  }
0xcb: {  	[tilespmem:s0+$0x2E0] =	vst.add.f32.msk $0xffff, v9  }
0xcc: {  	[tilespmem:s0+$0x2F0] =	vst.add.f32.msk $0xffff, v10  }
0xcd: {  	[tilespmem:s0+$0x680] =	vst.add.f32.msk $0xffff, v11  }
0xce: {  	[tilespmem:s0+$0x690] =	vst.add.f32.msk $0xffff, v12  }
0xcf: {  	[tilespmem:s0+$0x6A0] =	vst.add.f32.msk $0xffff, v13  }
0xd0: {  	[tilespmem:s0+$0x6B0] =	vst.add.f32.msk $0xffff, v14  }
0xd1: {  	[tilespmem:s0+$0x6C0] =	vst.add.f32.msk $0xffff, v15  }
0xd2: {  	s3 =	simm.s32 $0x0;
	s22 =	simm.s32 $0x2000;
	[tilespmem:s0+$0x6D0] =	vst.add.f32.msk $0xffff, v16  }
.LBB2_5:
0xd3: {  	s3 =	sadd.s32 $0x100, s3;
	[tilespmem:s0+$0x6E0] =	vst.add.f32.msk $0xffff, v2;
	s0 =	sshra.s32 s22, $0x2  }
0xd4: {  	v2 =	vld [tilespmem:s0+$0xC6F0];
	p0 =	slt.u32 s3, $0x700  }
0xd5: {  	v3 =	vld [tilespmem:s0+$0xC280]  }
0xd6: {  	v4 =	vld [tilespmem:s0+$0xC290]  }
0xd7: {  	v5 =	vld [tilespmem:s0+$0xC2A0]  }
0xd8: {  	v6 =	vld [tilespmem:s0+$0xC2B0]  }
0xd9: {  	[tilespmem:s0+$0x6F0] =	vst.add.f32.msk $0xffff, v2  }
0xda: {  	v7 =	vld [tilespmem:s0+$0xC2C0]  }
0xdb: {  	v8 =	vld [tilespmem:s0+$0xC2D0]  }
0xdc: {  	v9 =	vld [tilespmem:s0+$0xC2E0]  }
0xdd: {  	v10 =	vld [tilespmem:s0+$0xC2F0]  }
0xde: {  	v11 =	vld [tilespmem:s0+$0xC680]  }
0xdf: {  	v12 =	vld [tilespmem:s0+$0xC690]  }
0xe0: {  	v13 =	vld [tilespmem:s0+$0xC6A0]  }
0xe1: {  	v14 =	vld [tilespmem:s0+$0xC6B0]  }
0xe2: {  	v15 =	vld [tilespmem:s0+$0xC6C0]  }
0xe3: {  	v16 =	vld [tilespmem:s0+$0xC6D0]  }
0xe4: {  	v2 =	vld [tilespmem:s0+$0xC6E0]  }
0xe5: {  	[tilespmem:s0+$0x280] =	vst.add.f32.msk $0xffff, v3  }
0xe6: {  	[tilespmem:s0+$0x290] =	vst.add.f32.msk $0xffff, v4  }
0xe7: {  	[tilespmem:s0+$0x2A0] =	vst.add.f32.msk $0xffff, v5  }
0xe8: {  	[tilespmem:s0+$0x2B0] =	vst.add.f32.msk $0xffff, v6  }
0xe9: {  	[tilespmem:s0+$0x2C0] =	vst.add.f32.msk $0xffff, v7  }
0xea: {  	[tilespmem:s0+$0x2D0] =	vst.add.f32.msk $0xffff, v8  }
0xeb: {  	[tilespmem:s0+$0x2E0] =	vst.add.f32.msk $0xffff, v9  }
0xec: {  	[tilespmem:s0+$0x2F0] =	vst.add.f32.msk $0xffff, v10  }
0xed: {  	[tilespmem:s0+$0x680] =	vst.add.f32.msk $0xffff, v11  }
.Ltmp3:
0xee: {  	[tilespmem:s0+$0x690] =	vst.add.f32.msk $0xffff, v12;
	(pc) =	sbr.rel @p0 .LBB2_5-.Ltmp3, $4  }
0xef: {  	[tilespmem:s0+$0x6A0] =	vst.add.f32.msk $0xffff, v13  }
0xf0: {  	[tilespmem:s0+$0x6B0] =	vst.add.f32.msk $0xffff, v14  }
0xf1: {  	[tilespmem:s0+$0x6C0] =	vst.add.f32.msk $0xffff, v15  }
0xf2: {  	s22 =	sadd.s32 $0x2000, s22;
	[tilespmem:s0+$0x6D0] =	vst.add.f32.msk $0xffff, v16  }
0xf3: {  	[tilespmem:s0+$0x6E0] =	vst.add.f32.msk $0xffff, v2;
	s0 =	simm.s32 $0x0  }
0xf4: {  	v2 =	vld [tilespmem:s0+$0xC770]  }
0xf5: {  	v3 =	vld [tilespmem:s0+$0xC300]  }
0xf6: {  	v4 =	vld [tilespmem:s0+$0xC310]  }
0xf7: {  	v5 =	vld [tilespmem:s0+$0xC320]  }
0xf8: {  	v6 =	vld [tilespmem:s0+$0xC330]  }
0xf9: {  	v7 =	vld [tilespmem:s0+$0xC340]  }
0xfa: {  	v8 =	vld [tilespmem:s0+$0xC350]  }
0xfb: {  	v9 =	vld [tilespmem:s0+$0xC360]  }
0xfc: {  	v10 =	vld [tilespmem:s0+$0xC370]  }
0xfd: {  	v11 =	vld [tilespmem:s0+$0xC700]  }
0xfe: {  	v12 =	vld [tilespmem:s0+$0xC710]  }
0xff: {  	v13 =	vld [tilespmem:s0+$0xC720]  }
0x100: {  	v14 =	vld [tilespmem:s0+$0xC730]  }
0x101: {  	v15 =	vld [tilespmem:s0+$0xC740]  }
0x102: {  	v16 =	vld [tilespmem:s0+$0xC750]  }
0x103: {  	[tilespmem:s0+$0x770] =	vst.add.f32.msk $0xffff, v2  }
0x104: {  	v2 =	vld [tilespmem:s0+$0xC760]  }
0x105: {  	[tilespmem:s0+$0x300] =	vst.add.f32.msk $0xffff, v3  }
0x106: {  	[tilespmem:s0+$0x310] =	vst.add.f32.msk $0xffff, v4  }
0x107: {  	[tilespmem:s0+$0x320] =	vst.add.f32.msk $0xffff, v5  }
0x108: {  	[tilespmem:s0+$0x330] =	vst.add.f32.msk $0xffff, v6  }
0x109: {  	[tilespmem:s0+$0x340] =	vst.add.f32.msk $0xffff, v7  }
0x10a: {  	[tilespmem:s0+$0x350] =	vst.add.f32.msk $0xffff, v8  }
0x10b: {  	[tilespmem:s0+$0x360] =	vst.add.f32.msk $0xffff, v9  }
0x10c: {  	[tilespmem:s0+$0x370] =	vst.add.f32.msk $0xffff, v10  }
0x10d: {  	[tilespmem:s0+$0x700] =	vst.add.f32.msk $0xffff, v11  }
0x10e: {  	[tilespmem:s0+$0x710] =	vst.add.f32.msk $0xffff, v12  }
0x10f: {  	[tilespmem:s0+$0x720] =	vst.add.f32.msk $0xffff, v13  }
0x110: {  	[tilespmem:s0+$0x730] =	vst.add.f32.msk $0xffff, v14  }
0x111: {  	[tilespmem:s0+$0x740] =	vst.add.f32.msk $0xffff, v15  }
0x112: {  	s3 =	simm.s32 $0x0;
	s22 =	simm.s32 $0x2000;
	[tilespmem:s0+$0x750] =	vst.add.f32.msk $0xffff, v16  }
.LBB2_7:
0x113: {  	s3 =	sadd.s32 $0x100, s3;
	[tilespmem:s0+$0x760] =	vst.add.f32.msk $0xffff, v2;
	s0 =	sshra.s32 s22, $0x2  }
0x114: {  	v2 =	vld [tilespmem:s0+$0xC770];
	p0 =	slt.u32 s3, $0x700  }
0x115: {  	v3 =	vld [tilespmem:s0+$0xC300]  }
0x116: {  	v4 =	vld [tilespmem:s0+$0xC310]  }
0x117: {  	v5 =	vld [tilespmem:s0+$0xC320]  }
0x118: {  	v6 =	vld [tilespmem:s0+$0xC330]  }
0x119: {  	[tilespmem:s0+$0x770] =	vst.add.f32.msk $0xffff, v2  }
0x11a: {  	v7 =	vld [tilespmem:s0+$0xC340]  }
0x11b: {  	v8 =	vld [tilespmem:s0+$0xC350]  }
0x11c: {  	v9 =	vld [tilespmem:s0+$0xC360]  }
0x11d: {  	v10 =	vld [tilespmem:s0+$0xC370]  }
0x11e: {  	v11 =	vld [tilespmem:s0+$0xC700]  }
0x11f: {  	v12 =	vld [tilespmem:s0+$0xC710]  }
0x120: {  	v13 =	vld [tilespmem:s0+$0xC720]  }
0x121: {  	v14 =	vld [tilespmem:s0+$0xC730]  }
0x122: {  	v15 =	vld [tilespmem:s0+$0xC740]  }
0x123: {  	v16 =	vld [tilespmem:s0+$0xC750]  }
0x124: {  	v2 =	vld [tilespmem:s0+$0xC760]  }
0x125: {  	[tilespmem:s0+$0x300] =	vst.add.f32.msk $0xffff, v3  }
0x126: {  	[tilespmem:s0+$0x310] =	vst.add.f32.msk $0xffff, v4  }
0x127: {  	[tilespmem:s0+$0x320] =	vst.add.f32.msk $0xffff, v5  }
0x128: {  	[tilespmem:s0+$0x330] =	vst.add.f32.msk $0xffff, v6  }
0x129: {  	[tilespmem:s0+$0x340] =	vst.add.f32.msk $0xffff, v7  }
0x12a: {  	[tilespmem:s0+$0x350] =	vst.add.f32.msk $0xffff, v8  }
0x12b: {  	[tilespmem:s0+$0x360] =	vst.add.f32.msk $0xffff, v9  }
0x12c: {  	[tilespmem:s0+$0x370] =	vst.add.f32.msk $0xffff, v10  }
0x12d: {  	[tilespmem:s0+$0x700] =	vst.add.f32.msk $0xffff, v11  }
.Ltmp4:
0x12e: {  	[tilespmem:s0+$0x710] =	vst.add.f32.msk $0xffff, v12;
	(pc) =	sbr.rel @p0 .LBB2_7-.Ltmp4, $4  }
0x12f: {  	[tilespmem:s0+$0x720] =	vst.add.f32.msk $0xffff, v13  }
0x130: {  	[tilespmem:s0+$0x730] =	vst.add.f32.msk $0xffff, v14  }
0x131: {  	[tilespmem:s0+$0x740] =	vst.add.f32.msk $0xffff, v15  }
0x132: {  	s22 =	sadd.s32 $0x2000, s22;
	[tilespmem:s0+$0x750] =	vst.add.f32.msk $0xffff, v16  }
0x133: {  	[tilespmem:s0+$0x760] =	vst.add.f32.msk $0xffff, v2;
	s0 =	simm.s32 $0x0  }
0x134: {  	v2 =	vld [tilespmem:s0+$0xC7F0]  }
0x135: {  	v3 =	vld [tilespmem:s0+$0xC380]  }
0x136: {  	v4 =	vld [tilespmem:s0+$0xC390]  }
0x137: {  	v5 =	vld [tilespmem:s0+$0xC3A0]  }
0x138: {  	v6 =	vld [tilespmem:s0+$0xC3B0]  }
0x139: {  	v7 =	vld [tilespmem:s0+$0xC3C0]  }
0x13a: {  	v8 =	vld [tilespmem:s0+$0xC3D0]  }
0x13b: {  	v9 =	vld [tilespmem:s0+$0xC3E0]  }
0x13c: {  	v10 =	vld [tilespmem:s0+$0xC3F0]  }
0x13d: {  	v11 =	vld [tilespmem:s0+$0xC780]  }
0x13e: {  	v12 =	vld [tilespmem:s0+$0xC790]  }
0x13f: {  	v13 =	vld [tilespmem:s0+$0xC7A0]  }
0x140: {  	v14 =	vld [tilespmem:s0+$0xC7B0]  }
0x141: {  	v15 =	vld [tilespmem:s0+$0xC7C0]  }
0x142: {  	v16 =	vld [tilespmem:s0+$0xC7D0]  }
0x143: {  	[tilespmem:s0+$0x7F0] =	vst.add.f32.msk $0xffff, v2  }
0x144: {  	v2 =	vld [tilespmem:s0+$0xC7E0]  }
0x145: {  	[tilespmem:s0+$0x380] =	vst.add.f32.msk $0xffff, v3  }
0x146: {  	[tilespmem:s0+$0x390] =	vst.add.f32.msk $0xffff, v4  }
0x147: {  	[tilespmem:s0+$0x3A0] =	vst.add.f32.msk $0xffff, v5  }
0x148: {  	[tilespmem:s0+$0x3B0] =	vst.add.f32.msk $0xffff, v6  }
0x149: {  	[tilespmem:s0+$0x3C0] =	vst.add.f32.msk $0xffff, v7  }
0x14a: {  	[tilespmem:s0+$0x3D0] =	vst.add.f32.msk $0xffff, v8  }
0x14b: {  	[tilespmem:s0+$0x3E0] =	vst.add.f32.msk $0xffff, v9  }
0x14c: {  	[tilespmem:s0+$0x3F0] =	vst.add.f32.msk $0xffff, v10  }
0x14d: {  	[tilespmem:s0+$0x780] =	vst.add.f32.msk $0xffff, v11  }
0x14e: {  	[tilespmem:s0+$0x790] =	vst.add.f32.msk $0xffff, v12  }
0x14f: {  	[tilespmem:s0+$0x7A0] =	vst.add.f32.msk $0xffff, v13  }
0x150: {  	[tilespmem:s0+$0x7B0] =	vst.add.f32.msk $0xffff, v14  }
0x151: {  	[tilespmem:s0+$0x7C0] =	vst.add.f32.msk $0xffff, v15  }
0x152: {  	s3 =	simm.s32 $0x0;
	s22 =	simm.s32 $0x2000;
	[tilespmem:s0+$0x7D0] =	vst.add.f32.msk $0xffff, v16  }
.LBB2_9:
0x153: {  	s3 =	sadd.s32 $0x100, s3;
	[tilespmem:s0+$0x7E0] =	vst.add.f32.msk $0xffff, v2;
	s0 =	sshra.s32 s22, $0x2  }
0x154: {  	v2 =	vld [tilespmem:s0+$0xC7F0];
	p0 =	slt.u32 s3, $0x700  }
0x155: {  	v3 =	vld [tilespmem:s0+$0xC380]  }
0x156: {  	v4 =	vld [tilespmem:s0+$0xC390]  }
0x157: {  	v5 =	vld [tilespmem:s0+$0xC3A0]  }
0x158: {  	v6 =	vld [tilespmem:s0+$0xC3B0]  }
0x159: {  	[tilespmem:s0+$0x7F0] =	vst.add.f32.msk $0xffff, v2  }
0x15a: {  	v7 =	vld [tilespmem:s0+$0xC3C0]  }
0x15b: {  	v8 =	vld [tilespmem:s0+$0xC3D0]  }
0x15c: {  	v9 =	vld [tilespmem:s0+$0xC3E0]  }
0x15d: {  	v10 =	vld [tilespmem:s0+$0xC3F0]  }
0x15e: {  	v11 =	vld [tilespmem:s0+$0xC780]  }
0x15f: {  	v12 =	vld [tilespmem:s0+$0xC790]  }
0x160: {  	v13 =	vld [tilespmem:s0+$0xC7A0]  }
0x161: {  	v14 =	vld [tilespmem:s0+$0xC7B0]  }
0x162: {  	v15 =	vld [tilespmem:s0+$0xC7C0]  }
0x163: {  	v16 =	vld [tilespmem:s0+$0xC7D0]  }
0x164: {  	v2 =	vld [tilespmem:s0+$0xC7E0]  }
0x165: {  	[tilespmem:s0+$0x380] =	vst.add.f32.msk $0xffff, v3  }
0x166: {  	[tilespmem:s0+$0x390] =	vst.add.f32.msk $0xffff, v4  }
0x167: {  	[tilespmem:s0+$0x3A0] =	vst.add.f32.msk $0xffff, v5  }
0x168: {  	[tilespmem:s0+$0x3B0] =	vst.add.f32.msk $0xffff, v6  }
0x169: {  	[tilespmem:s0+$0x3C0] =	vst.add.f32.msk $0xffff, v7  }
0x16a: {  	[tilespmem:s0+$0x3D0] =	vst.add.f32.msk $0xffff, v8  }
0x16b: {  	[tilespmem:s0+$0x3E0] =	vst.add.f32.msk $0xffff, v9  }
0x16c: {  	[tilespmem:s0+$0x3F0] =	vst.add.f32.msk $0xffff, v10  }
0x16d: {  	[tilespmem:s0+$0x780] =	vst.add.f32.msk $0xffff, v11  }
.Ltmp5:
0x16e: {  	[tilespmem:s0+$0x790] =	vst.add.f32.msk $0xffff, v12;
	(pc) =	sbr.rel @p0 .LBB2_9-.Ltmp5, $4  }
0x16f: {  	[tilespmem:s0+$0x7A0] =	vst.add.f32.msk $0xffff, v13  }
0x170: {  	[tilespmem:s0+$0x7B0] =	vst.add.f32.msk $0xffff, v14  }
0x171: {  	[tilespmem:s0+$0x7C0] =	vst.add.f32.msk $0xffff, v15  }
0x172: {  	s22 =	sadd.s32 $0x2000, s22;
	[tilespmem:s0+$0x7D0] =	vst.add.f32.msk $0xffff, v16  }
0x173: {  	[tilespmem:s0+$0x7E0] =	vst.add.f32.msk $0xffff, v2;
	s0 =	simm.s32 $0x0  }
0x174: {  	v2 =	vld [tilespmem:s0+$0xC870]  }
0x175: {  	v3 =	vld [tilespmem:s0+$0xC400]  }
0x176: {  	v4 =	vld [tilespmem:s0+$0xC410]  }
0x177: {  	v5 =	vld [tilespmem:s0+$0xC420]  }
0x178: {  	v6 =	vld [tilespmem:s0+$0xC430]  }
0x179: {  	v7 =	vld [tilespmem:s0+$0xC440]  }
0x17a: {  	v8 =	vld [tilespmem:s0+$0xC450]  }
0x17b: {  	v9 =	vld [tilespmem:s0+$0xC460]  }
0x17c: {  	v10 =	vld [tilespmem:s0+$0xC470]  }
0x17d: {  	v11 =	vld [tilespmem:s0+$0xC800]  }
0x17e: {  	v12 =	vld [tilespmem:s0+$0xC810]  }
0x17f: {  	v13 =	vld [tilespmem:s0+$0xC820]  }
0x180: {  	v14 =	vld [tilespmem:s0+$0xC830]  }
0x181: {  	v15 =	vld [tilespmem:s0+$0xC840]  }
0x182: {  	v16 =	vld [tilespmem:s0+$0xC850]  }
0x183: {  	[tilespmem:s0+$0x870] =	vst.add.f32.msk $0xffff, v2  }
0x184: {  	v2 =	vld [tilespmem:s0+$0xC860]  }
0x185: {  	[tilespmem:s0+$0x400] =	vst.add.f32.msk $0xffff, v3  }
0x186: {  	[tilespmem:s0+$0x410] =	vst.add.f32.msk $0xffff, v4  }
0x187: {  	[tilespmem:s0+$0x420] =	vst.add.f32.msk $0xffff, v5  }
0x188: {  	[tilespmem:s0+$0x430] =	vst.add.f32.msk $0xffff, v6  }
0x189: {  	[tilespmem:s0+$0x440] =	vst.add.f32.msk $0xffff, v7  }
0x18a: {  	[tilespmem:s0+$0x450] =	vst.add.f32.msk $0xffff, v8  }
0x18b: {  	[tilespmem:s0+$0x460] =	vst.add.f32.msk $0xffff, v9  }
0x18c: {  	[tilespmem:s0+$0x470] =	vst.add.f32.msk $0xffff, v10  }
0x18d: {  	[tilespmem:s0+$0x800] =	vst.add.f32.msk $0xffff, v11  }
0x18e: {  	[tilespmem:s0+$0x810] =	vst.add.f32.msk $0xffff, v12  }
0x18f: {  	[tilespmem:s0+$0x820] =	vst.add.f32.msk $0xffff, v13  }
0x190: {  	[tilespmem:s0+$0x830] =	vst.add.f32.msk $0xffff, v14  }
0x191: {  	[tilespmem:s0+$0x840] =	vst.add.f32.msk $0xffff, v15  }
0x192: {  	s3 =	simm.s32 $0x0;
	s22 =	simm.s32 $0x2000;
	[tilespmem:s0+$0x850] =	vst.add.f32.msk $0xffff, v16  }
.LBB2_11:
0x193: {  	s3 =	sadd.s32 $0x100, s3;
	[tilespmem:s0+$0x860] =	vst.add.f32.msk $0xffff, v2;
	s0 =	sshra.s32 s22, $0x2  }
0x194: {  	v2 =	vld [tilespmem:s0+$0xC870];
	p0 =	slt.u32 s3, $0x700  }
0x195: {  	v3 =	vld [tilespmem:s0+$0xC400]  }
0x196: {  	v4 =	vld [tilespmem:s0+$0xC410]  }
0x197: {  	v5 =	vld [tilespmem:s0+$0xC420]  }
0x198: {  	v6 =	vld [tilespmem:s0+$0xC430]  }
0x199: {  	[tilespmem:s0+$0x870] =	vst.add.f32.msk $0xffff, v2  }
0x19a: {  	v7 =	vld [tilespmem:s0+$0xC440]  }
0x19b: {  	v8 =	vld [tilespmem:s0+$0xC450]  }
0x19c: {  	v9 =	vld [tilespmem:s0+$0xC460]  }
0x19d: {  	v10 =	vld [tilespmem:s0+$0xC470]  }
0x19e: {  	v11 =	vld [tilespmem:s0+$0xC800]  }
0x19f: {  	v12 =	vld [tilespmem:s0+$0xC810]  }
0x1a0: {  	v13 =	vld [tilespmem:s0+$0xC820]  }
0x1a1: {  	v14 =	vld [tilespmem:s0+$0xC830]  }
0x1a2: {  	v15 =	vld [tilespmem:s0+$0xC840]  }
0x1a3: {  	v16 =	vld [tilespmem:s0+$0xC850]  }
0x1a4: {  	v2 =	vld [tilespmem:s0+$0xC860]  }
0x1a5: {  	[tilespmem:s0+$0x400] =	vst.add.f32.msk $0xffff, v3  }
0x1a6: {  	[tilespmem:s0+$0x410] =	vst.add.f32.msk $0xffff, v4  }
0x1a7: {  	[tilespmem:s0+$0x420] =	vst.add.f32.msk $0xffff, v5  }
0x1a8: {  	[tilespmem:s0+$0x430] =	vst.add.f32.msk $0xffff, v6  }
0x1a9: {  	[tilespmem:s0+$0x440] =	vst.add.f32.msk $0xffff, v7  }
0x1aa: {  	[tilespmem:s0+$0x450] =	vst.add.f32.msk $0xffff, v8  }
0x1ab: {  	[tilespmem:s0+$0x460] =	vst.add.f32.msk $0xffff, v9  }
0x1ac: {  	[tilespmem:s0+$0x470] =	vst.add.f32.msk $0xffff, v10  }
0x1ad: {  	[tilespmem:s0+$0x800] =	vst.add.f32.msk $0xffff, v11  }
.Ltmp6:
0x1ae: {  	[tilespmem:s0+$0x810] =	vst.add.f32.msk $0xffff, v12;
	(pc) =	sbr.rel @p0 .LBB2_11-.Ltmp6, $4  }
0x1af: {  	[tilespmem:s0+$0x820] =	vst.add.f32.msk $0xffff, v13  }
0x1b0: {  	[tilespmem:s0+$0x830] =	vst.add.f32.msk $0xffff, v14  }
0x1b1: {  	[tilespmem:s0+$0x840] =	vst.add.f32.msk $0xffff, v15  }
0x1b2: {  	s22 =	sadd.s32 $0x2000, s22;
	[tilespmem:s0+$0x850] =	vst.add.f32.msk $0xffff, v16  }
0x1b3: {  	[tilespmem:s0+$0x860] =	vst.add.f32.msk $0xffff, v2;
	s0 =	simm.s32 $0x0  }
0x1b4: {  	v2 =	vld [tilespmem:s0+$0xC8F0]  }
0x1b5: {  	v3 =	vld [tilespmem:s0+$0xC480]  }
0x1b6: {  	v4 =	vld [tilespmem:s0+$0xC490]  }
0x1b7: {  	v5 =	vld [tilespmem:s0+$0xC4A0]  }
0x1b8: {  	v6 =	vld [tilespmem:s0+$0xC4B0]  }
0x1b9: {  	v7 =	vld [tilespmem:s0+$0xC4C0]  }
0x1ba: {  	v8 =	vld [tilespmem:s0+$0xC4D0]  }
0x1bb: {  	v9 =	vld [tilespmem:s0+$0xC4E0]  }
0x1bc: {  	v10 =	vld [tilespmem:s0+$0xC4F0]  }
0x1bd: {  	v11 =	vld [tilespmem:s0+$0xC880]  }
0x1be: {  	v12 =	vld [tilespmem:s0+$0xC890]  }
0x1bf: {  	v13 =	vld [tilespmem:s0+$0xC8A0]  }
0x1c0: {  	v14 =	vld [tilespmem:s0+$0xC8B0]  }
0x1c1: {  	v15 =	vld [tilespmem:s0+$0xC8C0]  }
0x1c2: {  	v16 =	vld [tilespmem:s0+$0xC8D0]  }
0x1c3: {  	[tilespmem:s0+$0x8F0] =	vst.add.f32.msk $0xffff, v2  }
0x1c4: {  	v2 =	vld [tilespmem:s0+$0xC8E0]  }
0x1c5: {  	[tilespmem:s0+$0x480] =	vst.add.f32.msk $0xffff, v3  }
0x1c6: {  	[tilespmem:s0+$0x490] =	vst.add.f32.msk $0xffff, v4  }
0x1c7: {  	[tilespmem:s0+$0x4A0] =	vst.add.f32.msk $0xffff, v5  }
0x1c8: {  	[tilespmem:s0+$0x4B0] =	vst.add.f32.msk $0xffff, v6  }
0x1c9: {  	[tilespmem:s0+$0x4C0] =	vst.add.f32.msk $0xffff, v7  }
0x1ca: {  	[tilespmem:s0+$0x4D0] =	vst.add.f32.msk $0xffff, v8  }
0x1cb: {  	[tilespmem:s0+$0x4E0] =	vst.add.f32.msk $0xffff, v9  }
0x1cc: {  	[tilespmem:s0+$0x4F0] =	vst.add.f32.msk $0xffff, v10  }
0x1cd: {  	[tilespmem:s0+$0x880] =	vst.add.f32.msk $0xffff, v11  }
0x1ce: {  	[tilespmem:s0+$0x890] =	vst.add.f32.msk $0xffff, v12  }
0x1cf: {  	[tilespmem:s0+$0x8A0] =	vst.add.f32.msk $0xffff, v13  }
0x1d0: {  	[tilespmem:s0+$0x8B0] =	vst.add.f32.msk $0xffff, v14  }
0x1d1: {  	[tilespmem:s0+$0x8C0] =	vst.add.f32.msk $0xffff, v15  }
0x1d2: {  	s3 =	simm.s32 $0x0;
	s22 =	simm.s32 $0x2000;
	[tilespmem:s0+$0x8D0] =	vst.add.f32.msk $0xffff, v16  }
.LBB2_13:
0x1d3: {  	s3 =	sadd.s32 $0x100, s3;
	[tilespmem:s0+$0x8E0] =	vst.add.f32.msk $0xffff, v2;
	s0 =	sshra.s32 s22, $0x2  }
0x1d4: {  	v2 =	vld [tilespmem:s0+$0xC8F0];
	p0 =	slt.u32 s3, $0x700  }
0x1d5: {  	v3 =	vld [tilespmem:s0+$0xC480]  }
0x1d6: {  	v4 =	vld [tilespmem:s0+$0xC490]  }
0x1d7: {  	v5 =	vld [tilespmem:s0+$0xC4A0]  }
0x1d8: {  	v6 =	vld [tilespmem:s0+$0xC4B0]  }
0x1d9: {  	[tilespmem:s0+$0x8F0] =	vst.add.f32.msk $0xffff, v2  }
0x1da: {  	v7 =	vld [tilespmem:s0+$0xC4C0]  }
0x1db: {  	v8 =	vld [tilespmem:s0+$0xC4D0]  }
0x1dc: {  	v9 =	vld [tilespmem:s0+$0xC4E0]  }
0x1dd: {  	v10 =	vld [tilespmem:s0+$0xC4F0]  }
0x1de: {  	v11 =	vld [tilespmem:s0+$0xC880]  }
0x1df: {  	v12 =	vld [tilespmem:s0+$0xC890]  }
0x1e0: {  	v13 =	vld [tilespmem:s0+$0xC8A0]  }
0x1e1: {  	v14 =	vld [tilespmem:s0+$0xC8B0]  }
0x1e2: {  	v15 =	vld [tilespmem:s0+$0xC8C0]  }
0x1e3: {  	v16 =	vld [tilespmem:s0+$0xC8D0]  }
0x1e4: {  	v2 =	vld [tilespmem:s0+$0xC8E0]  }
0x1e5: {  	[tilespmem:s0+$0x480] =	vst.add.f32.msk $0xffff, v3  }
0x1e6: {  	[tilespmem:s0+$0x490] =	vst.add.f32.msk $0xffff, v4  }
0x1e7: {  	[tilespmem:s0+$0x4A0] =	vst.add.f32.msk $0xffff, v5  }
0x1e8: {  	[tilespmem:s0+$0x4B0] =	vst.add.f32.msk $0xffff, v6  }
0x1e9: {  	[tilespmem:s0+$0x4C0] =	vst.add.f32.msk $0xffff, v7  }
0x1ea: {  	[tilespmem:s0+$0x4D0] =	vst.add.f32.msk $0xffff, v8  }
0x1eb: {  	[tilespmem:s0+$0x4E0] =	vst.add.f32.msk $0xffff, v9  }
0x1ec: {  	[tilespmem:s0+$0x4F0] =	vst.add.f32.msk $0xffff, v10  }
0x1ed: {  	[tilespmem:s0+$0x880] =	vst.add.f32.msk $0xffff, v11  }
.Ltmp7:
0x1ee: {  	[tilespmem:s0+$0x890] =	vst.add.f32.msk $0xffff, v12;
	(pc) =	sbr.rel @p0 .LBB2_13-.Ltmp7, $4  }
0x1ef: {  	[tilespmem:s0+$0x8A0] =	vst.add.f32.msk $0xffff, v13  }
0x1f0: {  	[tilespmem:s0+$0x8B0] =	vst.add.f32.msk $0xffff, v14  }
0x1f1: {  	[tilespmem:s0+$0x8C0] =	vst.add.f32.msk $0xffff, v15  }
0x1f2: {  	s22 =	sadd.s32 $0x2000, s22;
	[tilespmem:s0+$0x8D0] =	vst.add.f32.msk $0xffff, v16  }
0x1f3: {  	[tilespmem:s0+$0x8E0] =	vst.add.f32.msk $0xffff, v2;
	s0 =	simm.s32 $0x0  }
0x1f4: {  	v2 =	vld [tilespmem:s0+$0xC970]  }
0x1f5: {  	v3 =	vld [tilespmem:s0+$0xC500]  }
0x1f6: {  	v4 =	vld [tilespmem:s0+$0xC510]  }
0x1f7: {  	v5 =	vld [tilespmem:s0+$0xC520]  }
0x1f8: {  	v6 =	vld [tilespmem:s0+$0xC530]  }
0x1f9: {  	v7 =	vld [tilespmem:s0+$0xC540]  }
0x1fa: {  	v8 =	vld [tilespmem:s0+$0xC550]  }
0x1fb: {  	v9 =	vld [tilespmem:s0+$0xC560]  }
0x1fc: {  	v10 =	vld [tilespmem:s0+$0xC570]  }
0x1fd: {  	v11 =	vld [tilespmem:s0+$0xC900]  }
0x1fe: {  	v12 =	vld [tilespmem:s0+$0xC910]  }
0x1ff: {  	v13 =	vld [tilespmem:s0+$0xC920]  }
0x200: {  	v14 =	vld [tilespmem:s0+$0xC930]  }
0x201: {  	v15 =	vld [tilespmem:s0+$0xC940]  }
0x202: {  	v16 =	vld [tilespmem:s0+$0xC950]  }
0x203: {  	[tilespmem:s0+$0x970] =	vst.add.f32.msk $0xffff, v2  }
0x204: {  	v2 =	vld [tilespmem:s0+$0xC960]  }
0x205: {  	[tilespmem:s0+$0x500] =	vst.add.f32.msk $0xffff, v3  }
0x206: {  	[tilespmem:s0+$0x510] =	vst.add.f32.msk $0xffff, v4  }
0x207: {  	[tilespmem:s0+$0x520] =	vst.add.f32.msk $0xffff, v5  }
0x208: {  	[tilespmem:s0+$0x530] =	vst.add.f32.msk $0xffff, v6  }
0x209: {  	[tilespmem:s0+$0x540] =	vst.add.f32.msk $0xffff, v7  }
0x20a: {  	[tilespmem:s0+$0x550] =	vst.add.f32.msk $0xffff, v8  }
0x20b: {  	[tilespmem:s0+$0x560] =	vst.add.f32.msk $0xffff, v9  }
0x20c: {  	[tilespmem:s0+$0x570] =	vst.add.f32.msk $0xffff, v10  }
0x20d: {  	[tilespmem:s0+$0x900] =	vst.add.f32.msk $0xffff, v11  }
0x20e: {  	[tilespmem:s0+$0x910] =	vst.add.f32.msk $0xffff, v12  }
0x20f: {  	[tilespmem:s0+$0x920] =	vst.add.f32.msk $0xffff, v13  }
0x210: {  	[tilespmem:s0+$0x930] =	vst.add.f32.msk $0xffff, v14  }
0x211: {  	[tilespmem:s0+$0x940] =	vst.add.f32.msk $0xffff, v15  }
0x212: {  	s3 =	simm.s32 $0x0;
	s22 =	simm.s32 $0x2000;
	[tilespmem:s0+$0x950] =	vst.add.f32.msk $0xffff, v16  }
.LBB2_15:
0x213: {  	s3 =	sadd.s32 $0x100, s3;
	[tilespmem:s0+$0x960] =	vst.add.f32.msk $0xffff, v2;
	s0 =	sshra.s32 s22, $0x2  }
0x214: {  	v2 =	vld [tilespmem:s0+$0xC970];
	p0 =	slt.u32 s3, $0x700  }
0x215: {  	v3 =	vld [tilespmem:s0+$0xC500]  }
0x216: {  	v4 =	vld [tilespmem:s0+$0xC510]  }
0x217: {  	v5 =	vld [tilespmem:s0+$0xC520]  }
0x218: {  	v6 =	vld [tilespmem:s0+$0xC530]  }
0x219: {  	[tilespmem:s0+$0x970] =	vst.add.f32.msk $0xffff, v2  }
0x21a: {  	v7 =	vld [tilespmem:s0+$0xC540]  }
0x21b: {  	v8 =	vld [tilespmem:s0+$0xC550]  }
0x21c: {  	v9 =	vld [tilespmem:s0+$0xC560]  }
0x21d: {  	v10 =	vld [tilespmem:s0+$0xC570]  }
0x21e: {  	v11 =	vld [tilespmem:s0+$0xC900]  }
0x21f: {  	v12 =	vld [tilespmem:s0+$0xC910]  }
0x220: {  	v13 =	vld [tilespmem:s0+$0xC920]  }
0x221: {  	v14 =	vld [tilespmem:s0+$0xC930]  }
0x222: {  	v15 =	vld [tilespmem:s0+$0xC940]  }
0x223: {  	v16 =	vld [tilespmem:s0+$0xC950]  }
0x224: {  	v2 =	vld [tilespmem:s0+$0xC960]  }
0x225: {  	[tilespmem:s0+$0x500] =	vst.add.f32.msk $0xffff, v3  }
0x226: {  	[tilespmem:s0+$0x510] =	vst.add.f32.msk $0xffff, v4  }
0x227: {  	[tilespmem:s0+$0x520] =	vst.add.f32.msk $0xffff, v5  }
0x228: {  	[tilespmem:s0+$0x530] =	vst.add.f32.msk $0xffff, v6  }
0x229: {  	[tilespmem:s0+$0x540] =	vst.add.f32.msk $0xffff, v7  }
0x22a: {  	[tilespmem:s0+$0x550] =	vst.add.f32.msk $0xffff, v8  }
0x22b: {  	[tilespmem:s0+$0x560] =	vst.add.f32.msk $0xffff, v9  }
0x22c: {  	[tilespmem:s0+$0x570] =	vst.add.f32.msk $0xffff, v10  }
0x22d: {  	[tilespmem:s0+$0x900] =	vst.add.f32.msk $0xffff, v11  }
.Ltmp8:
0x22e: {  	[tilespmem:s0+$0x910] =	vst.add.f32.msk $0xffff, v12;
	(pc) =	sbr.rel @p0 .LBB2_15-.Ltmp8, $4  }
0x22f: {  	[tilespmem:s0+$0x920] =	vst.add.f32.msk $0xffff, v13  }
0x230: {  	[tilespmem:s0+$0x930] =	vst.add.f32.msk $0xffff, v14  }
0x231: {  	[tilespmem:s0+$0x940] =	vst.add.f32.msk $0xffff, v15  }
0x232: {  	s22 =	sadd.s32 $0x2000, s22;
	[tilespmem:s0+$0x950] =	vst.add.f32.msk $0xffff, v16  }
0x233: {  	[tilespmem:s0+$0x960] =	vst.add.f32.msk $0xffff, v2;
	s0 =	simm.s32 $0x0  }
0x234: {  	v2 =	vld [tilespmem:s0+$0xC9F0]  }
0x235: {  	v3 =	vld [tilespmem:s0+$0xC580]  }
0x236: {  	v4 =	vld [tilespmem:s0+$0xC590]  }
0x237: {  	v5 =	vld [tilespmem:s0+$0xC5A0]  }
0x238: {  	v6 =	vld [tilespmem:s0+$0xC5B0]  }
0x239: {  	v7 =	vld [tilespmem:s0+$0xC5C0]  }
0x23a: {  	v8 =	vld [tilespmem:s0+$0xC5D0]  }
0x23b: {  	v9 =	vld [tilespmem:s0+$0xC5E0]  }
0x23c: {  	v10 =	vld [tilespmem:s0+$0xC5F0]  }
0x23d: {  	v11 =	vld [tilespmem:s0+$0xC980]  }
0x23e: {  	v12 =	vld [tilespmem:s0+$0xC990]  }
0x23f: {  	v13 =	vld [tilespmem:s0+$0xC9A0]  }
0x240: {  	v14 =	vld [tilespmem:s0+$0xC9B0]  }
0x241: {  	v15 =	vld [tilespmem:s0+$0xC9C0]  }
0x242: {  	v16 =	vld [tilespmem:s0+$0xC9D0]  }
0x243: {  	[tilespmem:s0+$0x9F0] =	vst.add.f32.msk $0xffff, v2  }
0x244: {  	v2 =	vld [tilespmem:s0+$0xC9E0]  }
0x245: {  	[tilespmem:s0+$0x580] =	vst.add.f32.msk $0xffff, v3  }
0x246: {  	[tilespmem:s0+$0x590] =	vst.add.f32.msk $0xffff, v4  }
0x247: {  	[tilespmem:s0+$0x5A0] =	vst.add.f32.msk $0xffff, v5  }
0x248: {  	[tilespmem:s0+$0x5B0] =	vst.add.f32.msk $0xffff, v6  }
0x249: {  	[tilespmem:s0+$0x5C0] =	vst.add.f32.msk $0xffff, v7  }
0x24a: {  	[tilespmem:s0+$0x5D0] =	vst.add.f32.msk $0xffff, v8  }
0x24b: {  	[tilespmem:s0+$0x5E0] =	vst.add.f32.msk $0xffff, v9  }
0x24c: {  	[tilespmem:s0+$0x5F0] =	vst.add.f32.msk $0xffff, v10  }
0x24d: {  	[tilespmem:s0+$0x980] =	vst.add.f32.msk $0xffff, v11  }
0x24e: {  	[tilespmem:s0+$0x990] =	vst.add.f32.msk $0xffff, v12  }
0x24f: {  	[tilespmem:s0+$0x9A0] =	vst.add.f32.msk $0xffff, v13  }
0x250: {  	[tilespmem:s0+$0x9B0] =	vst.add.f32.msk $0xffff, v14  }
0x251: {  	[tilespmem:s0+$0x9C0] =	vst.add.f32.msk $0xffff, v15  }
0x252: {  	s3 =	simm.s32 $0x0;
	s22 =	simm.s32 $0x2000;
	[tilespmem:s0+$0x9D0] =	vst.add.f32.msk $0xffff, v16  }
.LBB2_17:
0x253: {  	s3 =	sadd.s32 $0x100, s3;
	[tilespmem:s0+$0x9E0] =	vst.add.f32.msk $0xffff, v2;
	s0 =	sshra.s32 s22, $0x2  }
0x254: {  	v2 =	vld [tilespmem:s0+$0xC9F0];
	p0 =	slt.u32 s3, $0x700  }
0x255: {  	v3 =	vld [tilespmem:s0+$0xC580]  }
0x256: {  	v4 =	vld [tilespmem:s0+$0xC590]  }
0x257: {  	v5 =	vld [tilespmem:s0+$0xC5A0]  }
0x258: {  	v6 =	vld [tilespmem:s0+$0xC5B0]  }
0x259: {  	[tilespmem:s0+$0x9F0] =	vst.add.f32.msk $0xffff, v2  }
0x25a: {  	v7 =	vld [tilespmem:s0+$0xC5C0]  }
0x25b: {  	v8 =	vld [tilespmem:s0+$0xC5D0]  }
0x25c: {  	v9 =	vld [tilespmem:s0+$0xC5E0]  }
0x25d: {  	v10 =	vld [tilespmem:s0+$0xC5F0]  }
0x25e: {  	v11 =	vld [tilespmem:s0+$0xC980]  }
0x25f: {  	v12 =	vld [tilespmem:s0+$0xC990]  }
0x260: {  	v13 =	vld [tilespmem:s0+$0xC9A0]  }
0x261: {  	v14 =	vld [tilespmem:s0+$0xC9B0]  }
0x262: {  	v15 =	vld [tilespmem:s0+$0xC9C0]  }
0x263: {  	v16 =	vld [tilespmem:s0+$0xC9D0]  }
0x264: {  	v2 =	vld [tilespmem:s0+$0xC9E0]  }
0x265: {  	[tilespmem:s0+$0x580] =	vst.add.f32.msk $0xffff, v3  }
0x266: {  	[tilespmem:s0+$0x590] =	vst.add.f32.msk $0xffff, v4  }
0x267: {  	[tilespmem:s0+$0x5A0] =	vst.add.f32.msk $0xffff, v5  }
0x268: {  	[tilespmem:s0+$0x5B0] =	vst.add.f32.msk $0xffff, v6  }
0x269: {  	[tilespmem:s0+$0x5C0] =	vst.add.f32.msk $0xffff, v7  }
0x26a: {  	[tilespmem:s0+$0x5D0] =	vst.add.f32.msk $0xffff, v8  }
0x26b: {  	[tilespmem:s0+$0x5E0] =	vst.add.f32.msk $0xffff, v9  }
0x26c: {  	[tilespmem:s0+$0x5F0] =	vst.add.f32.msk $0xffff, v10  }
0x26d: {  	[tilespmem:s0+$0x980] =	vst.add.f32.msk $0xffff, v11  }
.Ltmp9:
0x26e: {  	[tilespmem:s0+$0x990] =	vst.add.f32.msk $0xffff, v12;
	(pc) =	sbr.rel @p0 .LBB2_17-.Ltmp9, $4  }
0x26f: {  	[tilespmem:s0+$0x9A0] =	vst.add.f32.msk $0xffff, v13  }
0x270: {  	[tilespmem:s0+$0x9B0] =	vst.add.f32.msk $0xffff, v14  }
0x271: {  	[tilespmem:s0+$0x9C0] =	vst.add.f32.msk $0xffff, v15  }
0x272: {  	s22 =	sadd.s32 $0x2000, s22;
	[tilespmem:s0+$0x9D0] =	vst.add.f32.msk $0xffff, v16  }
0x273: {  	s30 =	smul.u32 $0xC000, s29;
	p0 =	seq.s32 s29, $0x15  }
.Ltmp10:
0x274: {  	_ = 	snop;
	(pc) =	sbr.rel @p0 .LBB2_54-.Ltmp10, $4  }
0x275: {  	s3 =	sadd.s32 s30, s9  }
0x276: {  	s3 =	sshrl.u32 s3, $0x3  }
0x277: {  	[tilespmem:s0+$0x9E0] =	vst.add.f32.msk $0xffff, v2;
	s31 =	sadd.s32 s2, s3  }
0x278: {  	[hbm4b:s31+s4] =	stream.linear.scatter [tilespmem:s23], [sflag:$0x7], $0x4000, $0x38;
	[tilespmem:$0x18200] =	vst v63  }
0x279: {  	s0 =	smul.u32 $0x60, s29;
	_ =	sdelay $0x1  }
0x27a: {  	s31 =	sshra.s32 s0, $0x2  }
0x27b: {  	v2 =	vld.msk [tilespmem:s31+$0x18], $0xff;
	_ =	sdelay $0x4  }
0x27c: {  	v3 =	vshll.u32 v2, $0x4  }
0x27d: {  	v2 =	vand.u32 $0x7, v2;
	v3 =	vand.u32 $0xFFFFFF80, v3  }
0x27e: {  	v2 =	vor.u32 v2, v3  }
0x27f: {  	v2 =	vperm.xlane v2, v0;
	_ =	sdelay $0x1  }
0x280: {  	v2 =	vadd.s32 v1, v2;
	_ =	sdelay $0x3  }
0x281: {  	s17 =	simm.s32 $0xC200  }
0x282: {  	[tilespmem:s17], [sflag:$0x1] =	stream.indirect_vreg.gather [hbm4b:s5+s4], $0x80, v2, vm0, $0xb8;
	[tilespmem:$0x18200] =	vst v63  }
0x283: {  	s22 =	simm.s32 $0xCA00  }
0x284: {  	[tilespmem:s22], [sflag:$0x1] =	stream.indirect_vreg.gather [hbm4b:s7+s4], $0x80, v2, vm0, $0xb8;
	[tilespmem:$0x18200] =	vst v63  }
0x285: {  	s3 =	simm.s32 $0xD200  }
0x286: {  	[tilespmem:s3], [sflag:$0x1] =	stream.indirect_vreg.gather [hbm4b:s8+s4], $0x80, v2, vm0, $0xb8;
	[tilespmem:$0x18200] =	vst v63  }
0x287: {  	s17 =	simm.s32 $0xDA00  }
0x288: {  	[tilespmem:s17], [sflag:$0x1] =	stream.indirect_vreg.gather [hbm4b:s10+s4], $0x80, v2, vm0, $0xb8;
	[tilespmem:$0x18200] =	vst v63  }
0x289: {  	s22 =	simm.s32 $0xE200  }
0x28a: {  	[tilespmem:s22], [sflag:$0x1] =	stream.indirect_vreg.gather [hbm4b:s11+s4], $0x80, v2, vm0, $0xb8;
	[tilespmem:$0x18200] =	vst v63  }
0x28b: {  	s3 =	simm.s32 $0xEA00;
	s22 =	smul.u32 $0x3, s29  }
0x28c: {  	[tilespmem:s3], [sflag:$0x1] =	stream.indirect_vreg.gather [hbm4b:s12+s4], $0x80, v2, vm0, $0xb8;
	[tilespmem:$0x18200] =	vst v63  }
0x28d: {  	s0 =	sadd.s32 $0xFFFFFFFF, s22  }
0x28e: {  	s17 =	simm.s32 $0xF200;
	p0 =	sgt.u32 s0, $0x3F  }
0x28f: {  	[tilespmem:s17], [sflag:$0x1] =	stream.indirect_vreg.gather [hbm4b:s13+s4], $0x80, v2, vm0, $0xb8;
	[tilespmem:$0x18200] =	vst v63  }
0x290: {  	s3 =	simm.s32 $0xFA00;
	s0 =	simm.s32 @!p0 $0x9  }
0x291: {  	[tilespmem:s3], [sflag:$0x1] =	stream.indirect_vreg.gather [hbm4b:s15+s4], $0x80, v2, vm0, $0xb8;
	[tilespmem:$0x18200] =	vst v63  }
0x292: {  	_ =	swait.ge @!p0 [sflag:s0], $0x4000  }
0x293: {  	s17 =	sadd.s32 s21, s30;
	[sflag:s0] =	ssyncset.done @!p0 $0x0  }
0x294: {  	[sflag:s0] =	ssyncadd.s32 @!p0 $0xFFFFC000;
	s0 =	sshrl.u32 s17, $0x3  }
0x295: {  	s17 =	simm.s32 $0x0;
	s22 =	sadd.s32 s1, s0  }
0x296: {  	[tilespmem:s14], [sflag:$0x6] =	stream.linear.gather [hbm4b:s22+s17], $0x4000, $0x38;
	[tilespmem:$0x18200] =	vst v63  }
0x297: {  	_ =	swait.ge [sflag:s24], $0x4000  }
0x298: {  	[sflag:s24] =	ssyncset.done $0x0  }
0x299: {  	[sflag:s24] =	ssyncadd.s32 $0xFFFFC000  }
0x29a: {  	_ =	swait.ge [sflag:s25], $0x4000  }
0x29b: {  	[sflag:s25] =	ssyncset.done $0x0  }
0x29c: {  	s3 =	simm.s32 $0x0;
	[sflag:s25] =	ssyncadd.s32 $0xFFFFC000  }
0x29d: {  	v2 =	vld [tilespmem:s3+$0x10670]  }
0x29e: {  	v3 =	vld [tilespmem:s3+$0x10200]  }
0x29f: {  	v4 =	vld [tilespmem:s3+$0x10210]  }
0x2a0: {  	v5 =	vld [tilespmem:s3+$0x10220]  }
0x2a1: {  	v6 =	vld [tilespmem:s3+$0x10230]  }
0x2a2: {  	v7 =	vld [tilespmem:s3+$0x10240]  }
0x2a3: {  	v8 =	vld [tilespmem:s3+$0x10250]  }
0x2a4: {  	v9 =	vld [tilespmem:s3+$0x10260]  }
0x2a5: {  	v10 =	vld [tilespmem:s3+$0x10270]  }
0x2a6: {  	v11 =	vld [tilespmem:s3+$0x10600]  }
0x2a7: {  	v12 =	vld [tilespmem:s3+$0x10610]  }
0x2a8: {  	v13 =	vld [tilespmem:s3+$0x10620]  }
0x2a9: {  	v14 =	vld [tilespmem:s3+$0x10630]  }
0x2aa: {  	v15 =	vld [tilespmem:s3+$0x10640]  }
0x2ab: {  	v16 =	vld [tilespmem:s3+$0x10650]  }
0x2ac: {  	[tilespmem:s3+$0x4670] =	vst.add.f32.msk $0xffff, v2  }
0x2ad: {  	v2 =	vld [tilespmem:s3+$0x10660]  }
0x2ae: {  	[tilespmem:s3+$0x4200] =	vst.add.f32.msk $0xffff, v3  }
0x2af: {  	[tilespmem:s3+$0x4210] =	vst.add.f32.msk $0xffff, v4  }
0x2b0: {  	[tilespmem:s3+$0x4220] =	vst.add.f32.msk $0xffff, v5  }
0x2b1: {  	[tilespmem:s3+$0x4230] =	vst.add.f32.msk $0xffff, v6  }
0x2b2: {  	[tilespmem:s3+$0x4240] =	vst.add.f32.msk $0xffff, v7  }
0x2b3: {  	[tilespmem:s3+$0x4250] =	vst.add.f32.msk $0xffff, v8  }
0x2b4: {  	[tilespmem:s3+$0x4260] =	vst.add.f32.msk $0xffff, v9  }
0x2b5: {  	[tilespmem:s3+$0x4270] =	vst.add.f32.msk $0xffff, v10  }
0x2b6: {  	[tilespmem:s3+$0x4600] =	vst.add.f32.msk $0xffff, v11  }
0x2b7: {  	[tilespmem:s3+$0x4610] =	vst.add.f32.msk $0xffff, v12  }
0x2b8: {  	[tilespmem:s3+$0x4620] =	vst.add.f32.msk $0xffff, v13  }
0x2b9: {  	[tilespmem:s3+$0x4630] =	vst.add.f32.msk $0xffff, v14  }
0x2ba: {  	[tilespmem:s3+$0x4640] =	vst.add.f32.msk $0xffff, v15  }
0x2bb: {  	s22 =	simm.s32 $0x0;
	s17 =	simm.s32 $0x2000;
	[tilespmem:s3+$0x4650] =	vst.add.f32.msk $0xffff, v16  }
.LBB2_20:
0x2bc: {  	s22 =	sadd.s32 $0x100, s22;
	[tilespmem:s3+$0x4660] =	vst.add.f32.msk $0xffff, v2;
	s3 =	sshra.s32 s17, $0x2  }
0x2bd: {  	v2 =	vld [tilespmem:s3+$0x10670];
	p0 =	slt.u32 s22, $0x700  }
0x2be: {  	v3 =	vld [tilespmem:s3+$0x10200]  }
0x2bf: {  	v4 =	vld [tilespmem:s3+$0x10210]  }
0x2c0: {  	v5 =	vld [tilespmem:s3+$0x10220]  }
0x2c1: {  	v6 =	vld [tilespmem:s3+$0x10230]  }
0x2c2: {  	[tilespmem:s3+$0x4670] =	vst.add.f32.msk $0xffff, v2  }
0x2c3: {  	v7 =	vld [tilespmem:s3+$0x10240]  }
0x2c4: {  	v8 =	vld [tilespmem:s3+$0x10250]  }
0x2c5: {  	v9 =	vld [tilespmem:s3+$0x10260]  }
0x2c6: {  	v10 =	vld [tilespmem:s3+$0x10270]  }
0x2c7: {  	v11 =	vld [tilespmem:s3+$0x10600]  }
0x2c8: {  	v12 =	vld [tilespmem:s3+$0x10610]  }
0x2c9: {  	v13 =	vld [tilespmem:s3+$0x10620]  }
0x2ca: {  	v14 =	vld [tilespmem:s3+$0x10630]  }
0x2cb: {  	v15 =	vld [tilespmem:s3+$0x10640]  }
0x2cc: {  	v16 =	vld [tilespmem:s3+$0x10650]  }
0x2cd: {  	v2 =	vld [tilespmem:s3+$0x10660]  }
0x2ce: {  	[tilespmem:s3+$0x4200] =	vst.add.f32.msk $0xffff, v3  }
0x2cf: {  	[tilespmem:s3+$0x4210] =	vst.add.f32.msk $0xffff, v4  }
0x2d0: {  	[tilespmem:s3+$0x4220] =	vst.add.f32.msk $0xffff, v5  }
0x2d1: {  	[tilespmem:s3+$0x4230] =	vst.add.f32.msk $0xffff, v6  }
0x2d2: {  	[tilespmem:s3+$0x4240] =	vst.add.f32.msk $0xffff, v7  }
0x2d3: {  	[tilespmem:s3+$0x4250] =	vst.add.f32.msk $0xffff, v8  }
0x2d4: {  	[tilespmem:s3+$0x4260] =	vst.add.f32.msk $0xffff, v9  }
0x2d5: {  	[tilespmem:s3+$0x4270] =	vst.add.f32.msk $0xffff, v10  }
0x2d6: {  	[tilespmem:s3+$0x4600] =	vst.add.f32.msk $0xffff, v11  }
.Ltmp11:
0x2d7: {  	[tilespmem:s3+$0x4610] =	vst.add.f32.msk $0xffff, v12;
	(pc) =	sbr.rel @p0 .LBB2_20-.Ltmp11, $4  }
0x2d8: {  	[tilespmem:s3+$0x4620] =	vst.add.f32.msk $0xffff, v13  }
0x2d9: {  	[tilespmem:s3+$0x4630] =	vst.add.f32.msk $0xffff, v14  }
0x2da: {  	[tilespmem:s3+$0x4640] =	vst.add.f32.msk $0xffff, v15  }
0x2db: {  	s17 =	sadd.s32 $0x2000, s17;
	[tilespmem:s3+$0x4650] =	vst.add.f32.msk $0xffff, v16  }
0x2dc: {  	[tilespmem:s3+$0x4660] =	vst.add.f32.msk $0xffff, v2;
	s3 =	simm.s32 $0x0  }
0x2dd: {  	v2 =	vld [tilespmem:s3+$0x106F0]  }
0x2de: {  	v3 =	vld [tilespmem:s3+$0x10280]  }
0x2df: {  	v4 =	vld [tilespmem:s3+$0x10290]  }
0x2e0: {  	v5 =	vld [tilespmem:s3+$0x102A0]  }
0x2e1: {  	v6 =	vld [tilespmem:s3+$0x102B0]  }
0x2e2: {  	v7 =	vld [tilespmem:s3+$0x102C0]  }
0x2e3: {  	v8 =	vld [tilespmem:s3+$0x102D0]  }
0x2e4: {  	v9 =	vld [tilespmem:s3+$0x102E0]  }
0x2e5: {  	v10 =	vld [tilespmem:s3+$0x102F0]  }
0x2e6: {  	v11 =	vld [tilespmem:s3+$0x10680]  }
0x2e7: {  	v12 =	vld [tilespmem:s3+$0x10690]  }
0x2e8: {  	v13 =	vld [tilespmem:s3+$0x106A0]  }
0x2e9: {  	v14 =	vld [tilespmem:s3+$0x106B0]  }
0x2ea: {  	v15 =	vld [tilespmem:s3+$0x106C0]  }
0x2eb: {  	v16 =	vld [tilespmem:s3+$0x106D0]  }
0x2ec: {  	[tilespmem:s3+$0x46F0] =	vst.add.f32.msk $0xffff, v2  }
0x2ed: {  	v2 =	vld [tilespmem:s3+$0x106E0]  }
0x2ee: {  	[tilespmem:s3+$0x4280] =	vst.add.f32.msk $0xffff, v3  }
0x2ef: {  	[tilespmem:s3+$0x4290] =	vst.add.f32.msk $0xffff, v4  }
0x2f0: {  	[tilespmem:s3+$0x42A0] =	vst.add.f32.msk $0xffff, v5  }
0x2f1: {  	[tilespmem:s3+$0x42B0] =	vst.add.f32.msk $0xffff, v6  }
0x2f2: {  	[tilespmem:s3+$0x42C0] =	vst.add.f32.msk $0xffff, v7  }
0x2f3: {  	[tilespmem:s3+$0x42D0] =	vst.add.f32.msk $0xffff, v8  }
0x2f4: {  	[tilespmem:s3+$0x42E0] =	vst.add.f32.msk $0xffff, v9  }
0x2f5: {  	[tilespmem:s3+$0x42F0] =	vst.add.f32.msk $0xffff, v10  }
0x2f6: {  	[tilespmem:s3+$0x4680] =	vst.add.f32.msk $0xffff, v11  }
0x2f7: {  	[tilespmem:s3+$0x4690] =	vst.add.f32.msk $0xffff, v12  }
0x2f8: {  	[tilespmem:s3+$0x46A0] =	vst.add.f32.msk $0xffff, v13  }
0x2f9: {  	[tilespmem:s3+$0x46B0] =	vst.add.f32.msk $0xffff, v14  }
0x2fa: {  	[tilespmem:s3+$0x46C0] =	vst.add.f32.msk $0xffff, v15  }
0x2fb: {  	s22 =	simm.s32 $0x0;
	s17 =	simm.s32 $0x2000;
	[tilespmem:s3+$0x46D0] =	vst.add.f32.msk $0xffff, v16  }
.LBB2_22:
0x2fc: {  	s22 =	sadd.s32 $0x100, s22;
	[tilespmem:s3+$0x46E0] =	vst.add.f32.msk $0xffff, v2;
	s3 =	sshra.s32 s17, $0x2  }
0x2fd: {  	v2 =	vld [tilespmem:s3+$0x106F0];
	p0 =	slt.u32 s22, $0x700  }
0x2fe: {  	v3 =	vld [tilespmem:s3+$0x10280]  }
0x2ff: {  	v4 =	vld [tilespmem:s3+$0x10290]  }
0x300: {  	v5 =	vld [tilespmem:s3+$0x102A0]  }
0x301: {  	v6 =	vld [tilespmem:s3+$0x102B0]  }
0x302: {  	[tilespmem:s3+$0x46F0] =	vst.add.f32.msk $0xffff, v2  }
0x303: {  	v7 =	vld [tilespmem:s3+$0x102C0]  }
0x304: {  	v8 =	vld [tilespmem:s3+$0x102D0]  }
0x305: {  	v9 =	vld [tilespmem:s3+$0x102E0]  }
0x306: {  	v10 =	vld [tilespmem:s3+$0x102F0]  }
0x307: {  	v11 =	vld [tilespmem:s3+$0x10680]  }
0x308: {  	v12 =	vld [tilespmem:s3+$0x10690]  }
0x309: {  	v13 =	vld [tilespmem:s3+$0x106A0]  }
0x30a: {  	v14 =	vld [tilespmem:s3+$0x106B0]  }
0x30b: {  	v15 =	vld [tilespmem:s3+$0x106C0]  }
0x30c: {  	v16 =	vld [tilespmem:s3+$0x106D0]  }
0x30d: {  	v2 =	vld [tilespmem:s3+$0x106E0]  }
0x30e: {  	[tilespmem:s3+$0x4280] =	vst.add.f32.msk $0xffff, v3  }
0x30f: {  	[tilespmem:s3+$0x4290] =	vst.add.f32.msk $0xffff, v4  }
0x310: {  	[tilespmem:s3+$0x42A0] =	vst.add.f32.msk $0xffff, v5  }
0x311: {  	[tilespmem:s3+$0x42B0] =	vst.add.f32.msk $0xffff, v6  }
0x312: {  	[tilespmem:s3+$0x42C0] =	vst.add.f32.msk $0xffff, v7  }
0x313: {  	[tilespmem:s3+$0x42D0] =	vst.add.f32.msk $0xffff, v8  }
0x314: {  	[tilespmem:s3+$0x42E0] =	vst.add.f32.msk $0xffff, v9  }
0x315: {  	[tilespmem:s3+$0x42F0] =	vst.add.f32.msk $0xffff, v10  }
0x316: {  	[tilespmem:s3+$0x4680] =	vst.add.f32.msk $0xffff, v11  }
.Ltmp12:
0x317: {  	[tilespmem:s3+$0x4690] =	vst.add.f32.msk $0xffff, v12;
	(pc) =	sbr.rel @p0 .LBB2_22-.Ltmp12, $4  }
0x318: {  	[tilespmem:s3+$0x46A0] =	vst.add.f32.msk $0xffff, v13  }
0x319: {  	[tilespmem:s3+$0x46B0] =	vst.add.f32.msk $0xffff, v14  }
0x31a: {  	[tilespmem:s3+$0x46C0] =	vst.add.f32.msk $0xffff, v15  }
0x31b: {  	s17 =	sadd.s32 $0x2000, s17;
	[tilespmem:s3+$0x46D0] =	vst.add.f32.msk $0xffff, v16  }
0x31c: {  	[tilespmem:s3+$0x46E0] =	vst.add.f32.msk $0xffff, v2;
	s3 =	simm.s32 $0x0  }
0x31d: {  	v2 =	vld [tilespmem:s3+$0x10770]  }
0x31e: {  	v3 =	vld [tilespmem:s3+$0x10300]  }
0x31f: {  	v4 =	vld [tilespmem:s3+$0x10310]  }
0x320: {  	v5 =	vld [tilespmem:s3+$0x10320]  }
0x321: {  	v6 =	vld [tilespmem:s3+$0x10330]  }
0x322: {  	v7 =	vld [tilespmem:s3+$0x10340]  }
0x323: {  	v8 =	vld [tilespmem:s3+$0x10350]  }
0x324: {  	v9 =	vld [tilespmem:s3+$0x10360]  }
0x325: {  	v10 =	vld [tilespmem:s3+$0x10370]  }
0x326: {  	v11 =	vld [tilespmem:s3+$0x10700]  }
0x327: {  	v12 =	vld [tilespmem:s3+$0x10710]  }
0x328: {  	v13 =	vld [tilespmem:s3+$0x10720]  }
0x329: {  	v14 =	vld [tilespmem:s3+$0x10730]  }
0x32a: {  	v15 =	vld [tilespmem:s3+$0x10740]  }
0x32b: {  	v16 =	vld [tilespmem:s3+$0x10750]  }
0x32c: {  	[tilespmem:s3+$0x4770] =	vst.add.f32.msk $0xffff, v2  }
0x32d: {  	v2 =	vld [tilespmem:s3+$0x10760]  }
0x32e: {  	[tilespmem:s3+$0x4300] =	vst.add.f32.msk $0xffff, v3  }
0x32f: {  	[tilespmem:s3+$0x4310] =	vst.add.f32.msk $0xffff, v4  }
0x330: {  	[tilespmem:s3+$0x4320] =	vst.add.f32.msk $0xffff, v5  }
0x331: {  	[tilespmem:s3+$0x4330] =	vst.add.f32.msk $0xffff, v6  }
0x332: {  	[tilespmem:s3+$0x4340] =	vst.add.f32.msk $0xffff, v7  }
0x333: {  	[tilespmem:s3+$0x4350] =	vst.add.f32.msk $0xffff, v8  }
0x334: {  	[tilespmem:s3+$0x4360] =	vst.add.f32.msk $0xffff, v9  }
0x335: {  	[tilespmem:s3+$0x4370] =	vst.add.f32.msk $0xffff, v10  }
0x336: {  	[tilespmem:s3+$0x4700] =	vst.add.f32.msk $0xffff, v11  }
0x337: {  	[tilespmem:s3+$0x4710] =	vst.add.f32.msk $0xffff, v12  }
0x338: {  	[tilespmem:s3+$0x4720] =	vst.add.f32.msk $0xffff, v13  }
0x339: {  	[tilespmem:s3+$0x4730] =	vst.add.f32.msk $0xffff, v14  }
0x33a: {  	[tilespmem:s3+$0x4740] =	vst.add.f32.msk $0xffff, v15  }
0x33b: {  	s22 =	simm.s32 $0x0;
	s17 =	simm.s32 $0x2000;
	[tilespmem:s3+$0x4750] =	vst.add.f32.msk $0xffff, v16  }
.LBB2_24:
0x33c: {  	s22 =	sadd.s32 $0x100, s22;
	[tilespmem:s3+$0x4760] =	vst.add.f32.msk $0xffff, v2;
	s3 =	sshra.s32 s17, $0x2  }
0x33d: {  	v2 =	vld [tilespmem:s3+$0x10770];
	p0 =	slt.u32 s22, $0x700  }
0x33e: {  	v3 =	vld [tilespmem:s3+$0x10300]  }
0x33f: {  	v4 =	vld [tilespmem:s3+$0x10310]  }
0x340: {  	v5 =	vld [tilespmem:s3+$0x10320]  }
0x341: {  	v6 =	vld [tilespmem:s3+$0x10330]  }
0x342: {  	[tilespmem:s3+$0x4770] =	vst.add.f32.msk $0xffff, v2  }
0x343: {  	v7 =	vld [tilespmem:s3+$0x10340]  }
0x344: {  	v8 =	vld [tilespmem:s3+$0x10350]  }
0x345: {  	v9 =	vld [tilespmem:s3+$0x10360]  }
0x346: {  	v10 =	vld [tilespmem:s3+$0x10370]  }
0x347: {  	v11 =	vld [tilespmem:s3+$0x10700]  }
0x348: {  	v12 =	vld [tilespmem:s3+$0x10710]  }
0x349: {  	v13 =	vld [tilespmem:s3+$0x10720]  }
0x34a: {  	v14 =	vld [tilespmem:s3+$0x10730]  }
0x34b: {  	v15 =	vld [tilespmem:s3+$0x10740]  }
0x34c: {  	v16 =	vld [tilespmem:s3+$0x10750]  }
0x34d: {  	v2 =	vld [tilespmem:s3+$0x10760]  }
0x34e: {  	[tilespmem:s3+$0x4300] =	vst.add.f32.msk $0xffff, v3  }
0x34f: {  	[tilespmem:s3+$0x4310] =	vst.add.f32.msk $0xffff, v4  }
0x350: {  	[tilespmem:s3+$0x4320] =	vst.add.f32.msk $0xffff, v5  }
0x351: {  	[tilespmem:s3+$0x4330] =	vst.add.f32.msk $0xffff, v6  }
0x352: {  	[tilespmem:s3+$0x4340] =	vst.add.f32.msk $0xffff, v7  }
0x353: {  	[tilespmem:s3+$0x4350] =	vst.add.f32.msk $0xffff, v8  }
0x354: {  	[tilespmem:s3+$0x4360] =	vst.add.f32.msk $0xffff, v9  }
0x355: {  	[tilespmem:s3+$0x4370] =	vst.add.f32.msk $0xffff, v10  }
0x356: {  	[tilespmem:s3+$0x4700] =	vst.add.f32.msk $0xffff, v11  }
.Ltmp13:
0x357: {  	[tilespmem:s3+$0x4710] =	vst.add.f32.msk $0xffff, v12;
	(pc) =	sbr.rel @p0 .LBB2_24-.Ltmp13, $4  }
0x358: {  	[tilespmem:s3+$0x4720] =	vst.add.f32.msk $0xffff, v13  }
0x359: {  	[tilespmem:s3+$0x4730] =	vst.add.f32.msk $0xffff, v14  }
0x35a: {  	[tilespmem:s3+$0x4740] =	vst.add.f32.msk $0xffff, v15  }
0x35b: {  	s17 =	sadd.s32 $0x2000, s17;
	[tilespmem:s3+$0x4750] =	vst.add.f32.msk $0xffff, v16  }
0x35c: {  	[tilespmem:s3+$0x4760] =	vst.add.f32.msk $0xffff, v2;
	s3 =	simm.s32 $0x0  }
0x35d: {  	v2 =	vld [tilespmem:s3+$0x107F0]  }
0x35e: {  	v3 =	vld [tilespmem:s3+$0x10380]  }
0x35f: {  	v4 =	vld [tilespmem:s3+$0x10390]  }
0x360: {  	v5 =	vld [tilespmem:s3+$0x103A0]  }
0x361: {  	v6 =	vld [tilespmem:s3+$0x103B0]  }
0x362: {  	v7 =	vld [tilespmem:s3+$0x103C0]  }
0x363: {  	v8 =	vld [tilespmem:s3+$0x103D0]  }
0x364: {  	v9 =	vld [tilespmem:s3+$0x103E0]  }
0x365: {  	v10 =	vld [tilespmem:s3+$0x103F0]  }
0x366: {  	v11 =	vld [tilespmem:s3+$0x10780]  }
0x367: {  	v12 =	vld [tilespmem:s3+$0x10790]  }
0x368: {  	v13 =	vld [tilespmem:s3+$0x107A0]  }
0x369: {  	v14 =	vld [tilespmem:s3+$0x107B0]  }
0x36a: {  	v15 =	vld [tilespmem:s3+$0x107C0]  }
0x36b: {  	v16 =	vld [tilespmem:s3+$0x107D0]  }
0x36c: {  	[tilespmem:s3+$0x47F0] =	vst.add.f32.msk $0xffff, v2  }
0x36d: {  	v2 =	vld [tilespmem:s3+$0x107E0]  }
0x36e: {  	[tilespmem:s3+$0x4380] =	vst.add.f32.msk $0xffff, v3  }
0x36f: {  	[tilespmem:s3+$0x4390] =	vst.add.f32.msk $0xffff, v4  }
0x370: {  	[tilespmem:s3+$0x43A0] =	vst.add.f32.msk $0xffff, v5  }
0x371: {  	[tilespmem:s3+$0x43B0] =	vst.add.f32.msk $0xffff, v6  }
0x372: {  	[tilespmem:s3+$0x43C0] =	vst.add.f32.msk $0xffff, v7  }
0x373: {  	[tilespmem:s3+$0x43D0] =	vst.add.f32.msk $0xffff, v8  }
0x374: {  	[tilespmem:s3+$0x43E0] =	vst.add.f32.msk $0xffff, v9  }
0x375: {  	[tilespmem:s3+$0x43F0] =	vst.add.f32.msk $0xffff, v10  }
0x376: {  	[tilespmem:s3+$0x4780] =	vst.add.f32.msk $0xffff, v11  }
0x377: {  	[tilespmem:s3+$0x4790] =	vst.add.f32.msk $0xffff, v12  }
0x378: {  	[tilespmem:s3+$0x47A0] =	vst.add.f32.msk $0xffff, v13  }
0x379: {  	[tilespmem:s3+$0x47B0] =	vst.add.f32.msk $0xffff, v14  }
0x37a: {  	[tilespmem:s3+$0x47C0] =	vst.add.f32.msk $0xffff, v15  }
0x37b: {  	s22 =	simm.s32 $0x0;
	s17 =	simm.s32 $0x2000;
	[tilespmem:s3+$0x47D0] =	vst.add.f32.msk $0xffff, v16  }
.LBB2_26:
0x37c: {  	s22 =	sadd.s32 $0x100, s22;
	[tilespmem:s3+$0x47E0] =	vst.add.f32.msk $0xffff, v2;
	s3 =	sshra.s32 s17, $0x2  }
0x37d: {  	v2 =	vld [tilespmem:s3+$0x107F0];
	p0 =	slt.u32 s22, $0x700  }
0x37e: {  	v3 =	vld [tilespmem:s3+$0x10380]  }
0x37f: {  	v4 =	vld [tilespmem:s3+$0x10390]  }
0x380: {  	v5 =	vld [tilespmem:s3+$0x103A0]  }
0x381: {  	v6 =	vld [tilespmem:s3+$0x103B0]  }
0x382: {  	[tilespmem:s3+$0x47F0] =	vst.add.f32.msk $0xffff, v2  }
0x383: {  	v7 =	vld [tilespmem:s3+$0x103C0]  }
0x384: {  	v8 =	vld [tilespmem:s3+$0x103D0]  }
0x385: {  	v9 =	vld [tilespmem:s3+$0x103E0]  }
0x386: {  	v10 =	vld [tilespmem:s3+$0x103F0]  }
0x387: {  	v11 =	vld [tilespmem:s3+$0x10780]  }
0x388: {  	v12 =	vld [tilespmem:s3+$0x10790]  }
0x389: {  	v13 =	vld [tilespmem:s3+$0x107A0]  }
0x38a: {  	v14 =	vld [tilespmem:s3+$0x107B0]  }
0x38b: {  	v15 =	vld [tilespmem:s3+$0x107C0]  }
0x38c: {  	v16 =	vld [tilespmem:s3+$0x107D0]  }
0x38d: {  	v2 =	vld [tilespmem:s3+$0x107E0]  }
0x38e: {  	[tilespmem:s3+$0x4380] =	vst.add.f32.msk $0xffff, v3  }
0x38f: {  	[tilespmem:s3+$0x4390] =	vst.add.f32.msk $0xffff, v4  }
0x390: {  	[tilespmem:s3+$0x43A0] =	vst.add.f32.msk $0xffff, v5  }
0x391: {  	[tilespmem:s3+$0x43B0] =	vst.add.f32.msk $0xffff, v6  }
0x392: {  	[tilespmem:s3+$0x43C0] =	vst.add.f32.msk $0xffff, v7  }
0x393: {  	[tilespmem:s3+$0x43D0] =	vst.add.f32.msk $0xffff, v8  }
0x394: {  	[tilespmem:s3+$0x43E0] =	vst.add.f32.msk $0xffff, v9  }
0x395: {  	[tilespmem:s3+$0x43F0] =	vst.add.f32.msk $0xffff, v10  }
0x396: {  	[tilespmem:s3+$0x4780] =	vst.add.f32.msk $0xffff, v11  }
.Ltmp14:
0x397: {  	[tilespmem:s3+$0x4790] =	vst.add.f32.msk $0xffff, v12;
	(pc) =	sbr.rel @p0 .LBB2_26-.Ltmp14, $4  }
0x398: {  	[tilespmem:s3+$0x47A0] =	vst.add.f32.msk $0xffff, v13  }
0x399: {  	[tilespmem:s3+$0x47B0] =	vst.add.f32.msk $0xffff, v14  }
0x39a: {  	[tilespmem:s3+$0x47C0] =	vst.add.f32.msk $0xffff, v15  }
0x39b: {  	s17 =	sadd.s32 $0x2000, s17;
	[tilespmem:s3+$0x47D0] =	vst.add.f32.msk $0xffff, v16  }
0x39c: {  	[tilespmem:s3+$0x47E0] =	vst.add.f32.msk $0xffff, v2;
	s3 =	simm.s32 $0x0  }
0x39d: {  	v2 =	vld [tilespmem:s3+$0x10870]  }
0x39e: {  	v3 =	vld [tilespmem:s3+$0x10400]  }
0x39f: {  	v4 =	vld [tilespmem:s3+$0x10410]  }
0x3a0: {  	v5 =	vld [tilespmem:s3+$0x10420]  }
0x3a1: {  	v6 =	vld [tilespmem:s3+$0x10430]  }
0x3a2: {  	v7 =	vld [tilespmem:s3+$0x10440]  }
0x3a3: {  	v8 =	vld [tilespmem:s3+$0x10450]  }
0x3a4: {  	v9 =	vld [tilespmem:s3+$0x10460]  }
0x3a5: {  	v10 =	vld [tilespmem:s3+$0x10470]  }
0x3a6: {  	v11 =	vld [tilespmem:s3+$0x10800]  }
0x3a7: {  	v12 =	vld [tilespmem:s3+$0x10810]  }
0x3a8: {  	v13 =	vld [tilespmem:s3+$0x10820]  }
0x3a9: {  	v14 =	vld [tilespmem:s3+$0x10830]  }
0x3aa: {  	v15 =	vld [tilespmem:s3+$0x10840]  }
0x3ab: {  	v16 =	vld [tilespmem:s3+$0x10850]  }
0x3ac: {  	[tilespmem:s3+$0x4870] =	vst.add.f32.msk $0xffff, v2  }
0x3ad: {  	v2 =	vld [tilespmem:s3+$0x10860]  }
0x3ae: {  	[tilespmem:s3+$0x4400] =	vst.add.f32.msk $0xffff, v3  }
0x3af: {  	[tilespmem:s3+$0x4410] =	vst.add.f32.msk $0xffff, v4  }
0x3b0: {  	[tilespmem:s3+$0x4420] =	vst.add.f32.msk $0xffff, v5  }
0x3b1: {  	[tilespmem:s3+$0x4430] =	vst.add.f32.msk $0xffff, v6  }
0x3b2: {  	[tilespmem:s3+$0x4440] =	vst.add.f32.msk $0xffff, v7  }
0x3b3: {  	[tilespmem:s3+$0x4450] =	vst.add.f32.msk $0xffff, v8  }
0x3b4: {  	[tilespmem:s3+$0x4460] =	vst.add.f32.msk $0xffff, v9  }
0x3b5: {  	[tilespmem:s3+$0x4470] =	vst.add.f32.msk $0xffff, v10  }
0x3b6: {  	[tilespmem:s3+$0x4800] =	vst.add.f32.msk $0xffff, v11  }
0x3b7: {  	[tilespmem:s3+$0x4810] =	vst.add.f32.msk $0xffff, v12  }
0x3b8: {  	[tilespmem:s3+$0x4820] =	vst.add.f32.msk $0xffff, v13  }
0x3b9: {  	[tilespmem:s3+$0x4830] =	vst.add.f32.msk $0xffff, v14  }
0x3ba: {  	[tilespmem:s3+$0x4840] =	vst.add.f32.msk $0xffff, v15  }
0x3bb: {  	s22 =	simm.s32 $0x0;
	s17 =	simm.s32 $0x2000;
	[tilespmem:s3+$0x4850] =	vst.add.f32.msk $0xffff, v16  }
.LBB2_28:
0x3bc: {  	s22 =	sadd.s32 $0x100, s22;
	[tilespmem:s3+$0x4860] =	vst.add.f32.msk $0xffff, v2;
	s3 =	sshra.s32 s17, $0x2  }
0x3bd: {  	v2 =	vld [tilespmem:s3+$0x10870];
	p0 =	slt.u32 s22, $0x700  }
0x3be: {  	v3 =	vld [tilespmem:s3+$0x10400]  }
0x3bf: {  	v4 =	vld [tilespmem:s3+$0x10410]  }
0x3c0: {  	v5 =	vld [tilespmem:s3+$0x10420]  }
0x3c1: {  	v6 =	vld [tilespmem:s3+$0x10430]  }
0x3c2: {  	[tilespmem:s3+$0x4870] =	vst.add.f32.msk $0xffff, v2  }
0x3c3: {  	v7 =	vld [tilespmem:s3+$0x10440]  }
0x3c4: {  	v8 =	vld [tilespmem:s3+$0x10450]  }
0x3c5: {  	v9 =	vld [tilespmem:s3+$0x10460]  }
0x3c6: {  	v10 =	vld [tilespmem:s3+$0x10470]  }
0x3c7: {  	v11 =	vld [tilespmem:s3+$0x10800]  }
0x3c8: {  	v12 =	vld [tilespmem:s3+$0x10810]  }
0x3c9: {  	v13 =	vld [tilespmem:s3+$0x10820]  }
0x3ca: {  	v14 =	vld [tilespmem:s3+$0x10830]  }
0x3cb: {  	v15 =	vld [tilespmem:s3+$0x10840]  }
0x3cc: {  	v16 =	vld [tilespmem:s3+$0x10850]  }
0x3cd: {  	v2 =	vld [tilespmem:s3+$0x10860]  }
0x3ce: {  	[tilespmem:s3+$0x4400] =	vst.add.f32.msk $0xffff, v3  }
0x3cf: {  	[tilespmem:s3+$0x4410] =	vst.add.f32.msk $0xffff, v4  }
0x3d0: {  	[tilespmem:s3+$0x4420] =	vst.add.f32.msk $0xffff, v5  }
0x3d1: {  	[tilespmem:s3+$0x4430] =	vst.add.f32.msk $0xffff, v6  }
0x3d2: {  	[tilespmem:s3+$0x4440] =	vst.add.f32.msk $0xffff, v7  }
0x3d3: {  	[tilespmem:s3+$0x4450] =	vst.add.f32.msk $0xffff, v8  }
0x3d4: {  	[tilespmem:s3+$0x4460] =	vst.add.f32.msk $0xffff, v9  }
0x3d5: {  	[tilespmem:s3+$0x4470] =	vst.add.f32.msk $0xffff, v10  }
0x3d6: {  	[tilespmem:s3+$0x4800] =	vst.add.f32.msk $0xffff, v11  }
.Ltmp15:
0x3d7: {  	[tilespmem:s3+$0x4810] =	vst.add.f32.msk $0xffff, v12;
	(pc) =	sbr.rel @p0 .LBB2_28-.Ltmp15, $4  }
0x3d8: {  	[tilespmem:s3+$0x4820] =	vst.add.f32.msk $0xffff, v13  }
0x3d9: {  	[tilespmem:s3+$0x4830] =	vst.add.f32.msk $0xffff, v14  }
0x3da: {  	[tilespmem:s3+$0x4840] =	vst.add.f32.msk $0xffff, v15  }
0x3db: {  	s17 =	sadd.s32 $0x2000, s17;
	[tilespmem:s3+$0x4850] =	vst.add.f32.msk $0xffff, v16  }
0x3dc: {  	[tilespmem:s3+$0x4860] =	vst.add.f32.msk $0xffff, v2;
	s3 =	simm.s32 $0x0  }
0x3dd: {  	v2 =	vld [tilespmem:s3+$0x108F0]  }
0x3de: {  	v3 =	vld [tilespmem:s3+$0x10480]  }
0x3df: {  	v4 =	vld [tilespmem:s3+$0x10490]  }
0x3e0: {  	v5 =	vld [tilespmem:s3+$0x104A0]  }
0x3e1: {  	v6 =	vld [tilespmem:s3+$0x104B0]  }
0x3e2: {  	v7 =	vld [tilespmem:s3+$0x104C0]  }
0x3e3: {  	v8 =	vld [tilespmem:s3+$0x104D0]  }
0x3e4: {  	v9 =	vld [tilespmem:s3+$0x104E0]  }
0x3e5: {  	v10 =	vld [tilespmem:s3+$0x104F0]  }
0x3e6: {  	v11 =	vld [tilespmem:s3+$0x10880]  }
0x3e7: {  	v12 =	vld [tilespmem:s3+$0x10890]  }
0x3e8: {  	v13 =	vld [tilespmem:s3+$0x108A0]  }
0x3e9: {  	v14 =	vld [tilespmem:s3+$0x108B0]  }
0x3ea: {  	v15 =	vld [tilespmem:s3+$0x108C0]  }
0x3eb: {  	v16 =	vld [tilespmem:s3+$0x108D0]  }
0x3ec: {  	[tilespmem:s3+$0x48F0] =	vst.add.f32.msk $0xffff, v2  }
0x3ed: {  	v2 =	vld [tilespmem:s3+$0x108E0]  }
0x3ee: {  	[tilespmem:s3+$0x4480] =	vst.add.f32.msk $0xffff, v3  }
0x3ef: {  	[tilespmem:s3+$0x4490] =	vst.add.f32.msk $0xffff, v4  }
0x3f0: {  	[tilespmem:s3+$0x44A0] =	vst.add.f32.msk $0xffff, v5  }
0x3f1: {  	[tilespmem:s3+$0x44B0] =	vst.add.f32.msk $0xffff, v6  }
0x3f2: {  	[tilespmem:s3+$0x44C0] =	vst.add.f32.msk $0xffff, v7  }
0x3f3: {  	[tilespmem:s3+$0x44D0] =	vst.add.f32.msk $0xffff, v8  }
0x3f4: {  	[tilespmem:s3+$0x44E0] =	vst.add.f32.msk $0xffff, v9  }
0x3f5: {  	[tilespmem:s3+$0x44F0] =	vst.add.f32.msk $0xffff, v10  }
0x3f6: {  	[tilespmem:s3+$0x4880] =	vst.add.f32.msk $0xffff, v11  }
0x3f7: {  	[tilespmem:s3+$0x4890] =	vst.add.f32.msk $0xffff, v12  }
0x3f8: {  	[tilespmem:s3+$0x48A0] =	vst.add.f32.msk $0xffff, v13  }
0x3f9: {  	[tilespmem:s3+$0x48B0] =	vst.add.f32.msk $0xffff, v14  }
0x3fa: {  	[tilespmem:s3+$0x48C0] =	vst.add.f32.msk $0xffff, v15  }
0x3fb: {  	s22 =	simm.s32 $0x0;
	s17 =	simm.s32 $0x2000;
	[tilespmem:s3+$0x48D0] =	vst.add.f32.msk $0xffff, v16  }
.LBB2_30:
0x3fc: {  	s22 =	sadd.s32 $0x100, s22;
	[tilespmem:s3+$0x48E0] =	vst.add.f32.msk $0xffff, v2;
	s3 =	sshra.s32 s17, $0x2  }
0x3fd: {  	v2 =	vld [tilespmem:s3+$0x108F0];
	p0 =	slt.u32 s22, $0x700  }
0x3fe: {  	v3 =	vld [tilespmem:s3+$0x10480]  }
0x3ff: {  	v4 =	vld [tilespmem:s3+$0x10490]  }
0x400: {  	v5 =	vld [tilespmem:s3+$0x104A0]  }
0x401: {  	v6 =	vld [tilespmem:s3+$0x104B0]  }
0x402: {  	[tilespmem:s3+$0x48F0] =	vst.add.f32.msk $0xffff, v2  }
0x403: {  	v7 =	vld [tilespmem:s3+$0x104C0]  }
0x404: {  	v8 =	vld [tilespmem:s3+$0x104D0]  }
0x405: {  	v9 =	vld [tilespmem:s3+$0x104E0]  }
0x406: {  	v10 =	vld [tilespmem:s3+$0x104F0]  }
0x407: {  	v11 =	vld [tilespmem:s3+$0x10880]  }
0x408: {  	v12 =	vld [tilespmem:s3+$0x10890]  }
0x409: {  	v13 =	vld [tilespmem:s3+$0x108A0]  }
0x40a: {  	v14 =	vld [tilespmem:s3+$0x108B0]  }
0x40b: {  	v15 =	vld [tilespmem:s3+$0x108C0]  }
0x40c: {  	v16 =	vld [tilespmem:s3+$0x108D0]  }
0x40d: {  	v2 =	vld [tilespmem:s3+$0x108E0]  }
0x40e: {  	[tilespmem:s3+$0x4480] =	vst.add.f32.msk $0xffff, v3  }
0x40f: {  	[tilespmem:s3+$0x4490] =	vst.add.f32.msk $0xffff, v4  }
0x410: {  	[tilespmem:s3+$0x44A0] =	vst.add.f32.msk $0xffff, v5  }
0x411: {  	[tilespmem:s3+$0x44B0] =	vst.add.f32.msk $0xffff, v6  }
0x412: {  	[tilespmem:s3+$0x44C0] =	vst.add.f32.msk $0xffff, v7  }
0x413: {  	[tilespmem:s3+$0x44D0] =	vst.add.f32.msk $0xffff, v8  }
0x414: {  	[tilespmem:s3+$0x44E0] =	vst.add.f32.msk $0xffff, v9  }
0x415: {  	[tilespmem:s3+$0x44F0] =	vst.add.f32.msk $0xffff, v10  }
0x416: {  	[tilespmem:s3+$0x4880] =	vst.add.f32.msk $0xffff, v11  }
.Ltmp16:
0x417: {  	[tilespmem:s3+$0x4890] =	vst.add.f32.msk $0xffff, v12;
	(pc) =	sbr.rel @p0 .LBB2_30-.Ltmp16, $4  }
0x418: {  	[tilespmem:s3+$0x48A0] =	vst.add.f32.msk $0xffff, v13  }
0x419: {  	[tilespmem:s3+$0x48B0] =	vst.add.f32.msk $0xffff, v14  }
0x41a: {  	[tilespmem:s3+$0x48C0] =	vst.add.f32.msk $0xffff, v15  }
0x41b: {  	s17 =	sadd.s32 $0x2000, s17;
	[tilespmem:s3+$0x48D0] =	vst.add.f32.msk $0xffff, v16  }
0x41c: {  	[tilespmem:s3+$0x48E0] =	vst.add.f32.msk $0xffff, v2;
	s3 =	simm.s32 $0x0  }
0x41d: {  	v2 =	vld [tilespmem:s3+$0x10970]  }
0x41e: {  	v3 =	vld [tilespmem:s3+$0x10500]  }
0x41f: {  	v4 =	vld [tilespmem:s3+$0x10510]  }
0x420: {  	v5 =	vld [tilespmem:s3+$0x10520]  }
0x421: {  	v6 =	vld [tilespmem:s3+$0x10530]  }
0x422: {  	v7 =	vld [tilespmem:s3+$0x10540]  }
0x423: {  	v8 =	vld [tilespmem:s3+$0x10550]  }
0x424: {  	v9 =	vld [tilespmem:s3+$0x10560]  }
0x425: {  	v10 =	vld [tilespmem:s3+$0x10570]  }
0x426: {  	v11 =	vld [tilespmem:s3+$0x10900]  }
0x427: {  	v12 =	vld [tilespmem:s3+$0x10910]  }
0x428: {  	v13 =	vld [tilespmem:s3+$0x10920]  }
0x429: {  	v14 =	vld [tilespmem:s3+$0x10930]  }
0x42a: {  	v15 =	vld [tilespmem:s3+$0x10940]  }
0x42b: {  	v16 =	vld [tilespmem:s3+$0x10950]  }
0x42c: {  	[tilespmem:s3+$0x4970] =	vst.add.f32.msk $0xffff, v2  }
0x42d: {  	v2 =	vld [tilespmem:s3+$0x10960]  }
0x42e: {  	[tilespmem:s3+$0x4500] =	vst.add.f32.msk $0xffff, v3  }
0x42f: {  	[tilespmem:s3+$0x4510] =	vst.add.f32.msk $0xffff, v4  }
0x430: {  	[tilespmem:s3+$0x4520] =	vst.add.f32.msk $0xffff, v5  }
0x431: {  	[tilespmem:s3+$0x4530] =	vst.add.f32.msk $0xffff, v6  }
0x432: {  	[tilespmem:s3+$0x4540] =	vst.add.f32.msk $0xffff, v7  }
0x433: {  	[tilespmem:s3+$0x4550] =	vst.add.f32.msk $0xffff, v8  }
0x434: {  	[tilespmem:s3+$0x4560] =	vst.add.f32.msk $0xffff, v9  }
0x435: {  	[tilespmem:s3+$0x4570] =	vst.add.f32.msk $0xffff, v10  }
0x436: {  	[tilespmem:s3+$0x4900] =	vst.add.f32.msk $0xffff, v11  }
0x437: {  	[tilespmem:s3+$0x4910] =	vst.add.f32.msk $0xffff, v12  }
0x438: {  	[tilespmem:s3+$0x4920] =	vst.add.f32.msk $0xffff, v13  }
0x439: {  	[tilespmem:s3+$0x4930] =	vst.add.f32.msk $0xffff, v14  }
0x43a: {  	[tilespmem:s3+$0x4940] =	vst.add.f32.msk $0xffff, v15  }
0x43b: {  	s22 =	simm.s32 $0x0;
	s17 =	simm.s32 $0x2000;
	[tilespmem:s3+$0x4950] =	vst.add.f32.msk $0xffff, v16  }
.LBB2_32:
0x43c: {  	s22 =	sadd.s32 $0x100, s22;
	[tilespmem:s3+$0x4960] =	vst.add.f32.msk $0xffff, v2;
	s3 =	sshra.s32 s17, $0x2  }
0x43d: {  	v2 =	vld [tilespmem:s3+$0x10970];
	p0 =	slt.u32 s22, $0x700  }
0x43e: {  	v3 =	vld [tilespmem:s3+$0x10500]  }
0x43f: {  	v4 =	vld [tilespmem:s3+$0x10510]  }
0x440: {  	v5 =	vld [tilespmem:s3+$0x10520]  }
0x441: {  	v6 =	vld [tilespmem:s3+$0x10530]  }
0x442: {  	[tilespmem:s3+$0x4970] =	vst.add.f32.msk $0xffff, v2  }
0x443: {  	v7 =	vld [tilespmem:s3+$0x10540]  }
0x444: {  	v8 =	vld [tilespmem:s3+$0x10550]  }
0x445: {  	v9 =	vld [tilespmem:s3+$0x10560]  }
0x446: {  	v10 =	vld [tilespmem:s3+$0x10570]  }
0x447: {  	v11 =	vld [tilespmem:s3+$0x10900]  }
0x448: {  	v12 =	vld [tilespmem:s3+$0x10910]  }
0x449: {  	v13 =	vld [tilespmem:s3+$0x10920]  }
0x44a: {  	v14 =	vld [tilespmem:s3+$0x10930]  }
0x44b: {  	v15 =	vld [tilespmem:s3+$0x10940]  }
0x44c: {  	v16 =	vld [tilespmem:s3+$0x10950]  }
0x44d: {  	v2 =	vld [tilespmem:s3+$0x10960]  }
0x44e: {  	[tilespmem:s3+$0x4500] =	vst.add.f32.msk $0xffff, v3  }
0x44f: {  	[tilespmem:s3+$0x4510] =	vst.add.f32.msk $0xffff, v4  }
0x450: {  	[tilespmem:s3+$0x4520] =	vst.add.f32.msk $0xffff, v5  }
0x451: {  	[tilespmem:s3+$0x4530] =	vst.add.f32.msk $0xffff, v6  }
0x452: {  	[tilespmem:s3+$0x4540] =	vst.add.f32.msk $0xffff, v7  }
0x453: {  	[tilespmem:s3+$0x4550] =	vst.add.f32.msk $0xffff, v8  }
0x454: {  	[tilespmem:s3+$0x4560] =	vst.add.f32.msk $0xffff, v9  }
0x455: {  	[tilespmem:s3+$0x4570] =	vst.add.f32.msk $0xffff, v10  }
0x456: {  	[tilespmem:s3+$0x4900] =	vst.add.f32.msk $0xffff, v11  }
.Ltmp17:
0x457: {  	[tilespmem:s3+$0x4910] =	vst.add.f32.msk $0xffff, v12;
	(pc) =	sbr.rel @p0 .LBB2_32-.Ltmp17, $4  }
0x458: {  	[tilespmem:s3+$0x4920] =	vst.add.f32.msk $0xffff, v13  }
0x459: {  	[tilespmem:s3+$0x4930] =	vst.add.f32.msk $0xffff, v14  }
0x45a: {  	[tilespmem:s3+$0x4940] =	vst.add.f32.msk $0xffff, v15  }
0x45b: {  	s17 =	sadd.s32 $0x2000, s17;
	[tilespmem:s3+$0x4950] =	vst.add.f32.msk $0xffff, v16  }
0x45c: {  	[tilespmem:s3+$0x4960] =	vst.add.f32.msk $0xffff, v2;
	s3 =	simm.s32 $0x0  }
0x45d: {  	v2 =	vld [tilespmem:s3+$0x109F0]  }
0x45e: {  	v3 =	vld [tilespmem:s3+$0x10580]  }
0x45f: {  	v4 =	vld [tilespmem:s3+$0x10590]  }
0x460: {  	v5 =	vld [tilespmem:s3+$0x105A0]  }
0x461: {  	v6 =	vld [tilespmem:s3+$0x105B0]  }
0x462: {  	v7 =	vld [tilespmem:s3+$0x105C0]  }
0x463: {  	v8 =	vld [tilespmem:s3+$0x105D0]  }
0x464: {  	v9 =	vld [tilespmem:s3+$0x105E0]  }
0x465: {  	v10 =	vld [tilespmem:s3+$0x105F0]  }
0x466: {  	v11 =	vld [tilespmem:s3+$0x10980]  }
0x467: {  	v12 =	vld [tilespmem:s3+$0x10990]  }
0x468: {  	v13 =	vld [tilespmem:s3+$0x109A0]  }
0x469: {  	v14 =	vld [tilespmem:s3+$0x109B0]  }
0x46a: {  	v15 =	vld [tilespmem:s3+$0x109C0]  }
0x46b: {  	v16 =	vld [tilespmem:s3+$0x109D0]  }
0x46c: {  	[tilespmem:s3+$0x49F0] =	vst.add.f32.msk $0xffff, v2  }
0x46d: {  	v2 =	vld [tilespmem:s3+$0x109E0]  }
0x46e: {  	[tilespmem:s3+$0x4580] =	vst.add.f32.msk $0xffff, v3  }
0x46f: {  	[tilespmem:s3+$0x4590] =	vst.add.f32.msk $0xffff, v4  }
0x470: {  	[tilespmem:s3+$0x45A0] =	vst.add.f32.msk $0xffff, v5  }
0x471: {  	[tilespmem:s3+$0x45B0] =	vst.add.f32.msk $0xffff, v6  }
0x472: {  	[tilespmem:s3+$0x45C0] =	vst.add.f32.msk $0xffff, v7  }
0x473: {  	[tilespmem:s3+$0x45D0] =	vst.add.f32.msk $0xffff, v8  }
0x474: {  	[tilespmem:s3+$0x45E0] =	vst.add.f32.msk $0xffff, v9  }
0x475: {  	[tilespmem:s3+$0x45F0] =	vst.add.f32.msk $0xffff, v10  }
0x476: {  	[tilespmem:s3+$0x4980] =	vst.add.f32.msk $0xffff, v11  }
0x477: {  	[tilespmem:s3+$0x4990] =	vst.add.f32.msk $0xffff, v12  }
0x478: {  	[tilespmem:s3+$0x49A0] =	vst.add.f32.msk $0xffff, v13  }
0x479: {  	[tilespmem:s3+$0x49B0] =	vst.add.f32.msk $0xffff, v14  }
0x47a: {  	[tilespmem:s3+$0x49C0] =	vst.add.f32.msk $0xffff, v15  }
0x47b: {  	s22 =	simm.s32 $0x0;
	s17 =	simm.s32 $0x2000;
	[tilespmem:s3+$0x49D0] =	vst.add.f32.msk $0xffff, v16  }
.LBB2_34:
0x47c: {  	s22 =	sadd.s32 $0x100, s22;
	[tilespmem:s3+$0x49E0] =	vst.add.f32.msk $0xffff, v2;
	s3 =	sshra.s32 s17, $0x2  }
0x47d: {  	v2 =	vld [tilespmem:s3+$0x109F0];
	p0 =	slt.u32 s22, $0x700  }
0x47e: {  	v3 =	vld [tilespmem:s3+$0x10580]  }
0x47f: {  	v4 =	vld [tilespmem:s3+$0x10590]  }
0x480: {  	v5 =	vld [tilespmem:s3+$0x105A0]  }
0x481: {  	v6 =	vld [tilespmem:s3+$0x105B0]  }
0x482: {  	[tilespmem:s3+$0x49F0] =	vst.add.f32.msk $0xffff, v2  }
0x483: {  	v7 =	vld [tilespmem:s3+$0x105C0]  }
0x484: {  	v8 =	vld [tilespmem:s3+$0x105D0]  }
0x485: {  	v9 =	vld [tilespmem:s3+$0x105E0]  }
0x486: {  	v10 =	vld [tilespmem:s3+$0x105F0]  }
0x487: {  	v11 =	vld [tilespmem:s3+$0x10980]  }
0x488: {  	v12 =	vld [tilespmem:s3+$0x10990]  }
0x489: {  	v13 =	vld [tilespmem:s3+$0x109A0]  }
0x48a: {  	v14 =	vld [tilespmem:s3+$0x109B0]  }
0x48b: {  	v15 =	vld [tilespmem:s3+$0x109C0]  }
0x48c: {  	v16 =	vld [tilespmem:s3+$0x109D0]  }
0x48d: {  	v2 =	vld [tilespmem:s3+$0x109E0]  }
0x48e: {  	[tilespmem:s3+$0x4580] =	vst.add.f32.msk $0xffff, v3  }
0x48f: {  	[tilespmem:s3+$0x4590] =	vst.add.f32.msk $0xffff, v4  }
0x490: {  	[tilespmem:s3+$0x45A0] =	vst.add.f32.msk $0xffff, v5  }
0x491: {  	[tilespmem:s3+$0x45B0] =	vst.add.f32.msk $0xffff, v6  }
0x492: {  	[tilespmem:s3+$0x45C0] =	vst.add.f32.msk $0xffff, v7  }
0x493: {  	[tilespmem:s3+$0x45D0] =	vst.add.f32.msk $0xffff, v8  }
0x494: {  	[tilespmem:s3+$0x45E0] =	vst.add.f32.msk $0xffff, v9  }
0x495: {  	[tilespmem:s3+$0x45F0] =	vst.add.f32.msk $0xffff, v10  }
0x496: {  	[tilespmem:s3+$0x4980] =	vst.add.f32.msk $0xffff, v11  }
.Ltmp18:
0x497: {  	[tilespmem:s3+$0x4990] =	vst.add.f32.msk $0xffff, v12;
	(pc) =	sbr.rel @p0 .LBB2_34-.Ltmp18, $4  }
0x498: {  	[tilespmem:s3+$0x49A0] =	vst.add.f32.msk $0xffff, v13  }
0x499: {  	[tilespmem:s3+$0x49B0] =	vst.add.f32.msk $0xffff, v14  }
0x49a: {  	[tilespmem:s3+$0x49C0] =	vst.add.f32.msk $0xffff, v15  }
0x49b: {  	s17 =	sadd.s32 $0x2000, s17;
	[tilespmem:s3+$0x49D0] =	vst.add.f32.msk $0xffff, v16  }
0x49c: {  	s17 =	rddreg [dreg:$0x8]  }
0x49d: {  	s17 =	sadd.s32 s30, s17  }
0x49e: {  	s17 =	sshrl.u32 s17, $0x3  }
0x49f: {  	[tilespmem:s3+$0x49E0] =	vst.add.f32.msk $0xffff, v2;
	s22 =	simm.s32 $0x4200;
	p0 =	sgt.u32 s29, $0x13;
	s17 =	sadd.s32 s2, s17  }
0x4a0: {  	[hbm4b:s17+s4] =	stream.linear.scatter [tilespmem:s22], [sflag:$0x8], $0x4000, $0x38;
	[tilespmem:$0x18200] =	vst v63  }
0x4a1: {  	v2 =	vld.msk @!p0 [tilespmem:s31+$0x20], $0xff;
	_ =	sdelay $0x4  }
0x4a2: {  	v3 =	vshll.u32 @!p0 v2, $0x4  }
0x4a3: {  	v4 =	vlaneseq.u32 @!p0;
	v2 =	vand.u32 @!p0 $0x7, v2;
	v3 =	vand.u32 @!p0 $0xFFFFFF80, v3  }
0x4a4: {  	v2 =	vor.u32 @!p0 v2, v3;
	v3 =	vand.u32 @!p0 $0x7, v4;
	v4 =	vshrl.u32 @!p0 v4, $0x3  }
0x4a5: {  	v2 =	vperm.xlane @!p0 v2, v3;
	v3 =	vmul.u32 @!p0 $0x8, v4;
	_ =	sdelay $0x1  }
0x4a6: {  	v2 =	vadd.s32 @!p0 v3, v2;
	_ =	sdelay $0x3  }
0x4a7: {  	vm1 =	vmmov @!p0 $0xffff;
	s3 =	simm.s32 @!p0 $0x0;
	s17 =	simm.s32 @!p0 $0x10200  }
0x4a8: {  	[tilespmem:s17], [sflag:$0x2] =	stream.indirect_vreg.gather @!p0 [hbm4b:s5+s3], $0x80, v2, vm1, $0xb8;
	[tilespmem:$0x18200] =	vst v63  }
0x4a9: {  	s17 =	simm.s32 @!p0 $0x10A00  }
0x4aa: {  	[tilespmem:s17], [sflag:$0x2] =	stream.indirect_vreg.gather @!p0 [hbm4b:s7+s3], $0x80, v2, vm1, $0xb8;
	[tilespmem:$0x18200] =	vst v63  }
0x4ab: {  	s17 =	simm.s32 @!p0 $0x11200  }
0x4ac: {  	[tilespmem:s17], [sflag:$0x2] =	stream.indirect_vreg.gather @!p0 [hbm4b:s8+s3], $0x80, v2, vm1, $0xb8;
	[tilespmem:$0x18200] =	vst v63  }
0x4ad: {  	s17 =	simm.s32 @!p0 $0x11A00  }
0x4ae: {  	[tilespmem:s17], [sflag:$0x2] =	stream.indirect_vreg.gather @!p0 [hbm4b:s10+s3], $0x80, v2, vm1, $0xb8;
	[tilespmem:$0x18200] =	vst v63  }
0x4af: {  	s17 =	simm.s32 @!p0 $0x12200  }
0x4b0: {  	[tilespmem:s17], [sflag:$0x2] =	stream.indirect_vreg.gather @!p0 [hbm4b:s11+s3], $0x80, v2, vm1, $0xb8;
	[tilespmem:$0x18200] =	vst v63  }
0x4b1: {  	s17 =	simm.s32 @!p0 $0x12A00  }
0x4b2: {  	[tilespmem:s17], [sflag:$0x2] =	stream.indirect_vreg.gather @!p0 [hbm4b:s12+s3], $0x80, v2, vm1, $0xb8;
	[tilespmem:$0x18200] =	vst v63  }
0x4b3: {  	s17 =	simm.s32 @!p0 $0x13200  }
0x4b4: {  	[tilespmem:s17], [sflag:$0x2] =	stream.indirect_vreg.gather @!p0 [hbm4b:s13+s3], $0x80, v2, vm1, $0xb8;
	[tilespmem:$0x18200] =	vst v63  }
0x4b5: {  	s17 =	simm.s32 @!p0 $0x13A00  }
0x4b6: {  	[tilespmem:s17], [sflag:$0x2] =	stream.indirect_vreg.gather @!p0 [hbm4b:s15+s3], $0x80, v2, vm1, $0xb8;
	[tilespmem:$0x18200] =	vst v63  }
0x4b7: {  	s17 =	sadd.s32 s30, s18;
	_ =	swait.ge [sflag:s20], $0x4000  }
0x4b8: {  	s3 =	sshrl.u32 s17, $0x3;
	[sflag:s20] =	ssyncset.done $0x0  }
0x4b9: {  	s22 =	simm.s32 $0x0;
	s3 =	sadd.s32 s1, s3;
	[sflag:s20] =	ssyncadd.s32 $0xFFFFC000  }
0x4ba: {  	[tilespmem:s23], [sflag:$0x4] =	stream.linear.gather [hbm4b:s3+s22], $0x4000, $0x38;
	[tilespmem:$0x18200] =	vst v63  }
0x4bb: {  	_ =	swait.ge [sflag:s26], $0x4000  }
0x4bc: {  	[sflag:s26] =	ssyncset.done $0x0  }
0x4bd: {  	[sflag:s26] =	ssyncadd.s32 $0xFFFFC000  }
0x4be: {  	_ =	swait.ge [sflag:s28], $0x4000  }
0x4bf: {  	[sflag:s28] =	ssyncset.done $0x0  }
0x4c0: {  	s3 =	simm.s32 $0x0;
	[sflag:s28] =	ssyncadd.s32 $0xFFFFC000  }
0x4c1: {  	v2 =	vld [tilespmem:s3+$0x14670]  }
0x4c2: {  	v3 =	vld [tilespmem:s3+$0x14200]  }
0x4c3: {  	v63 =	vld [tilespmem:s3+$0x14210]  }
0x4c4: {  	v5 =	vld [tilespmem:s3+$0x14220]  }
0x4c5: {  	v6 =	vld [tilespmem:s3+$0x14230]  }
0x4c6: {  	v7 =	vld [tilespmem:s3+$0x14240]  }
0x4c7: {  	v8 =	vld [tilespmem:s3+$0x14250]  }
0x4c8: {  	v9 =	vld [tilespmem:s3+$0x14260]  }
0x4c9: {  	v10 =	vld [tilespmem:s3+$0x14270]  }
0x4ca: {  	v11 =	vld [tilespmem:s3+$0x14600]  }
0x4cb: {  	v12 =	vld [tilespmem:s3+$0x14610]  }
0x4cc: {  	v13 =	vld [tilespmem:s3+$0x14620]  }
0x4cd: {  	v14 =	vld [tilespmem:s3+$0x14630]  }
0x4ce: {  	v15 =	vld [tilespmem:s3+$0x14640]  }
0x4cf: {  	v16 =	vld [tilespmem:s3+$0x14650]  }
0x4d0: {  	[tilespmem:s3+$0x8670] =	vst.add.f32.msk $0xffff, v2  }
0x4d1: {  	v2 =	vld [tilespmem:s3+$0x14660]  }
0x4d2: {  	[tilespmem:s3+$0x8200] =	vst.add.f32.msk $0xffff, v3  }
0x4d3: {  	[tilespmem:s3+$0x8210] =	vst.add.f32.msk $0xffff, v63  }
0x4d4: {  	[tilespmem:s3+$0x8220] =	vst.add.f32.msk $0xffff, v5  }
0x4d5: {  	[tilespmem:s3+$0x8230] =	vst.add.f32.msk $0xffff, v6  }
0x4d6: {  	[tilespmem:s3+$0x8240] =	vst.add.f32.msk $0xffff, v7  }
0x4d7: {  	[tilespmem:s3+$0x8250] =	vst.add.f32.msk $0xffff, v8  }
0x4d8: {  	[tilespmem:s3+$0x8260] =	vst.add.f32.msk $0xffff, v9  }
0x4d9: {  	[tilespmem:s3+$0x8270] =	vst.add.f32.msk $0xffff, v10  }
0x4da: {  	[tilespmem:s3+$0x8600] =	vst.add.f32.msk $0xffff, v11  }
0x4db: {  	[tilespmem:s3+$0x8610] =	vst.add.f32.msk $0xffff, v12  }
0x4dc: {  	[tilespmem:s3+$0x8620] =	vst.add.f32.msk $0xffff, v13  }
0x4dd: {  	[tilespmem:s3+$0x8630] =	vst.add.f32.msk $0xffff, v14  }
0x4de: {  	[tilespmem:s3+$0x8640] =	vst.add.f32.msk $0xffff, v15  }
0x4df: {  	s17 =	simm.s32 $0x2000;
	s22 =	simm.s32 $0x0;
	[tilespmem:s3+$0x8650] =	vst.add.f32.msk $0xffff, v16  }
.LBB2_36:
0x4e0: {  	s22 =	sadd.s32 $0x100, s22;
	[tilespmem:s3+$0x8660] =	vst.add.f32.msk $0xffff, v2;
	s3 =	sshra.s32 s17, $0x2  }
0x4e1: {  	v2 =	vld [tilespmem:s3+$0x14670];
	p0 =	slt.u32 s22, $0x700  }
0x4e2: {  	v3 =	vld [tilespmem:s3+$0x14200]  }
0x4e3: {  	v4 =	vld [tilespmem:s3+$0x14210]  }
0x4e4: {  	v5 =	vld [tilespmem:s3+$0x14220]  }
0x4e5: {  	v6 =	vld [tilespmem:s3+$0x14230]  }
0x4e6: {  	[tilespmem:s3+$0x8670] =	vst.add.f32.msk $0xffff, v2  }
0x4e7: {  	v7 =	vld [tilespmem:s3+$0x14240]  }
0x4e8: {  	v8 =	vld [tilespmem:s3+$0x14250]  }
0x4e9: {  	v9 =	vld [tilespmem:s3+$0x14260]  }
0x4ea: {  	v10 =	vld [tilespmem:s3+$0x14270]  }
0x4eb: {  	v11 =	vld [tilespmem:s3+$0x14600]  }
0x4ec: {  	v12 =	vld [tilespmem:s3+$0x14610]  }
0x4ed: {  	v13 =	vld [tilespmem:s3+$0x14620]  }
0x4ee: {  	v14 =	vld [tilespmem:s3+$0x14630]  }
0x4ef: {  	v15 =	vld [tilespmem:s3+$0x14640]  }
0x4f0: {  	v16 =	vld [tilespmem:s3+$0x14650]  }
0x4f1: {  	v2 =	vld [tilespmem:s3+$0x14660]  }
0x4f2: {  	[tilespmem:s3+$0x8200] =	vst.add.f32.msk $0xffff, v3  }
0x4f3: {  	[tilespmem:s3+$0x8210] =	vst.add.f32.msk $0xffff, v4  }
0x4f4: {  	[tilespmem:s3+$0x8220] =	vst.add.f32.msk $0xffff, v5  }
0x4f5: {  	[tilespmem:s3+$0x8230] =	vst.add.f32.msk $0xffff, v6  }
0x4f6: {  	[tilespmem:s3+$0x8240] =	vst.add.f32.msk $0xffff, v7  }
0x4f7: {  	[tilespmem:s3+$0x8250] =	vst.add.f32.msk $0xffff, v8  }
0x4f8: {  	[tilespmem:s3+$0x8260] =	vst.add.f32.msk $0xffff, v9  }
0x4f9: {  	[tilespmem:s3+$0x8270] =	vst.add.f32.msk $0xffff, v10  }
0x4fa: {  	[tilespmem:s3+$0x8600] =	vst.add.f32.msk $0xffff, v11  }
.Ltmp19:
0x4fb: {  	[tilespmem:s3+$0x8610] =	vst.add.f32.msk $0xffff, v12;
	(pc) =	sbr.rel @p0 .LBB2_36-.Ltmp19, $4  }
0x4fc: {  	[tilespmem:s3+$0x8620] =	vst.add.f32.msk $0xffff, v13  }
0x4fd: {  	[tilespmem:s3+$0x8630] =	vst.add.f32.msk $0xffff, v14  }
0x4fe: {  	[tilespmem:s3+$0x8640] =	vst.add.f32.msk $0xffff, v15  }
0x4ff: {  	s17 =	sadd.s32 $0x2000, s17;
	[tilespmem:s3+$0x8650] =	vst.add.f32.msk $0xffff, v16  }
0x500: {  	[tilespmem:s3+$0x8660] =	vst.add.f32.msk $0xffff, v2;
	s3 =	simm.s32 $0x0  }
0x501: {  	v2 =	vld [tilespmem:s3+$0x146F0]  }
0x502: {  	v3 =	vld [tilespmem:s3+$0x14280]  }
0x503: {  	v4 =	vld [tilespmem:s3+$0x14290]  }
0x504: {  	v5 =	vld [tilespmem:s3+$0x142A0]  }
0x505: {  	v6 =	vld [tilespmem:s3+$0x142B0]  }
0x506: {  	v7 =	vld [tilespmem:s3+$0x142C0]  }
0x507: {  	v8 =	vld [tilespmem:s3+$0x142D0]  }
0x508: {  	v9 =	vld [tilespmem:s3+$0x142E0]  }
0x509: {  	v10 =	vld [tilespmem:s3+$0x142F0]  }
0x50a: {  	v11 =	vld [tilespmem:s3+$0x14680]  }
0x50b: {  	v12 =	vld [tilespmem:s3+$0x14690]  }
0x50c: {  	v13 =	vld [tilespmem:s3+$0x146A0]  }
0x50d: {  	v14 =	vld [tilespmem:s3+$0x146B0]  }
0x50e: {  	v15 =	vld [tilespmem:s3+$0x146C0]  }
0x50f: {  	v16 =	vld [tilespmem:s3+$0x146D0]  }
0x510: {  	[tilespmem:s3+$0x86F0] =	vst.add.f32.msk $0xffff, v2  }
0x511: {  	v2 =	vld [tilespmem:s3+$0x146E0]  }
0x512: {  	[tilespmem:s3+$0x8280] =	vst.add.f32.msk $0xffff, v3  }
0x513: {  	[tilespmem:s3+$0x8290] =	vst.add.f32.msk $0xffff, v4  }
0x514: {  	[tilespmem:s3+$0x82A0] =	vst.add.f32.msk $0xffff, v5  }
0x515: {  	[tilespmem:s3+$0x82B0] =	vst.add.f32.msk $0xffff, v6  }
0x516: {  	[tilespmem:s3+$0x82C0] =	vst.add.f32.msk $0xffff, v7  }
0x517: {  	[tilespmem:s3+$0x82D0] =	vst.add.f32.msk $0xffff, v8  }
0x518: {  	[tilespmem:s3+$0x82E0] =	vst.add.f32.msk $0xffff, v9  }
0x519: {  	[tilespmem:s3+$0x82F0] =	vst.add.f32.msk $0xffff, v10  }
0x51a: {  	[tilespmem:s3+$0x8680] =	vst.add.f32.msk $0xffff, v11  }
0x51b: {  	[tilespmem:s3+$0x8690] =	vst.add.f32.msk $0xffff, v12  }
0x51c: {  	[tilespmem:s3+$0x86A0] =	vst.add.f32.msk $0xffff, v13  }
0x51d: {  	[tilespmem:s3+$0x86B0] =	vst.add.f32.msk $0xffff, v14  }
0x51e: {  	[tilespmem:s3+$0x86C0] =	vst.add.f32.msk $0xffff, v15  }
0x51f: {  	s22 =	simm.s32 $0x0;
	s17 =	simm.s32 $0x2000;
	[tilespmem:s3+$0x86D0] =	vst.add.f32.msk $0xffff, v16  }
.LBB2_38:
0x520: {  	s22 =	sadd.s32 $0x100, s22;
	[tilespmem:s3+$0x86E0] =	vst.add.f32.msk $0xffff, v2;
	s3 =	sshra.s32 s17, $0x2  }
0x521: {  	v2 =	vld [tilespmem:s3+$0x146F0];
	p0 =	slt.u32 s22, $0x700  }
0x522: {  	v3 =	vld [tilespmem:s3+$0x14280]  }
0x523: {  	v4 =	vld [tilespmem:s3+$0x14290]  }
0x524: {  	v5 =	vld [tilespmem:s3+$0x142A0]  }
0x525: {  	v6 =	vld [tilespmem:s3+$0x142B0]  }
0x526: {  	[tilespmem:s3+$0x86F0] =	vst.add.f32.msk $0xffff, v2  }
0x527: {  	v7 =	vld [tilespmem:s3+$0x142C0]  }
0x528: {  	v8 =	vld [tilespmem:s3+$0x142D0]  }
0x529: {  	v9 =	vld [tilespmem:s3+$0x142E0]  }
0x52a: {  	v10 =	vld [tilespmem:s3+$0x142F0]  }
0x52b: {  	v11 =	vld [tilespmem:s3+$0x14680]  }
0x52c: {  	v12 =	vld [tilespmem:s3+$0x14690]  }
0x52d: {  	v13 =	vld [tilespmem:s3+$0x146A0]  }
0x52e: {  	v14 =	vld [tilespmem:s3+$0x146B0]  }
0x52f: {  	v15 =	vld [tilespmem:s3+$0x146C0]  }
0x530: {  	v16 =	vld [tilespmem:s3+$0x146D0]  }
0x531: {  	v2 =	vld [tilespmem:s3+$0x146E0]  }
0x532: {  	[tilespmem:s3+$0x8280] =	vst.add.f32.msk $0xffff, v3  }
0x533: {  	[tilespmem:s3+$0x8290] =	vst.add.f32.msk $0xffff, v4  }
0x534: {  	[tilespmem:s3+$0x82A0] =	vst.add.f32.msk $0xffff, v5  }
0x535: {  	[tilespmem:s3+$0x82B0] =	vst.add.f32.msk $0xffff, v6  }
0x536: {  	[tilespmem:s3+$0x82C0] =	vst.add.f32.msk $0xffff, v7  }
0x537: {  	[tilespmem:s3+$0x82D0] =	vst.add.f32.msk $0xffff, v8  }
0x538: {  	[tilespmem:s3+$0x82E0] =	vst.add.f32.msk $0xffff, v9  }
0x539: {  	[tilespmem:s3+$0x82F0] =	vst.add.f32.msk $0xffff, v10  }
0x53a: {  	[tilespmem:s3+$0x8680] =	vst.add.f32.msk $0xffff, v11  }
.Ltmp20:
0x53b: {  	[tilespmem:s3+$0x8690] =	vst.add.f32.msk $0xffff, v12;
	(pc) =	sbr.rel @p0 .LBB2_38-.Ltmp20, $4  }
0x53c: {  	[tilespmem:s3+$0x86A0] =	vst.add.f32.msk $0xffff, v13  }
0x53d: {  	[tilespmem:s3+$0x86B0] =	vst.add.f32.msk $0xffff, v14  }
0x53e: {  	[tilespmem:s3+$0x86C0] =	vst.add.f32.msk $0xffff, v15  }
0x53f: {  	s17 =	sadd.s32 $0x2000, s17;
	[tilespmem:s3+$0x86D0] =	vst.add.f32.msk $0xffff, v16  }
0x540: {  	[tilespmem:s3+$0x86E0] =	vst.add.f32.msk $0xffff, v2;
	s3 =	simm.s32 $0x0  }
0x541: {  	v2 =	vld [tilespmem:s3+$0x14770]  }
0x542: {  	v3 =	vld [tilespmem:s3+$0x14300]  }
0x543: {  	v4 =	vld [tilespmem:s3+$0x14310]  }
0x544: {  	v5 =	vld [tilespmem:s3+$0x14320]  }
0x545: {  	v6 =	vld [tilespmem:s3+$0x14330]  }
0x546: {  	v7 =	vld [tilespmem:s3+$0x14340]  }
0x547: {  	v8 =	vld [tilespmem:s3+$0x14350]  }
0x548: {  	v9 =	vld [tilespmem:s3+$0x14360]  }
0x549: {  	v10 =	vld [tilespmem:s3+$0x14370]  }
0x54a: {  	v11 =	vld [tilespmem:s3+$0x14700]  }
0x54b: {  	v12 =	vld [tilespmem:s3+$0x14710]  }
0x54c: {  	v13 =	vld [tilespmem:s3+$0x14720]  }
0x54d: {  	v14 =	vld [tilespmem:s3+$0x14730]  }
0x54e: {  	v15 =	vld [tilespmem:s3+$0x14740]  }
0x54f: {  	v16 =	vld [tilespmem:s3+$0x14750]  }
0x550: {  	[tilespmem:s3+$0x8770] =	vst.add.f32.msk $0xffff, v2  }
0x551: {  	v2 =	vld [tilespmem:s3+$0x14760]  }
0x552: {  	[tilespmem:s3+$0x8300] =	vst.add.f32.msk $0xffff, v3  }
0x553: {  	[tilespmem:s3+$0x8310] =	vst.add.f32.msk $0xffff, v4  }
0x554: {  	[tilespmem:s3+$0x8320] =	vst.add.f32.msk $0xffff, v5  }
0x555: {  	[tilespmem:s3+$0x8330] =	vst.add.f32.msk $0xffff, v6  }
0x556: {  	[tilespmem:s3+$0x8340] =	vst.add.f32.msk $0xffff, v7  }
0x557: {  	[tilespmem:s3+$0x8350] =	vst.add.f32.msk $0xffff, v8  }
0x558: {  	[tilespmem:s3+$0x8360] =	vst.add.f32.msk $0xffff, v9  }
0x559: {  	[tilespmem:s3+$0x8370] =	vst.add.f32.msk $0xffff, v10  }
0x55a: {  	[tilespmem:s3+$0x8700] =	vst.add.f32.msk $0xffff, v11  }
0x55b: {  	[tilespmem:s3+$0x8710] =	vst.add.f32.msk $0xffff, v12  }
0x55c: {  	[tilespmem:s3+$0x8720] =	vst.add.f32.msk $0xffff, v13  }
0x55d: {  	[tilespmem:s3+$0x8730] =	vst.add.f32.msk $0xffff, v14  }
0x55e: {  	[tilespmem:s3+$0x8740] =	vst.add.f32.msk $0xffff, v15  }
0x55f: {  	s22 =	simm.s32 $0x0;
	s17 =	simm.s32 $0x2000;
	[tilespmem:s3+$0x8750] =	vst.add.f32.msk $0xffff, v16  }
.LBB2_40:
0x560: {  	s22 =	sadd.s32 $0x100, s22;
	[tilespmem:s3+$0x8760] =	vst.add.f32.msk $0xffff, v2;
	s3 =	sshra.s32 s17, $0x2  }
0x561: {  	v2 =	vld [tilespmem:s3+$0x14770];
	p0 =	slt.u32 s22, $0x700  }
0x562: {  	v3 =	vld [tilespmem:s3+$0x14300]  }
0x563: {  	v4 =	vld [tilespmem:s3+$0x14310]  }
0x564: {  	v5 =	vld [tilespmem:s3+$0x14320]  }
0x565: {  	v6 =	vld [tilespmem:s3+$0x14330]  }
0x566: {  	[tilespmem:s3+$0x8770] =	vst.add.f32.msk $0xffff, v2  }
0x567: {  	v7 =	vld [tilespmem:s3+$0x14340]  }
0x568: {  	v8 =	vld [tilespmem:s3+$0x14350]  }
0x569: {  	v9 =	vld [tilespmem:s3+$0x14360]  }
0x56a: {  	v10 =	vld [tilespmem:s3+$0x14370]  }
0x56b: {  	v11 =	vld [tilespmem:s3+$0x14700]  }
0x56c: {  	v12 =	vld [tilespmem:s3+$0x14710]  }
0x56d: {  	v13 =	vld [tilespmem:s3+$0x14720]  }
0x56e: {  	v14 =	vld [tilespmem:s3+$0x14730]  }
0x56f: {  	v15 =	vld [tilespmem:s3+$0x14740]  }
0x570: {  	v16 =	vld [tilespmem:s3+$0x14750]  }
0x571: {  	v2 =	vld [tilespmem:s3+$0x14760]  }
0x572: {  	[tilespmem:s3+$0x8300] =	vst.add.f32.msk $0xffff, v3  }
0x573: {  	[tilespmem:s3+$0x8310] =	vst.add.f32.msk $0xffff, v4  }
0x574: {  	[tilespmem:s3+$0x8320] =	vst.add.f32.msk $0xffff, v5  }
0x575: {  	[tilespmem:s3+$0x8330] =	vst.add.f32.msk $0xffff, v6  }
0x576: {  	[tilespmem:s3+$0x8340] =	vst.add.f32.msk $0xffff, v7  }
0x577: {  	[tilespmem:s3+$0x8350] =	vst.add.f32.msk $0xffff, v8  }
0x578: {  	[tilespmem:s3+$0x8360] =	vst.add.f32.msk $0xffff, v9  }
0x579: {  	[tilespmem:s3+$0x8370] =	vst.add.f32.msk $0xffff, v10  }
0x57a: {  	[tilespmem:s3+$0x8700] =	vst.add.f32.msk $0xffff, v11  }
.Ltmp21:
0x57b: {  	[tilespmem:s3+$0x8710] =	vst.add.f32.msk $0xffff, v12;
	(pc) =	sbr.rel @p0 .LBB2_40-.Ltmp21, $4  }
0x57c: {  	[tilespmem:s3+$0x8720] =	vst.add.f32.msk $0xffff, v13  }
0x57d: {  	[tilespmem:s3+$0x8730] =	vst.add.f32.msk $0xffff, v14  }
0x57e: {  	[tilespmem:s3+$0x8740] =	vst.add.f32.msk $0xffff, v15  }
0x57f: {  	s17 =	sadd.s32 $0x2000, s17;
	[tilespmem:s3+$0x8750] =	vst.add.f32.msk $0xffff, v16  }
0x580: {  	[tilespmem:s3+$0x8760] =	vst.add.f32.msk $0xffff, v2;
	s3 =	simm.s32 $0x0  }
0x581: {  	v2 =	vld [tilespmem:s3+$0x147F0]  }
0x582: {  	v3 =	vld [tilespmem:s3+$0x14380]  }
0x583: {  	v4 =	vld [tilespmem:s3+$0x14390]  }
0x584: {  	v5 =	vld [tilespmem:s3+$0x143A0]  }
0x585: {  	v6 =	vld [tilespmem:s3+$0x143B0]  }
0x586: {  	v7 =	vld [tilespmem:s3+$0x143C0]  }
0x587: {  	v8 =	vld [tilespmem:s3+$0x143D0]  }
0x588: {  	v9 =	vld [tilespmem:s3+$0x143E0]  }
0x589: {  	v10 =	vld [tilespmem:s3+$0x143F0]  }
0x58a: {  	v11 =	vld [tilespmem:s3+$0x14780]  }
0x58b: {  	v12 =	vld [tilespmem:s3+$0x14790]  }
0x58c: {  	v13 =	vld [tilespmem:s3+$0x147A0]  }
0x58d: {  	v14 =	vld [tilespmem:s3+$0x147B0]  }
0x58e: {  	v15 =	vld [tilespmem:s3+$0x147C0]  }
0x58f: {  	v16 =	vld [tilespmem:s3+$0x147D0]  }
0x590: {  	[tilespmem:s3+$0x87F0] =	vst.add.f32.msk $0xffff, v2  }
0x591: {  	v2 =	vld [tilespmem:s3+$0x147E0]  }
0x592: {  	[tilespmem:s3+$0x8380] =	vst.add.f32.msk $0xffff, v3  }
0x593: {  	[tilespmem:s3+$0x8390] =	vst.add.f32.msk $0xffff, v4  }
0x594: {  	[tilespmem:s3+$0x83A0] =	vst.add.f32.msk $0xffff, v5  }
0x595: {  	[tilespmem:s3+$0x83B0] =	vst.add.f32.msk $0xffff, v6  }
0x596: {  	[tilespmem:s3+$0x83C0] =	vst.add.f32.msk $0xffff, v7  }
0x597: {  	[tilespmem:s3+$0x83D0] =	vst.add.f32.msk $0xffff, v8  }
0x598: {  	[tilespmem:s3+$0x83E0] =	vst.add.f32.msk $0xffff, v9  }
0x599: {  	[tilespmem:s3+$0x83F0] =	vst.add.f32.msk $0xffff, v10  }
0x59a: {  	[tilespmem:s3+$0x8780] =	vst.add.f32.msk $0xffff, v11  }
0x59b: {  	[tilespmem:s3+$0x8790] =	vst.add.f32.msk $0xffff, v12  }
0x59c: {  	[tilespmem:s3+$0x87A0] =	vst.add.f32.msk $0xffff, v13  }
0x59d: {  	[tilespmem:s3+$0x87B0] =	vst.add.f32.msk $0xffff, v14  }
0x59e: {  	[tilespmem:s3+$0x87C0] =	vst.add.f32.msk $0xffff, v15  }
0x59f: {  	s22 =	simm.s32 $0x0;
	s17 =	simm.s32 $0x2000;
	[tilespmem:s3+$0x87D0] =	vst.add.f32.msk $0xffff, v16  }
.LBB2_42:
0x5a0: {  	s22 =	sadd.s32 $0x100, s22;
	[tilespmem:s3+$0x87E0] =	vst.add.f32.msk $0xffff, v2;
	s3 =	sshra.s32 s17, $0x2  }
0x5a1: {  	v2 =	vld [tilespmem:s3+$0x147F0];
	p0 =	slt.u32 s22, $0x700  }
0x5a2: {  	v3 =	vld [tilespmem:s3+$0x14380]  }
0x5a3: {  	v4 =	vld [tilespmem:s3+$0x14390]  }
0x5a4: {  	v5 =	vld [tilespmem:s3+$0x143A0]  }
0x5a5: {  	v6 =	vld [tilespmem:s3+$0x143B0]  }
0x5a6: {  	[tilespmem:s3+$0x87F0] =	vst.add.f32.msk $0xffff, v2  }
0x5a7: {  	v7 =	vld [tilespmem:s3+$0x143C0]  }
0x5a8: {  	v8 =	vld [tilespmem:s3+$0x143D0]  }
0x5a9: {  	v9 =	vld [tilespmem:s3+$0x143E0]  }
0x5aa: {  	v10 =	vld [tilespmem:s3+$0x143F0]  }
0x5ab: {  	v11 =	vld [tilespmem:s3+$0x14780]  }
0x5ac: {  	v12 =	vld [tilespmem:s3+$0x14790]  }
0x5ad: {  	v13 =	vld [tilespmem:s3+$0x147A0]  }
0x5ae: {  	v14 =	vld [tilespmem:s3+$0x147B0]  }
0x5af: {  	v15 =	vld [tilespmem:s3+$0x147C0]  }
0x5b0: {  	v16 =	vld [tilespmem:s3+$0x147D0]  }
0x5b1: {  	v2 =	vld [tilespmem:s3+$0x147E0]  }
0x5b2: {  	[tilespmem:s3+$0x8380] =	vst.add.f32.msk $0xffff, v3  }
0x5b3: {  	[tilespmem:s3+$0x8390] =	vst.add.f32.msk $0xffff, v4  }
0x5b4: {  	[tilespmem:s3+$0x83A0] =	vst.add.f32.msk $0xffff, v5  }
0x5b5: {  	[tilespmem:s3+$0x83B0] =	vst.add.f32.msk $0xffff, v6  }
0x5b6: {  	[tilespmem:s3+$0x83C0] =	vst.add.f32.msk $0xffff, v7  }
0x5b7: {  	[tilespmem:s3+$0x83D0] =	vst.add.f32.msk $0xffff, v8  }
0x5b8: {  	[tilespmem:s3+$0x83E0] =	vst.add.f32.msk $0xffff, v9  }
0x5b9: {  	[tilespmem:s3+$0x83F0] =	vst.add.f32.msk $0xffff, v10  }
0x5ba: {  	[tilespmem:s3+$0x8780] =	vst.add.f32.msk $0xffff, v11  }
.Ltmp22:
0x5bb: {  	[tilespmem:s3+$0x8790] =	vst.add.f32.msk $0xffff, v12;
	(pc) =	sbr.rel @p0 .LBB2_42-.Ltmp22, $4  }
0x5bc: {  	[tilespmem:s3+$0x87A0] =	vst.add.f32.msk $0xffff, v13  }
0x5bd: {  	[tilespmem:s3+$0x87B0] =	vst.add.f32.msk $0xffff, v14  }
0x5be: {  	[tilespmem:s3+$0x87C0] =	vst.add.f32.msk $0xffff, v15  }
0x5bf: {  	s17 =	sadd.s32 $0x2000, s17;
	[tilespmem:s3+$0x87D0] =	vst.add.f32.msk $0xffff, v16  }
0x5c0: {  	[tilespmem:s3+$0x87E0] =	vst.add.f32.msk $0xffff, v2;
	s3 =	simm.s32 $0x0  }
0x5c1: {  	v2 =	vld [tilespmem:s3+$0x14870]  }
0x5c2: {  	v3 =	vld [tilespmem:s3+$0x14400]  }
0x5c3: {  	v4 =	vld [tilespmem:s3+$0x14410]  }
0x5c4: {  	v5 =	vld [tilespmem:s3+$0x14420]  }
0x5c5: {  	v6 =	vld [tilespmem:s3+$0x14430]  }
0x5c6: {  	v7 =	vld [tilespmem:s3+$0x14440]  }
0x5c7: {  	v8 =	vld [tilespmem:s3+$0x14450]  }
0x5c8: {  	v9 =	vld [tilespmem:s3+$0x14460]  }
0x5c9: {  	v10 =	vld [tilespmem:s3+$0x14470]  }
0x5ca: {  	v11 =	vld [tilespmem:s3+$0x14800]  }
0x5cb: {  	v12 =	vld [tilespmem:s3+$0x14810]  }
0x5cc: {  	v13 =	vld [tilespmem:s3+$0x14820]  }
0x5cd: {  	v14 =	vld [tilespmem:s3+$0x14830]  }
0x5ce: {  	v15 =	vld [tilespmem:s3+$0x14840]  }
0x5cf: {  	v16 =	vld [tilespmem:s3+$0x14850]  }
0x5d0: {  	[tilespmem:s3+$0x8870] =	vst.add.f32.msk $0xffff, v2  }
0x5d1: {  	v2 =	vld [tilespmem:s3+$0x14860]  }
0x5d2: {  	[tilespmem:s3+$0x8400] =	vst.add.f32.msk $0xffff, v3  }
0x5d3: {  	[tilespmem:s3+$0x8410] =	vst.add.f32.msk $0xffff, v4  }
0x5d4: {  	[tilespmem:s3+$0x8420] =	vst.add.f32.msk $0xffff, v5  }
0x5d5: {  	[tilespmem:s3+$0x8430] =	vst.add.f32.msk $0xffff, v6  }
0x5d6: {  	[tilespmem:s3+$0x8440] =	vst.add.f32.msk $0xffff, v7  }
0x5d7: {  	[tilespmem:s3+$0x8450] =	vst.add.f32.msk $0xffff, v8  }
0x5d8: {  	[tilespmem:s3+$0x8460] =	vst.add.f32.msk $0xffff, v9  }
0x5d9: {  	[tilespmem:s3+$0x8470] =	vst.add.f32.msk $0xffff, v10  }
0x5da: {  	[tilespmem:s3+$0x8800] =	vst.add.f32.msk $0xffff, v11  }
0x5db: {  	[tilespmem:s3+$0x8810] =	vst.add.f32.msk $0xffff, v12  }
0x5dc: {  	[tilespmem:s3+$0x8820] =	vst.add.f32.msk $0xffff, v13  }
0x5dd: {  	[tilespmem:s3+$0x8830] =	vst.add.f32.msk $0xffff, v14  }
0x5de: {  	[tilespmem:s3+$0x8840] =	vst.add.f32.msk $0xffff, v15  }
0x5df: {  	s22 =	simm.s32 $0x0;
	s17 =	simm.s32 $0x2000;
	[tilespmem:s3+$0x8850] =	vst.add.f32.msk $0xffff, v16  }
.LBB2_44:
0x5e0: {  	s22 =	sadd.s32 $0x100, s22;
	[tilespmem:s3+$0x8860] =	vst.add.f32.msk $0xffff, v2;
	s3 =	sshra.s32 s17, $0x2  }
0x5e1: {  	v2 =	vld [tilespmem:s3+$0x14870];
	p0 =	slt.u32 s22, $0x700  }
0x5e2: {  	v3 =	vld [tilespmem:s3+$0x14400]  }
0x5e3: {  	v4 =	vld [tilespmem:s3+$0x14410]  }
0x5e4: {  	v5 =	vld [tilespmem:s3+$0x14420]  }
0x5e5: {  	v6 =	vld [tilespmem:s3+$0x14430]  }
0x5e6: {  	[tilespmem:s3+$0x8870] =	vst.add.f32.msk $0xffff, v2  }
0x5e7: {  	v7 =	vld [tilespmem:s3+$0x14440]  }
0x5e8: {  	v8 =	vld [tilespmem:s3+$0x14450]  }
0x5e9: {  	v9 =	vld [tilespmem:s3+$0x14460]  }
0x5ea: {  	v10 =	vld [tilespmem:s3+$0x14470]  }
0x5eb: {  	v11 =	vld [tilespmem:s3+$0x14800]  }
0x5ec: {  	v12 =	vld [tilespmem:s3+$0x14810]  }
0x5ed: {  	v13 =	vld [tilespmem:s3+$0x14820]  }
0x5ee: {  	v14 =	vld [tilespmem:s3+$0x14830]  }
0x5ef: {  	v15 =	vld [tilespmem:s3+$0x14840]  }
0x5f0: {  	v16 =	vld [tilespmem:s3+$0x14850]  }
0x5f1: {  	v2 =	vld [tilespmem:s3+$0x14860]  }
0x5f2: {  	[tilespmem:s3+$0x8400] =	vst.add.f32.msk $0xffff, v3  }
0x5f3: {  	[tilespmem:s3+$0x8410] =	vst.add.f32.msk $0xffff, v4  }
0x5f4: {  	[tilespmem:s3+$0x8420] =	vst.add.f32.msk $0xffff, v5  }
0x5f5: {  	[tilespmem:s3+$0x8430] =	vst.add.f32.msk $0xffff, v6  }
0x5f6: {  	[tilespmem:s3+$0x8440] =	vst.add.f32.msk $0xffff, v7  }
0x5f7: {  	[tilespmem:s3+$0x8450] =	vst.add.f32.msk $0xffff, v8  }
0x5f8: {  	[tilespmem:s3+$0x8460] =	vst.add.f32.msk $0xffff, v9  }
0x5f9: {  	[tilespmem:s3+$0x8470] =	vst.add.f32.msk $0xffff, v10  }
0x5fa: {  	[tilespmem:s3+$0x8800] =	vst.add.f32.msk $0xffff, v11  }
.Ltmp23:
0x5fb: {  	[tilespmem:s3+$0x8810] =	vst.add.f32.msk $0xffff, v12;
	(pc) =	sbr.rel @p0 .LBB2_44-.Ltmp23, $4  }
0x5fc: {  	[tilespmem:s3+$0x8820] =	vst.add.f32.msk $0xffff, v13  }
0x5fd: {  	[tilespmem:s3+$0x8830] =	vst.add.f32.msk $0xffff, v14  }
0x5fe: {  	[tilespmem:s3+$0x8840] =	vst.add.f32.msk $0xffff, v15  }
0x5ff: {  	s17 =	sadd.s32 $0x2000, s17;
	[tilespmem:s3+$0x8850] =	vst.add.f32.msk $0xffff, v16  }
0x600: {  	[tilespmem:s3+$0x8860] =	vst.add.f32.msk $0xffff, v2;
	s3 =	simm.s32 $0x0  }
0x601: {  	v2 =	vld [tilespmem:s3+$0x148F0]  }
0x602: {  	v3 =	vld [tilespmem:s3+$0x14480]  }
0x603: {  	v4 =	vld [tilespmem:s3+$0x14490]  }
0x604: {  	v5 =	vld [tilespmem:s3+$0x144A0]  }
0x605: {  	v6 =	vld [tilespmem:s3+$0x144B0]  }
0x606: {  	v7 =	vld [tilespmem:s3+$0x144C0]  }
0x607: {  	v8 =	vld [tilespmem:s3+$0x144D0]  }
0x608: {  	v9 =	vld [tilespmem:s3+$0x144E0]  }
0x609: {  	v10 =	vld [tilespmem:s3+$0x144F0]  }
0x60a: {  	v11 =	vld [tilespmem:s3+$0x14880]  }
0x60b: {  	v12 =	vld [tilespmem:s3+$0x14890]  }
0x60c: {  	v13 =	vld [tilespmem:s3+$0x148A0]  }
0x60d: {  	v14 =	vld [tilespmem:s3+$0x148B0]  }
0x60e: {  	v15 =	vld [tilespmem:s3+$0x148C0]  }
0x60f: {  	v16 =	vld [tilespmem:s3+$0x148D0]  }
0x610: {  	[tilespmem:s3+$0x88F0] =	vst.add.f32.msk $0xffff, v2  }
0x611: {  	v2 =	vld [tilespmem:s3+$0x148E0]  }
0x612: {  	[tilespmem:s3+$0x8480] =	vst.add.f32.msk $0xffff, v3  }
0x613: {  	[tilespmem:s3+$0x8490] =	vst.add.f32.msk $0xffff, v4  }
0x614: {  	[tilespmem:s3+$0x84A0] =	vst.add.f32.msk $0xffff, v5  }
0x615: {  	[tilespmem:s3+$0x84B0] =	vst.add.f32.msk $0xffff, v6  }
0x616: {  	[tilespmem:s3+$0x84C0] =	vst.add.f32.msk $0xffff, v7  }
0x617: {  	[tilespmem:s3+$0x84D0] =	vst.add.f32.msk $0xffff, v8  }
0x618: {  	[tilespmem:s3+$0x84E0] =	vst.add.f32.msk $0xffff, v9  }
0x619: {  	[tilespmem:s3+$0x84F0] =	vst.add.f32.msk $0xffff, v10  }
0x61a: {  	[tilespmem:s3+$0x8880] =	vst.add.f32.msk $0xffff, v11  }
0x61b: {  	[tilespmem:s3+$0x8890] =	vst.add.f32.msk $0xffff, v12  }
0x61c: {  	[tilespmem:s3+$0x88A0] =	vst.add.f32.msk $0xffff, v13  }
0x61d: {  	[tilespmem:s3+$0x88B0] =	vst.add.f32.msk $0xffff, v14  }
0x61e: {  	[tilespmem:s3+$0x88C0] =	vst.add.f32.msk $0xffff, v15  }
0x61f: {  	s22 =	simm.s32 $0x0;
	s17 =	simm.s32 $0x2000;
	[tilespmem:s3+$0x88D0] =	vst.add.f32.msk $0xffff, v16  }
.LBB2_46:
0x620: {  	s22 =	sadd.s32 $0x100, s22;
	[tilespmem:s3+$0x88E0] =	vst.add.f32.msk $0xffff, v2;
	s3 =	sshra.s32 s17, $0x2  }
0x621: {  	v2 =	vld [tilespmem:s3+$0x148F0];
	p0 =	slt.u32 s22, $0x700  }
0x622: {  	v3 =	vld [tilespmem:s3+$0x14480]  }
0x623: {  	v4 =	vld [tilespmem:s3+$0x14490]  }
0x624: {  	v5 =	vld [tilespmem:s3+$0x144A0]  }
0x625: {  	v6 =	vld [tilespmem:s3+$0x144B0]  }
0x626: {  	[tilespmem:s3+$0x88F0] =	vst.add.f32.msk $0xffff, v2  }
0x627: {  	v7 =	vld [tilespmem:s3+$0x144C0]  }
0x628: {  	v8 =	vld [tilespmem:s3+$0x144D0]  }
0x629: {  	v9 =	vld [tilespmem:s3+$0x144E0]  }
0x62a: {  	v10 =	vld [tilespmem:s3+$0x144F0]  }
0x62b: {  	v11 =	vld [tilespmem:s3+$0x14880]  }
0x62c: {  	v12 =	vld [tilespmem:s3+$0x14890]  }
0x62d: {  	v13 =	vld [tilespmem:s3+$0x148A0]  }
0x62e: {  	v14 =	vld [tilespmem:s3+$0x148B0]  }
0x62f: {  	v15 =	vld [tilespmem:s3+$0x148C0]  }
0x630: {  	v16 =	vld [tilespmem:s3+$0x148D0]  }
0x631: {  	v2 =	vld [tilespmem:s3+$0x148E0]  }
0x632: {  	[tilespmem:s3+$0x8480] =	vst.add.f32.msk $0xffff, v3  }
0x633: {  	[tilespmem:s3+$0x8490] =	vst.add.f32.msk $0xffff, v4  }
0x634: {  	[tilespmem:s3+$0x84A0] =	vst.add.f32.msk $0xffff, v5  }
0x635: {  	[tilespmem:s3+$0x84B0] =	vst.add.f32.msk $0xffff, v6  }
0x636: {  	[tilespmem:s3+$0x84C0] =	vst.add.f32.msk $0xffff, v7  }
0x637: {  	[tilespmem:s3+$0x84D0] =	vst.add.f32.msk $0xffff, v8  }
0x638: {  	[tilespmem:s3+$0x84E0] =	vst.add.f32.msk $0xffff, v9  }
0x639: {  	[tilespmem:s3+$0x84F0] =	vst.add.f32.msk $0xffff, v10  }
0x63a: {  	[tilespmem:s3+$0x8880] =	vst.add.f32.msk $0xffff, v11  }
.Ltmp24:
0x63b: {  	[tilespmem:s3+$0x8890] =	vst.add.f32.msk $0xffff, v12;
	(pc) =	sbr.rel @p0 .LBB2_46-.Ltmp24, $4  }
0x63c: {  	[tilespmem:s3+$0x88A0] =	vst.add.f32.msk $0xffff, v13  }
0x63d: {  	[tilespmem:s3+$0x88B0] =	vst.add.f32.msk $0xffff, v14  }
0x63e: {  	[tilespmem:s3+$0x88C0] =	vst.add.f32.msk $0xffff, v15  }
0x63f: {  	s17 =	sadd.s32 $0x2000, s17;
	[tilespmem:s3+$0x88D0] =	vst.add.f32.msk $0xffff, v16  }
0x640: {  	[tilespmem:s3+$0x88E0] =	vst.add.f32.msk $0xffff, v2;
	s3 =	simm.s32 $0x0  }
0x641: {  	v2 =	vld [tilespmem:s3+$0x14970]  }
0x642: {  	v3 =	vld [tilespmem:s3+$0x14500]  }
0x643: {  	v4 =	vld [tilespmem:s3+$0x14510]  }
0x644: {  	v5 =	vld [tilespmem:s3+$0x14520]  }
0x645: {  	v6 =	vld [tilespmem:s3+$0x14530]  }
0x646: {  	v7 =	vld [tilespmem:s3+$0x14540]  }
0x647: {  	v8 =	vld [tilespmem:s3+$0x14550]  }
0x648: {  	v9 =	vld [tilespmem:s3+$0x14560]  }
0x649: {  	v10 =	vld [tilespmem:s3+$0x14570]  }
0x64a: {  	v11 =	vld [tilespmem:s3+$0x14900]  }
0x64b: {  	v12 =	vld [tilespmem:s3+$0x14910]  }
0x64c: {  	v13 =	vld [tilespmem:s3+$0x14920]  }
0x64d: {  	v14 =	vld [tilespmem:s3+$0x14930]  }
0x64e: {  	v15 =	vld [tilespmem:s3+$0x14940]  }
0x64f: {  	v16 =	vld [tilespmem:s3+$0x14950]  }
0x650: {  	[tilespmem:s3+$0x8970] =	vst.add.f32.msk $0xffff, v2  }
0x651: {  	v2 =	vld [tilespmem:s3+$0x14960]  }
0x652: {  	[tilespmem:s3+$0x8500] =	vst.add.f32.msk $0xffff, v3  }
0x653: {  	[tilespmem:s3+$0x8510] =	vst.add.f32.msk $0xffff, v4  }
0x654: {  	[tilespmem:s3+$0x8520] =	vst.add.f32.msk $0xffff, v5  }
0x655: {  	[tilespmem:s3+$0x8530] =	vst.add.f32.msk $0xffff, v6  }
0x656: {  	[tilespmem:s3+$0x8540] =	vst.add.f32.msk $0xffff, v7  }
0x657: {  	[tilespmem:s3+$0x8550] =	vst.add.f32.msk $0xffff, v8  }
0x658: {  	[tilespmem:s3+$0x8560] =	vst.add.f32.msk $0xffff, v9  }
0x659: {  	[tilespmem:s3+$0x8570] =	vst.add.f32.msk $0xffff, v10  }
0x65a: {  	[tilespmem:s3+$0x8900] =	vst.add.f32.msk $0xffff, v11  }
0x65b: {  	[tilespmem:s3+$0x8910] =	vst.add.f32.msk $0xffff, v12  }
0x65c: {  	[tilespmem:s3+$0x8920] =	vst.add.f32.msk $0xffff, v13  }
0x65d: {  	[tilespmem:s3+$0x8930] =	vst.add.f32.msk $0xffff, v14  }
0x65e: {  	[tilespmem:s3+$0x8940] =	vst.add.f32.msk $0xffff, v15  }
0x65f: {  	s22 =	simm.s32 $0x0;
	s17 =	simm.s32 $0x2000;
	[tilespmem:s3+$0x8950] =	vst.add.f32.msk $0xffff, v16  }
.LBB2_48:
0x660: {  	s22 =	sadd.s32 $0x100, s22;
	[tilespmem:s3+$0x8960] =	vst.add.f32.msk $0xffff, v2;
	s3 =	sshra.s32 s17, $0x2  }
0x661: {  	v2 =	vld [tilespmem:s3+$0x14970];
	p0 =	slt.u32 s22, $0x700  }
0x662: {  	v3 =	vld [tilespmem:s3+$0x14500]  }
0x663: {  	v4 =	vld [tilespmem:s3+$0x14510]  }
0x664: {  	v5 =	vld [tilespmem:s3+$0x14520]  }
0x665: {  	v6 =	vld [tilespmem:s3+$0x14530]  }
0x666: {  	[tilespmem:s3+$0x8970] =	vst.add.f32.msk $0xffff, v2  }
0x667: {  	v7 =	vld [tilespmem:s3+$0x14540]  }
0x668: {  	v8 =	vld [tilespmem:s3+$0x14550]  }
0x669: {  	v9 =	vld [tilespmem:s3+$0x14560]  }
0x66a: {  	v10 =	vld [tilespmem:s3+$0x14570]  }
0x66b: {  	v11 =	vld [tilespmem:s3+$0x14900]  }
0x66c: {  	v12 =	vld [tilespmem:s3+$0x14910]  }
0x66d: {  	v13 =	vld [tilespmem:s3+$0x14920]  }
0x66e: {  	v14 =	vld [tilespmem:s3+$0x14930]  }
0x66f: {  	v15 =	vld [tilespmem:s3+$0x14940]  }
0x670: {  	v16 =	vld [tilespmem:s3+$0x14950]  }
0x671: {  	v2 =	vld [tilespmem:s3+$0x14960]  }
0x672: {  	[tilespmem:s3+$0x8500] =	vst.add.f32.msk $0xffff, v3  }
0x673: {  	[tilespmem:s3+$0x8510] =	vst.add.f32.msk $0xffff, v4  }
0x674: {  	[tilespmem:s3+$0x8520] =	vst.add.f32.msk $0xffff, v5  }
0x675: {  	[tilespmem:s3+$0x8530] =	vst.add.f32.msk $0xffff, v6  }
0x676: {  	[tilespmem:s3+$0x8540] =	vst.add.f32.msk $0xffff, v7  }
0x677: {  	[tilespmem:s3+$0x8550] =	vst.add.f32.msk $0xffff, v8  }
0x678: {  	[tilespmem:s3+$0x8560] =	vst.add.f32.msk $0xffff, v9  }
0x679: {  	[tilespmem:s3+$0x8570] =	vst.add.f32.msk $0xffff, v10  }
0x67a: {  	[tilespmem:s3+$0x8900] =	vst.add.f32.msk $0xffff, v11  }
.Ltmp25:
0x67b: {  	[tilespmem:s3+$0x8910] =	vst.add.f32.msk $0xffff, v12;
	(pc) =	sbr.rel @p0 .LBB2_48-.Ltmp25, $4  }
0x67c: {  	[tilespmem:s3+$0x8920] =	vst.add.f32.msk $0xffff, v13  }
0x67d: {  	[tilespmem:s3+$0x8930] =	vst.add.f32.msk $0xffff, v14  }
0x67e: {  	[tilespmem:s3+$0x8940] =	vst.add.f32.msk $0xffff, v15  }
0x67f: {  	s17 =	sadd.s32 $0x2000, s17;
	[tilespmem:s3+$0x8950] =	vst.add.f32.msk $0xffff, v16  }
0x680: {  	[tilespmem:s3+$0x8960] =	vst.add.f32.msk $0xffff, v2;
	s3 =	simm.s32 $0x0  }
0x681: {  	v2 =	vld [tilespmem:s3+$0x149F0]  }
0x682: {  	v3 =	vld [tilespmem:s3+$0x14580]  }
0x683: {  	v4 =	vld [tilespmem:s3+$0x14590]  }
0x684: {  	v5 =	vld [tilespmem:s3+$0x145A0]  }
0x685: {  	v6 =	vld [tilespmem:s3+$0x145B0]  }
0x686: {  	v7 =	vld [tilespmem:s3+$0x145C0]  }
0x687: {  	v8 =	vld [tilespmem:s3+$0x145D0]  }
0x688: {  	v9 =	vld [tilespmem:s3+$0x145E0]  }
0x689: {  	v10 =	vld [tilespmem:s3+$0x145F0]  }
0x68a: {  	v11 =	vld [tilespmem:s3+$0x14980]  }
0x68b: {  	v12 =	vld [tilespmem:s3+$0x14990]  }
0x68c: {  	v13 =	vld [tilespmem:s3+$0x149A0]  }
0x68d: {  	v14 =	vld [tilespmem:s3+$0x149B0]  }
0x68e: {  	v15 =	vld [tilespmem:s3+$0x149C0]  }
0x68f: {  	v16 =	vld [tilespmem:s3+$0x149D0]  }
0x690: {  	[tilespmem:s3+$0x89F0] =	vst.add.f32.msk $0xffff, v2  }
0x691: {  	v2 =	vld [tilespmem:s3+$0x149E0]  }
0x692: {  	[tilespmem:s3+$0x8580] =	vst.add.f32.msk $0xffff, v3  }
0x693: {  	[tilespmem:s3+$0x8590] =	vst.add.f32.msk $0xffff, v4  }
0x694: {  	[tilespmem:s3+$0x85A0] =	vst.add.f32.msk $0xffff, v5  }
0x695: {  	[tilespmem:s3+$0x85B0] =	vst.add.f32.msk $0xffff, v6  }
0x696: {  	[tilespmem:s3+$0x85C0] =	vst.add.f32.msk $0xffff, v7  }
0x697: {  	[tilespmem:s3+$0x85D0] =	vst.add.f32.msk $0xffff, v8  }
0x698: {  	[tilespmem:s3+$0x85E0] =	vst.add.f32.msk $0xffff, v9  }
0x699: {  	[tilespmem:s3+$0x85F0] =	vst.add.f32.msk $0xffff, v10  }
0x69a: {  	[tilespmem:s3+$0x8980] =	vst.add.f32.msk $0xffff, v11  }
0x69b: {  	[tilespmem:s3+$0x8990] =	vst.add.f32.msk $0xffff, v12  }
0x69c: {  	[tilespmem:s3+$0x89A0] =	vst.add.f32.msk $0xffff, v13  }
0x69d: {  	[tilespmem:s3+$0x89B0] =	vst.add.f32.msk $0xffff, v14  }
0x69e: {  	[tilespmem:s3+$0x89C0] =	vst.add.f32.msk $0xffff, v15  }
0x69f: {  	s22 =	simm.s32 $0x0;
	s17 =	simm.s32 $0x2000;
	[tilespmem:s3+$0x89D0] =	vst.add.f32.msk $0xffff, v16  }
.LBB2_50:
0x6a0: {  	s22 =	sadd.s32 $0x100, s22;
	[tilespmem:s3+$0x89E0] =	vst.add.f32.msk $0xffff, v2;
	s3 =	sshra.s32 s17, $0x2  }
0x6a1: {  	v2 =	vld [tilespmem:s3+$0x149F0];
	p0 =	slt.u32 s22, $0x700  }
0x6a2: {  	v3 =	vld [tilespmem:s3+$0x14580]  }
0x6a3: {  	v4 =	vld [tilespmem:s3+$0x14590]  }
0x6a4: {  	v5 =	vld [tilespmem:s3+$0x145A0]  }
0x6a5: {  	v6 =	vld [tilespmem:s3+$0x145B0]  }
0x6a6: {  	[tilespmem:s3+$0x89F0] =	vst.add.f32.msk $0xffff, v2  }
0x6a7: {  	v7 =	vld [tilespmem:s3+$0x145C0]  }
0x6a8: {  	v8 =	vld [tilespmem:s3+$0x145D0]  }
0x6a9: {  	v9 =	vld [tilespmem:s3+$0x145E0]  }
0x6aa: {  	v10 =	vld [tilespmem:s3+$0x145F0]  }
0x6ab: {  	v11 =	vld [tilespmem:s3+$0x14980]  }
0x6ac: {  	v12 =	vld [tilespmem:s3+$0x14990]  }
0x6ad: {  	v13 =	vld [tilespmem:s3+$0x149A0]  }
0x6ae: {  	v14 =	vld [tilespmem:s3+$0x149B0]  }
0x6af: {  	v15 =	vld [tilespmem:s3+$0x149C0]  }
0x6b0: {  	v16 =	vld [tilespmem:s3+$0x149D0]  }
0x6b1: {  	v2 =	vld [tilespmem:s3+$0x149E0]  }
0x6b2: {  	[tilespmem:s3+$0x8580] =	vst.add.f32.msk $0xffff, v3  }
0x6b3: {  	[tilespmem:s3+$0x8590] =	vst.add.f32.msk $0xffff, v4  }
0x6b4: {  	[tilespmem:s3+$0x85A0] =	vst.add.f32.msk $0xffff, v5  }
0x6b5: {  	[tilespmem:s3+$0x85B0] =	vst.add.f32.msk $0xffff, v6  }
0x6b6: {  	[tilespmem:s3+$0x85C0] =	vst.add.f32.msk $0xffff, v7  }
0x6b7: {  	[tilespmem:s3+$0x85D0] =	vst.add.f32.msk $0xffff, v8  }
0x6b8: {  	[tilespmem:s3+$0x85E0] =	vst.add.f32.msk $0xffff, v9  }
0x6b9: {  	[tilespmem:s3+$0x85F0] =	vst.add.f32.msk $0xffff, v10  }
0x6ba: {  	[tilespmem:s3+$0x8980] =	vst.add.f32.msk $0xffff, v11  }
.Ltmp26:
0x6bb: {  	[tilespmem:s3+$0x8990] =	vst.add.f32.msk $0xffff, v12;
	(pc) =	sbr.rel @p0 .LBB2_50-.Ltmp26, $4  }
0x6bc: {  	[tilespmem:s3+$0x89A0] =	vst.add.f32.msk $0xffff, v13  }
0x6bd: {  	[tilespmem:s3+$0x89B0] =	vst.add.f32.msk $0xffff, v14  }
0x6be: {  	[tilespmem:s3+$0x89C0] =	vst.add.f32.msk $0xffff, v15  }
0x6bf: {  	s17 =	sadd.s32 $0x2000, s17;
	[tilespmem:s3+$0x89D0] =	vst.add.f32.msk $0xffff, v16  }
0x6c0: {  	[tilespmem:s3+$0x89E0] =	vst.add.f32.msk $0xffff, v2;
	p0 =	slt.u32 s29, $0x14;
	s0 =	sadd.s32 s2, s0  }
0x6c1: {  	[hbm4b:s0+s4] =	stream.linear.scatter [tilespmem:s14], [sflag:$0x9], $0x4000, $0x38;
	[tilespmem:$0x18200] =	vst v63  }
0x6c2: {  	v2 =	vld.msk @p0 [tilespmem:s31+$0x28], $0xff;
	_ =	sdelay $0x4  }
0x6c3: {  	v3 =	vshll.u32 @p0 v2, $0x4  }
0x6c4: {  	v4 =	vlaneseq.u32 @p0;
	v2 =	vand.u32 @p0 $0x7, v2;
	v3 =	vand.u32 @p0 $0xFFFFFF80, v3  }
0x6c5: {  	v2 =	vor.u32 @p0 v2, v3;
	v3 =	vand.u32 @p0 $0x7, v4;
	v4 =	vshrl.u32 @p0 v4, $0x3  }
0x6c6: {  	v2 =	vperm.xlane @p0 v2, v3;
	v3 =	vmul.u32 @p0 $0x8, v4;
	_ =	sdelay $0x1  }
0x6c7: {  	v2 =	vadd.s32 @p0 v3, v2;
	_ =	sdelay $0x3  }
0x6c8: {  	vm1 =	vmmov @p0 $0xffff;
	s0 =	simm.s32 @p0 $0x0;
	s3 =	simm.s32 @p0 $0x14200  }
0x6c9: {  	[tilespmem:s3], [sflag:$0x3] =	stream.indirect_vreg.gather @p0 [hbm4b:s5+s0], $0x80, v2, vm1, $0xb8;
	[tilespmem:$0x18200] =	vst v63  }
0x6ca: {  	s3 =	simm.s32 @p0 $0x14A00  }
0x6cb: {  	[tilespmem:s3], [sflag:$0x3] =	stream.indirect_vreg.gather @p0 [hbm4b:s7+s0], $0x80, v2, vm1, $0xb8;
	[tilespmem:$0x18200] =	vst v63  }
0x6cc: {  	s3 =	simm.s32 @p0 $0x15200  }
0x6cd: {  	[tilespmem:s3], [sflag:$0x3] =	stream.indirect_vreg.gather @p0 [hbm4b:s8+s0], $0x80, v2, vm1, $0xb8;
	[tilespmem:$0x18200] =	vst v63  }
0x6ce: {  	s3 =	simm.s32 @p0 $0x15A00  }
0x6cf: {  	[tilespmem:s3], [sflag:$0x3] =	stream.indirect_vreg.gather @p0 [hbm4b:s10+s0], $0x80, v2, vm1, $0xb8;
	[tilespmem:$0x18200] =	vst v63  }
0x6d0: {  	s3 =	simm.s32 @p0 $0x16200  }
0x6d1: {  	[tilespmem:s3], [sflag:$0x3] =	stream.indirect_vreg.gather @p0 [hbm4b:s11+s0], $0x80, v2, vm1, $0xb8;
	[tilespmem:$0x18200] =	vst v63  }
0x6d2: {  	s3 =	simm.s32 @p0 $0x16A00  }
0x6d3: {  	[tilespmem:s3], [sflag:$0x3] =	stream.indirect_vreg.gather @p0 [hbm4b:s12+s0], $0x80, v2, vm1, $0xb8;
	[tilespmem:$0x18200] =	vst v63  }
0x6d4: {  	s3 =	simm.s32 @p0 $0x17200  }
0x6d5: {  	[tilespmem:s3], [sflag:$0x3] =	stream.indirect_vreg.gather @p0 [hbm4b:s13+s0], $0x80, v2, vm1, $0xb8;
	[tilespmem:$0x18200] =	vst v63  }
0x6d6: {  	s3 =	simm.s32 @p0 $0x17A00  }
0x6d7: {  	[tilespmem:s3], [sflag:$0x3] =	stream.indirect_vreg.gather @p0 [hbm4b:s15+s0], $0x80, v2, vm1, $0xb8;
	[tilespmem:$0x18200] =	vst v63  }
0x6d8: {  	s3 =	simm.s32 @p0 $0x8  }
0x6d9: {  	s29 =	sadd.s32 $0x1, s29;
	s17 =	sadd.s32 @p0 s30, s19;
	_ =	swait.ge @p0 [sflag:s3], $0x4000  }
0x6da: {  	p1 =	sne.s32 s29, $0x16;
	s17 =	sshrl.u32 @p0 s17, $0x3;
	[sflag:s3] =	ssyncset.done @p0 $0x0  }
0x6db: {  	[sflag:s3] =	ssyncadd.s32 @p0 $0xFFFFC000;
	s3 =	sadd.s32 @p0 s1, s17;
	s17 =	simm.s32 @p0 $0x4200  }
0x6dc: {  	[tilespmem:s17], [sflag:$0x5] =	stream.linear.gather @p0 [hbm4b:s3+s0], $0x4000, $0x38;
	[tilespmem:$0x18200] =	vst v63  }
.Ltmp27:
0x6dd: {  	_ = 	snop;
	(pc) =	sbr.rel @p1 .LBB2_2-.Ltmp27, $4  }
.Ltmp28:
0x6de: {  	s0 =	simm.s32 @!p0 $0x8;
	(pc) =	sbr.rel @!p1 .LBB2_52-.Ltmp28, $4  }
0x6df: {  	_ =	swait.ge @!p0 [sflag:s0], $0x4000  }
0x6e0: {  	[sflag:s0] =	ssyncset.done @!p0 $0x0  }
0x6e1: {  	[sflag:s0] =	ssyncadd.s32 @!p0 $0xFFFFC000  }
0x6e2: {  	_ = 	snop  }
.LBB2_53:
0x6e3: {  	_ =	sfence.sel $0x180000  }
0x6e4: {  	[bflag:$0x0] =	sbarrier.arrive $0xFFFF  }
0x6e5: {  	_ =	strace $0x90000047  }
0x6e6: {  	s0 =	stileid.u32;
	[bflag:$0x2] =	sbarrier.arrive $0xFFFF  }
0x6e7: {  	p0 =	sne.s32 s0, $0x0;
	s0 =	rddreg [dreg:$0x4]  }
0x6e8: {  	s0 =	sadd.s32 @!p0 $0x100000, s0  }
0x6e9: {  	[sflag:s0] =	ssyncadd.tile.s32 @!p0 $0x1;
	_ =	shalt  }
.Lfunc_end2:
_tile_overlayer_lowered:
.L_overlay_start_2:
0x6ea: {  	(tag) =	ssettag $0x2  }
0x6eb: {  	s0 =	rddreg [dreg:$0x0];
	s2 =	stileid.u32  }
0x6ec: {  	s1 =	rddreg [dreg:$0x1];
	p0 =	sne.s32 s2, $0x0  }
0x6ed: {  	s3 =	rddreg [dreg:$0x2];
	[bflag:$0x3] =	sbarrier.arrive $0xFFFF;
	s2 =	simm.s32 @!p0 $0x1C0A  }
0x6ee: {  	[timem:s3], [sflag:s2] =	dma.local @!p0 [hbm:s0], s1  }
0x6ef: {  	s0 =	simm.s32 @!p0 $0xA  }
0x6f0: {  	_ =	swait.ge @!p0 [sflag:s0], s1  }
0x6f1: {  	s1 =	ssub.s32 @!p0 $0x0, s1;
	[sflag:s0] =	ssyncset.done @!p0 $0x0  }
0x6f2: {  	[sflag:s0] =	ssyncadd.s32 @!p0 s1  }
0x6f3: {  	[bflag:$0x3] =	sbarrier.arrive $0xFFFF  }
0x6f4: {  	_ =	shalt  }

</sc_bundles>
